<compile_context>
chip_gen: v7x
topology: tpu7x:2x2x1
jax: 0.10.2.dev20260603
libtpu: 0.0.44.dev20260713+nightly
codegen_flags: <defaults>
</compile_context>

<pallas_src>
import functools

import jax
import jax.numpy as jnp
from jax import lax
from jax.experimental import pallas as pl
from jax.experimental.pallas import tpu as pltpu
from jax.experimental.pallas import tpu_sc as plsc

_N_NODES = 10000
_N_REL2 = 512
_N_EDGES = 320000
_H = 128

_NC = 2
_NS = 16
_E_SC = _N_EDGES // _NC
_E_TILE = _E_SC // _NS
_CHUNKS = 5
_CH_NODES = 2048
_N_PAD = _CHUNKS * _CH_NODES
_CH_WORDS = _CH_NODES * _N_REL2
_SLICE = _CH_WORDS // _NS
_GARB = 4096
_PAD_E = 10112
_ZB = 8192
_NBLK = _N_PAD // 128
_QSL = 128 * 128
_E_WIN = _E_TILE + 240


def _hist_body(edge_hbm, relid_hbm, c_hbm, buf2, buf_r, idx1, ones1, zb, shared):
    c = lax.axis_index("c")
    s = lax.axis_index("s")
    base = c * _E_SC + s * _E_TILE
    off = s * 16
    pltpu.sync_copy(
        edge_hbm.at[:, pl.ds(pl.multiple_of(base - off, 128), _E_WIN)], buf2)
    pltpu.sync_copy(relid_hbm.at[pl.ds(base, _E_TILE)], buf_r)

    one16 = jnp.full((16,), 1.0, jnp.float32)

    def f_ones(i, carry):
        ones1[pl.ds(i * 16, 16)] = one16
        return carry

    lax.fori_loop(0, _PAD_E // 16, f_ones, 0)

    def f_flat(i, carry):
        d = buf2[1, pl.ds(off + i * 16, 16)]
        r = buf_r[pl.ds(i * 16, 16)]
        buf2[1, pl.ds(off + i * 16, 16)] = d * _N_REL2 + r
        return carry

    lax.fori_loop(0, _E_TILE // 16, f_flat, 0)

    zero16 = jnp.zeros((16,), jnp.float32)

    def f_zb(i, carry):
        zb[pl.ds(i * 16, 16)] = zero16
        return carry

    lax.fori_loop(0, _ZB // 16, f_zb, 0)

    lanes = lax.iota(jnp.int32, 16)

    def f_pad(i, carry):
        j = _E_TILE + i * 16
        idx1[pl.ds(j, 16)] = _CH_WORDS + ((j + lanes) & (_GARB - 1))
        return carry

    lax.fori_loop(0, (_PAD_E - _E_TILE) // 16, f_pad, 0)

    for ch in range(_CHUNKS):
        flo = ch * _CH_WORDS
        for z in range(_SLICE // _ZB):
            pltpu.sync_copy(zb, shared.at[pl.ds(s * _SLICE + z * _ZB, _ZB)])
        plsc.subcore_barrier()

        def f_idx(i, carry):
            f = buf2[1, pl.ds(off + i * 16, 16)] - flo
            m = (f >= 0) & (f < _CH_WORDS)
            qoff = (
                lax.shift_left((lax.shift_right_logical(f, 7)) & 3, 18)
                + lax.shift_left(lax.shift_right_logical(f, 9), 7)
                + (f & 127)
            )
            gi = _CH_WORDS + (f & (_GARB - 1))
            idx1[pl.ds(i * 16, 16)] = jnp.where(m, qoff, gi)
            return carry

        lax.fori_loop(0, _E_TILE // 16, f_idx, 0)

        pltpu.sync_copy(ones1, shared.at[idx1], add=True)
        plsc.subcore_barrier()
        for q in range(4):
            src_off = q * (_CH_NODES * 128) + s * _QSL
            dst_off = ((c * 4 + q) * _N_PAD + ch * _CH_NODES + s * 128) * 128
            pltpu.sync_copy(shared.at[pl.ds(src_off, _QSL)],
                            c_hbm.at[pl.ds(dst_off, _QSL)])


_hist = pl.kernel(
    _hist_body,
    out_type=jax.ShapeDtypeStruct((_NC * _NBLK * _SLICE,), jnp.float32),
    mesh=plsc.VectorSubcoreMesh(core_axis_name="c", subcore_axis_name="s"),
    scratch_types=[
        pltpu.VMEM((2, _E_WIN), jnp.int32),
        pltpu.VMEM((_E_TILE,), jnp.int32),
        pltpu.VMEM((_PAD_E,), jnp.int32),
        pltpu.VMEM((_PAD_E,), jnp.float32),
        pltpu.VMEM((_ZB,), jnp.float32),
        pltpu.VMEM_SHARED((_CH_WORDS + _GARB,), jnp.float32),
    ],
)


def _smat_body(ent_ref, rel_ref, s_ref):
    dflt = lax.Precision.DEFAULT
    ent = ent_ref[...]
    ent_h = ent.astype(jnp.bfloat16)
    ent_l = (ent - ent_h.astype(jnp.float32)).astype(jnp.bfloat16)
    rel = rel_ref[...]
    rel_h = rel.astype(jnp.bfloat16)
    rel_l = (rel - rel_h.astype(jnp.float32)).astype(jnp.bfloat16)
    dn = (((1,), (1,)), ((), ()))
    s = lax.dot_general(ent_h, rel_h, dn, precision=dflt,
                        preferred_element_type=jnp.float32)
    s_ref[...] = s + (
        lax.dot_general(ent_h, rel_l, dn, precision=dflt,
                        preferred_element_type=jnp.float32)
        + lax.dot_general(ent_l, rel_h, dn, precision=dflt,
                          preferred_element_type=jnp.float32))


def _smat(ent_pad, rel_emb):
    return pl.pallas_call(
        _smat_body,
        grid=(_N_PAD // _BN,),
        in_specs=[
            pl.BlockSpec((_BN, _H), lambda i: (i, 0)),
            pl.BlockSpec((_N_REL2, _H), lambda i: (0, 0)),
        ],
        out_specs=pl.BlockSpec((_BN, _N_REL2), lambda i: (i, 0)),
        out_shape=jax.ShapeDtypeStruct((_N_PAD, _N_REL2), jnp.float32),
    )(ent_pad, rel_emb)


def _dense_body(s_ref, rel_ref, w_ref, *c_refs_and_out):
    c_refs = c_refs_and_out[:-1]
    out_ref = c_refs_and_out[-1]
    dflt = lax.Precision.DEFAULT

    cq, sq = [], []
    neg_inf = jnp.float32(-jnp.inf)
    m = None
    for q in range(4):
        s = s_ref[:, pl.ds(q * _H, _H)]
        c = c_refs[q][0, 0] + c_refs[4 + q][0, 0]
        mq = jnp.max(jnp.where(c > 0, s, neg_inf), axis=1, keepdims=True)
        m = mq if m is None else jnp.maximum(m, mq)
        cq.append(c)
        sq.append(s)

    m = jnp.where(jnp.isfinite(m), m, 0.0)
    h = None
    denom = None
    for q in range(4):
        rel_q = rel_ref[pl.ds(q * _H, _H), :]
        a = cq[q] * jnp.exp(jnp.minimum(sq[q] - m, 0.0))
        dq = jnp.sum(a, axis=1, keepdims=True)
        denom = dq if denom is None else denom + dq
        hq = lax.dot_general(a, rel_q, (((1,), (0,)), ((), ())),
                             precision=dflt, preferred_element_type=jnp.float32)
        h = hq if h is None else h + hq
    neigh = h / (denom + 1e-16)
    out_ref[...] = jnp.tanh(
        lax.dot_general(neigh, w_ref[...], (((1,), (0,)), ((), ())),
                        precision=dflt, preferred_element_type=jnp.float32))


_BN = 1024


def _dense(s_all, rel_emb, neigh_w, counts):
    return pl.pallas_call(
        _dense_body,
        grid=(_N_PAD // _BN,),
        in_specs=[
            pl.BlockSpec((_BN, _N_REL2), lambda i: (i, 0)),
            pl.BlockSpec((_N_REL2, _H), lambda i: (0, 0)),
            pl.BlockSpec((_H, _H), lambda i: (0, 0)),
        ] + [
            pl.BlockSpec((1, 1, _BN, 128),
                         (lambda c, q: (lambda i: (c, q, i, 0)))(c, q))
            for c in range(2) for q in range(4)
        ],
        out_specs=pl.BlockSpec((_BN, _H), lambda i: (i, 0)),
        out_shape=jax.ShapeDtypeStruct((_N_NODES, _H), jnp.float32),
    )(s_all, rel_emb, neigh_w, *([counts] * 8))


@jax.jit
def kernel(ent_emb, rel_emb, neigh_w, edge_index, rel_id):
    cp = _hist(edge_index, rel_id).reshape(_NC, 4, _N_PAD, 128)
    s_all = _smat(ent_emb, rel_emb)
    return _dense(s_all, rel_emb, neigh_w, cp)

# --- scband reference (transcript-rebuilt; emitter-appended) ---
"""Pipeline reference for scband-edge-layer-13134009991287 (READ-ONLY COPY).

The authoritative reference and input builder live on the scoring server;
editing this copy changes nothing except your own understanding.
"""

import jax, jax.numpy as jnp
import numpy as np

N_NODES = 10000
N_EDGES = 320000
H_DIM = 128
N_REL = 256


def setup_inputs(seed: int = 0) -> dict:
    key = jax.random.key(seed)
    k1, k2, k3, k4, k5 = jax.random.split(key, 5)
    ent_emb = jax.random.normal(k1, (N_NODES, H_DIM), dtype=jnp.float32)
    rel_emb = jax.random.normal(k2, (2 * N_REL, H_DIM), dtype=jnp.float32)
    neigh_w = jax.random.normal(k3, (H_DIM, H_DIM), dtype=jnp.float32) * (1.0 / np.sqrt(H_DIM))
    edge_index = jax.random.randint(k4, (2, N_EDGES), 0, N_NODES)
    rel_id = jax.random.randint(k5, (N_EDGES,), 0, 2 * N_REL)
    return {"ent_emb": ent_emb, "rel_emb": rel_emb, "neigh_w": neigh_w, "edge_index": edge_index, "rel_id": rel_id}


def _segment_softmax(scores, seg, num_segments):
    seg_max = jax.ops.segment_max(scores, seg, num_segments=num_segments)
    seg_max = jnp.where(jnp.isfinite(seg_max), seg_max, 0.0)
    ex = jnp.exp(scores - seg_max[seg])
    denom = jax.ops.segment_sum(ex, seg, num_segments=num_segments)
    return ex / (denom[seg] + 1e-16)


def reference(ent_emb, rel_emb, neigh_w, edge_index, rel_id):
    # kg.edata['emb'] = rel_emb[rel_id]  (gather)
    e_emb = jnp.take(rel_emb, rel_id, axis=0)
    dst = edge_index[1]
    # fn.e_dot_v('emb','emb','norm'): dot(edge_emb, dst_node_emb) per edge
    norm = jnp.sum(e_emb * jnp.take(ent_emb, dst, axis=0), axis=-1)
    # dgl.ops.edge_softmax over incoming edges grouped by dst node
    norm = _segment_softmax(norm, dst, N_NODES)
    # kg.edata['emb'] = emb * norm; update_all(copy_e, sum) -> scatter-add by dst
    msg = e_emb * norm[:, None]
    neigh = jax.ops.segment_sum(msg, dst, num_segments=N_NODES)
    # neigh @ W, tanh (bn disabled)
    out = jnp.tanh(neigh @ neigh_w)
    return out

if __name__ == "__main__":
    import jax
    _d = setup_inputs()
    print(jax.jit(kernel)(*tuple(_d.values())))

</pallas_src>

<mosaic_0001>
#map = affine_map<(d0, d1) -> (0, 0)>
#map1 = affine_map<(d0, d1) -> (0)>
module attributes {stable_mosaic.version = 14 : i64} {
  func.func @_hist_body(%arg0: i32, %arg1: i32, %arg2: memref<2x320000xi32, #tpu.memory_space<hbm>>, %arg3: memref<320000xi32, #tpu.memory_space<hbm>>, %arg4: memref<10485760xf32, #tpu.memory_space<hbm>>, %arg5: memref<2x10240xi32, #tpu.memory_space<vmem>>, %arg6: memref<10000xi32, #tpu.memory_space<vmem>>, %arg7: memref<10112xi32, #tpu.memory_space<vmem>>, %arg8: memref<10112xf32, #tpu.memory_space<vmem>>, %arg9: memref<8192xf32, #tpu.memory_space<vmem>>, %arg10: memref<1052672xf32, #tpu.memory_space<vmem_shared>>) attributes {dimension_semantics = [#tpu.dimension_semantics<core_parallel>, #tpu.dimension_semantics<subcore_parallel>], iteration_bounds = array<i64: 2, 16>, scalar_prefetch = 0 : i64, scratch_operands = 6 : i64, tpu.core_type = #tpu.core_type<sc_vector_subcore>, window_params = [{transform_indices = #map}, {transform_indices = #map1}, {transform_indices = #map1}]} {
    %mul3A = arith.constant 160000 : i32
    %mul3A_0 = arith.muli %arg0, %mul3A : i32
    %mul3A_1 = arith.constant 10000 : i32
    %mul3A_2 = arith.muli %arg1, %mul3A_1 : i32
    %add3A = arith.addi %mul3A_0, %mul3A_2 : i32
    %mul3A_3 = arith.constant 16 : i32
    %mul3A_4 = arith.muli %arg1, %mul3A_3 : i32
    %sub3A = arith.subi %add3A, %mul3A_4 : i32
    %multiple_of3A = tpu.assume_multiple %sub3A, 128 : i32
    "tpu.region"() ({
      %run_scoped3A = tpu.sem_alloc : memref<!tpu.dma_semaphore, #tpu.memory_space<semaphore_mem>>
      %dma_start3A = arith.constant 0 : i32
      %dma_start3A_570 = tpu.memref_slice %arg2[%dma_start3A, %multiple_of3A] : memref<2x320000xi32, #tpu.memory_space<hbm>> -> memref<2x10240xi32, #tpu.memory_space<hbm>>
      %dma_start3A_571 = arith.constant 0 : i32
      %dma_start3A_572 = tpu.memref_slice %arg2[%dma_start3A_571, %multiple_of3A] : memref<2x320000xi32, #tpu.memory_space<hbm>> -> memref<2x10240xi32, #tpu.memory_space<hbm>>
      tpu.enqueue_dma source(%dma_start3A_572 : memref<2x10240xi32, #tpu.memory_space<hbm>>) target(%arg5 : memref<2x10240xi32, #tpu.memory_space<vmem>>) target_semaphore(%run_scoped3A : memref<!tpu.dma_semaphore, #tpu.memory_space<semaphore_mem>>)
      %dma_wait3A = arith.constant 0 : i32
      %dma_wait3A_573 = tpu.memref_slice %arg2[%dma_wait3A, %multiple_of3A] : memref<2x320000xi32, #tpu.memory_space<hbm>> -> memref<2x10240xi32, #tpu.memory_space<hbm>>
      %dma_wait3A_574 = arith.constant 0 : i32
      %dma_wait3A_575 = tpu.memref_slice %arg2[%dma_wait3A_574, %multiple_of3A] : memref<2x320000xi32, #tpu.memory_space<hbm>> -> memref<2x10240xi32, #tpu.memory_space<hbm>>
      tpu.wait_dma2 semaphore(%run_scoped3A : memref<!tpu.dma_semaphore, #tpu.memory_space<semaphore_mem>>) src(%dma_wait3A_575 : memref<2x10240xi32, #tpu.memory_space<hbm>>) dst(%arg5 : memref<2x10240xi32, #tpu.memory_space<vmem>>)
      tpu.yield
    }) : () -> ()
    "tpu.region"() ({
      %run_scoped3A = tpu.sem_alloc : memref<!tpu.dma_semaphore, #tpu.memory_space<semaphore_mem>>
      %dma_start3A = tpu.memref_slice %arg3[%add3A] : memref<320000xi32, #tpu.memory_space<hbm>> -> memref<10000xi32, #tpu.memory_space<hbm>>
      %dma_start3A_570 = tpu.memref_slice %arg3[%add3A] : memref<320000xi32, #tpu.memory_space<hbm>> -> memref<10000xi32, #tpu.memory_space<hbm>>
      tpu.enqueue_dma source(%dma_start3A_570 : memref<10000xi32, #tpu.memory_space<hbm>>) target(%arg6 : memref<10000xi32, #tpu.memory_space<vmem>>) target_semaphore(%run_scoped3A : memref<!tpu.dma_semaphore, #tpu.memory_space<semaphore_mem>>)
      %dma_wait3A = tpu.memref_slice %arg3[%add3A] : memref<320000xi32, #tpu.memory_space<hbm>> -> memref<10000xi32, #tpu.memory_space<hbm>>
      %dma_wait3A_571 = tpu.memref_slice %arg3[%add3A] : memref<320000xi32, #tpu.memory_space<hbm>> -> memref<10000xi32, #tpu.memory_space<hbm>>
      tpu.wait_dma2 semaphore(%run_scoped3A : memref<!tpu.dma_semaphore, #tpu.memory_space<semaphore_mem>>) src(%dma_wait3A_571 : memref<10000xi32, #tpu.memory_space<hbm>>) dst(%arg6 : memref<10000xi32, #tpu.memory_space<vmem>>)
      tpu.yield
    }) : () -> ()
    %broadcast_in_dim3A = arith.constant 1.000000e+00 : f32
    %broadcast_in_dim3A_5 = vector.broadcast %broadcast_in_dim3A : f32 to vector<16xf32>
    %scan3A = arith.constant 0 : i32
    %scan3A_6 = arith.constant 0 : i32
    %scan3A_7 = arith.constant 632 : i32
    %scan3A_8 = arith.addi %scan3A_6, %scan3A_7 : i32
    %scan3A_9 = arith.constant 1 : i32
    scf.for %scan3A_570 = %scan3A_6 to %scan3A_8 step %scan3A_9  : i32 {
      %mul3A_571 = arith.constant 16 : i32
      %mul3A_572 = arith.muli %scan3A_570, %mul3A_571 : i32
      %swap3A = arith.index_cast %mul3A_572 : i32 to index
      %swap3A_573 = tpu.vector_load %arg8[%swap3A] {strides = array<i32>} : memref<10112xf32, #tpu.memory_space<vmem>>, vector<16xf32>,
      %swap3A_574 = vector.shape_cast %swap3A_573 : vector<16xf32> to vector<16xf32>
      %swap3A_575 = vector.shape_cast %broadcast_in_dim3A_5 : vector<16xf32> to vector<16xf32>
      tpu.vector_store %arg8[%swap3A], %swap3A_575 {strides = array<i32>} : memref<10112xf32, #tpu.memory_space<vmem>>, vector<16xf32>,
    }
    %scan3A_10 = arith.constant 632 : i32
    %scan3A_11 = arith.constant 0 : i32
    %scan3A_12 = arith.constant 0 : i32
    %scan3A_13 = arith.constant 625 : i32
    %scan3A_14 = arith.addi %scan3A_12, %scan3A_13 : i32
    %scan3A_15 = arith.constant 1 : i32
    scf.for %scan3A_570 = %scan3A_12 to %scan3A_14 step %scan3A_15  : i32 {
      %mul3A_571 = arith.constant 16 : i32
      %mul3A_572 = arith.muli %scan3A_570, %mul3A_571 : i32
      %add3A_573 = arith.addi %mul3A_4, %mul3A_572 : i32
      %get3A = arith.constant 1 : i32
      %get3A_574 = arith.index_cast %get3A : i32 to index
      %get3A_575 = arith.index_cast %add3A_573 : i32 to index
      %get3A_576 = tpu.vector_load %arg5[%get3A_574, %get3A_575] {strides = array<i32>} : memref<2x10240xi32, #tpu.memory_space<vmem>>, vector<1x16xi32>,
      %get3A_577 = vector.shape_cast %get3A_576 : vector<1x16xi32> to vector<16xi32>
      %mul3A_578 = arith.constant 16 : i32
      %mul3A_579 = arith.muli %scan3A_570, %mul3A_578 : i32
      %get3A_580 = arith.index_cast %mul3A_579 : i32 to index
      %get3A_581 = tpu.vector_load %arg6[%get3A_580] {strides = array<i32>} : memref<10000xi32, #tpu.memory_space<vmem>>, vector<16xi32>,
      %get3A_582 = vector.shape_cast %get3A_581 : vector<16xi32> to vector<16xi32>
      %mul3A_583 = arith.constant 512 : i32
      %mul3A_584 = vector.broadcast %mul3A_583 : i32 to vector<16xi32>
      %mul3A_585 = arith.muli %get3A_577, %mul3A_584 : vector<16xi32>
      %add3A_586 = arith.addi %mul3A_585, %get3A_582 : vector<16xi32>
      %mul3A_587 = arith.constant 16 : i32
      %mul3A_588 = arith.muli %scan3A_570, %mul3A_587 : i32
      %add3A_589 = arith.addi %mul3A_4, %mul3A_588 : i32
      %swap3A = arith.constant 1 : i32
      %swap3A_590 = arith.index_cast %swap3A : i32 to index
      %swap3A_591 = arith.index_cast %add3A_589 : i32 to index
      %swap3A_592 = tpu.vector_load %arg5[%swap3A_590, %swap3A_591] {strides = array<i32>} : memref<2x10240xi32, #tpu.memory_space<vmem>>, vector<1x16xi32>,
      %swap3A_593 = vector.shape_cast %swap3A_592 : vector<1x16xi32> to vector<16xi32>
      %swap3A_594 = vector.shape_cast %add3A_586 : vector<16xi32> to vector<1x16xi32>
      tpu.vector_store %arg5[%swap3A_590, %swap3A_591], %swap3A_594 {strides = array<i32>} : memref<2x10240xi32, #tpu.memory_space<vmem>>, vector<1x16xi32>,
    }
    %scan3A_16 = arith.constant 625 : i32
    %broadcast_in_dim3A_17 = arith.constant 0.000000e+00 : f32
    %broadcast_in_dim3A_18 = vector.broadcast %broadcast_in_dim3A_17 : f32 to vector<16xf32>
    %scan3A_19 = arith.constant 0 : i32
    %scan3A_20 = arith.constant 0 : i32
    %scan3A_21 = arith.constant 512 : i32
    %scan3A_22 = arith.addi %scan3A_20, %scan3A_21 : i32
    %scan3A_23 = arith.constant 1 : i32
    scf.for %scan3A_570 = %scan3A_20 to %scan3A_22 step %scan3A_23  : i32 {
      %mul3A_571 = arith.constant 16 : i32
      %mul3A_572 = arith.muli %scan3A_570, %mul3A_571 : i32
      %swap3A = arith.index_cast %mul3A_572 : i32 to index
      %swap3A_573 = tpu.vector_load %arg9[%swap3A] {strides = array<i32>} : memref<8192xf32, #tpu.memory_space<vmem>>, vector<16xf32>,
      %swap3A_574 = vector.shape_cast %swap3A_573 : vector<16xf32> to vector<16xf32>
      %swap3A_575 = vector.shape_cast %broadcast_in_dim3A_18 : vector<16xf32> to vector<16xf32>
      tpu.vector_store %arg9[%swap3A], %swap3A_575 {strides = array<i32>} : memref<8192xf32, #tpu.memory_space<vmem>>, vector<16xf32>,
    }
    %scan3A_24 = arith.constant 512 : i32
    %iota3A = tpu.iota {dimensions = array<i32: 0>} : vector<16xi32>
    %scan3A_25 = arith.constant 0 : i32
    %scan3A_26 = arith.constant 0 : i32
    %scan3A_27 = arith.constant 7 : i32
    %scan3A_28 = arith.addi %scan3A_26, %scan3A_27 : i32
    %scan3A_29 = arith.constant 1 : i32
    scf.for %scan3A_570 = %scan3A_26 to %scan3A_28 step %scan3A_29  : i32 {
      %mul3A_571 = arith.constant 16 : i32
      %mul3A_572 = arith.muli %scan3A_570, %mul3A_571 : i32
      %add3A_573 = arith.constant 10000 : i32
      %add3A_574 = arith.addi %add3A_573, %mul3A_572 : i32
      %add3A_575 = vector.broadcast %add3A_574 : i32 to vector<16xi32>
      %add3A_576 = arith.addi %add3A_575, %iota3A : vector<16xi32>
      %and3A = arith.constant 4095 : i32
      %and3A_577 = vector.broadcast %and3A : i32 to vector<16xi32>
      %and3A_578 = arith.andi %add3A_576, %and3A_577 : vector<16xi32>
      %add3A_579 = arith.constant 1048576 : i32
      %add3A_580 = vector.broadcast %add3A_579 : i32 to vector<16xi32>
      %add3A_581 = arith.addi %add3A_580, %and3A_578 : vector<16xi32>
      %swap3A = arith.index_cast %add3A_574 : i32 to index
      %swap3A_582 = tpu.vector_load %arg7[%swap3A] {strides = array<i32>} : memref<10112xi32, #tpu.memory_space<vmem>>, vector<16xi32>,
      %swap3A_583 = vector.shape_cast %swap3A_582 : vector<16xi32> to vector<16xi32>
      %swap3A_584 = vector.shape_cast %add3A_581 : vector<16xi32> to vector<16xi32>
      tpu.vector_store %arg7[%swap3A], %swap3A_584 {strides = array<i32>} : memref<10112xi32, #tpu.memory_space<vmem>>, vector<16xi32>,
    }
    %scan3A_30 = arith.constant 7 : i32
    %mul3A_31 = arith.constant 65536 : i32
    %mul3A_32 = arith.muli %arg1, %mul3A_31 : i32
    %add3A_33 = arith.constant 0 : i32
    %add3A_34 = arith.addi %mul3A_32, %add3A_33 : i32
    "tpu.region"() ({
      %run_scoped3A = tpu.sem_alloc : memref<!tpu.dma_semaphore, #tpu.memory_space<semaphore_mem>>
      %dma_start3A = tpu.memref_slice %arg10[%add3A_34] : memref<1052672xf32, #tpu.memory_space<vmem_shared>> -> memref<8192xf32, #tpu.memory_space<vmem_shared>>
      %dma_start3A_570 = tpu.memref_slice %arg10[%add3A_34] : memref<1052672xf32, #tpu.memory_space<vmem_shared>> -> memref<8192xf32, #tpu.memory_space<vmem_shared>>
      tpu.enqueue_dma source(%arg9 : memref<8192xf32, #tpu.memory_space<vmem>>) target(%dma_start3A_570 : memref<8192xf32, #tpu.memory_space<vmem_shared>>) target_semaphore(%run_scoped3A : memref<!tpu.dma_semaphore, #tpu.memory_space<semaphore_mem>>)
      %dma_wait3A = tpu.memref_slice %arg10[%add3A_34] : memref<1052672xf32, #tpu.memory_space<vmem_shared>> -> memref<8192xf32, #tpu.memory_space<vmem_shared>>
      %dma_wait3A_571 = tpu.memref_slice %arg10[%add3A_34] : memref<1052672xf32, #tpu.memory_space<vmem_shared>> -> memref<8192xf32, #tpu.memory_space<vmem_shared>>
      tpu.wait_dma2 semaphore(%run_scoped3A : memref<!tpu.dma_semaphore, #tpu.memory_space<semaphore_mem>>) src(%arg9 : memref<8192xf32, #tpu.memory_space<vmem>>) dst(%dma_wait3A_571 : memref<8192xf32, #tpu.memory_space<vmem_shared>>)
      tpu.yield
    }) : () -> ()
    %mul3A_35 = arith.constant 65536 : i32
    %mul3A_36 = arith.muli %arg1, %mul3A_35 : i32
    %add3A_37 = arith.constant 8192 : i32
    %add3A_38 = arith.addi %mul3A_36, %add3A_37 : i32
    "tpu.region"() ({
      %run_scoped3A = tpu.sem_alloc : memref<!tpu.dma_semaphore, #tpu.memory_space<semaphore_mem>>
      %dma_start3A = tpu.memref_slice %arg10[%add3A_38] : memref<1052672xf32, #tpu.memory_space<vmem_shared>> -> memref<8192xf32, #tpu.memory_space<vmem_shared>>
      %dma_start3A_570 = tpu.memref_slice %arg10[%add3A_38] : memref<1052672xf32, #tpu.memory_space<vmem_shared>> -> memref<8192xf32, #tpu.memory_space<vmem_shared>>
      tpu.enqueue_dma source(%arg9 : memref<8192xf32, #tpu.memory_space<vmem>>) target(%dma_start3A_570 : memref<8192xf32, #tpu.memory_space<vmem_shared>>) target_semaphore(%run_scoped3A : memref<!tpu.dma_semaphore, #tpu.memory_space<semaphore_mem>>)
      %dma_wait3A = tpu.memref_slice %arg10[%add3A_38] : memref<1052672xf32, #tpu.memory_space<vmem_shared>> -> memref<8192xf32, #tpu.memory_space<vmem_shared>>
      %dma_wait3A_571 = tpu.memref_slice %arg10[%add3A_38] : memref<1052672xf32, #tpu.memory_space<vmem_shared>> -> memref<8192xf32, #tpu.memory_space<vmem_shared>>
      tpu.wait_dma2 semaphore(%run_scoped3A : memref<!tpu.dma_semaphore, #tpu.memory_space<semaphore_mem>>) src(%arg9 : memref<8192xf32, #tpu.memory_space<vmem>>) dst(%dma_wait3A_571 : memref<8192xf32, #tpu.memory_space<vmem_shared>>)
      tpu.yield
    }) : () -> ()
    %mul3A_39 = arith.constant 65536 : i32
    %mul3A_40 = arith.muli %arg1, %mul3A_39 : i32
    %add3A_41 = arith.constant 16384 : i32
    %add3A_42 = arith.addi %mul3A_40, %add3A_41 : i32
    "tpu.region"() ({
      %run_scoped3A = tpu.sem_alloc : memref<!tpu.dma_semaphore, #tpu.memory_space<semaphore_mem>>
      %dma_start3A = tpu.memref_slice %arg10[%add3A_42] : memref<1052672xf32, #tpu.memory_space<vmem_shared>> -> memref<8192xf32, #tpu.memory_space<vmem_shared>>
      %dma_start3A_570 = tpu.memref_slice %arg10[%add3A_42] : memref<1052672xf32, #tpu.memory_space<vmem_shared>> -> memref<8192xf32, #tpu.memory_space<vmem_shared>>
      tpu.enqueue_dma source(%arg9 : memref<8192xf32, #tpu.memory_space<vmem>>) target(%dma_start3A_570 : memref<8192xf32, #tpu.memory_space<vmem_shared>>) target_semaphore(%run_scoped3A : memref<!tpu.dma_semaphore, #tpu.memory_space<semaphore_mem>>)
      %dma_wait3A = tpu.memref_slice %arg10[%add3A_42] : memref<1052672xf32, #tpu.memory_space<vmem_shared>> -> memref<8192xf32, #tpu.memory_space<vmem_shared>>
      %dma_wait3A_571 = tpu.memref_slice %arg10[%add3A_42] : memref<1052672xf32, #tpu.memory_space<vmem_shared>> -> memref<8192xf32, #tpu.memory_space<vmem_shared>>
      tpu.wait_dma2 semaphore(%run_scoped3A : memref<!tpu.dma_semaphore, #tpu.memory_space<semaphore_mem>>) src(%arg9 : memref<8192xf32, #tpu.memory_space<vmem>>) dst(%dma_wait3A_571 : memref<8192xf32, #tpu.memory_space<vmem_shared>>)
      tpu.yield
    }) : () -> ()
    %mul3A_43 = arith.constant 65536 : i32
    %mul3A_44 = arith.muli %arg1, %mul3A_43 : i32
    %add3A_45 = arith.constant 24576 : i32
    %add3A_46 = arith.addi %mul3A_44, %add3A_45 : i32
    "tpu.region"() ({
      %run_scoped3A = tpu.sem_alloc : memref<!tpu.dma_semaphore, #tpu.memory_space<semaphore_mem>>
      %dma_start3A = tpu.memref_slice %arg10[%add3A_46] : memref<1052672xf32, #tpu.memory_space<vmem_shared>> -> memref<8192xf32, #tpu.memory_space<vmem_shared>>
      %dma_start3A_570 = tpu.memref_slice %arg10[%add3A_46] : memref<1052672xf32, #tpu.memory_space<vmem_shared>> -> memref<8192xf32, #tpu.memory_space<vmem_shared>>
      tpu.enqueue_dma source(%arg9 : memref<8192xf32, #tpu.memory_space<vmem>>) target(%dma_start3A_570 : memref<8192xf32, #tpu.memory_space<vmem_shared>>) target_semaphore(%run_scoped3A : memref<!tpu.dma_semaphore, #tpu.memory_space<semaphore_mem>>)
      %dma_wait3A = tpu.memref_slice %arg10[%add3A_46] : memref<1052672xf32, #tpu.memory_space<vmem_shared>> -> memref<8192xf32, #tpu.memory_space<vmem_shared>>
      %dma_wait3A_571 = tpu.memref_slice %arg10[%add3A_46] : memref<1052672xf32, #tpu.memory_space<vmem_shared>> -> memref<8192xf32, #tpu.memory_space<vmem_shared>>
      tpu.wait_dma2 semaphore(%run_scoped3A : memref<!tpu.dma_semaphore, #tpu.memory_space<semaphore_mem>>) src(%arg9 : memref<8192xf32, #tpu.memory_space<vmem>>) dst(%dma_wait3A_571 : memref<8192xf32, #tpu.memory_space<vmem_shared>>)
      tpu.yield
    }) : () -> ()
    %mul3A_47 = arith.constant 65536 : i32
    %mul3A_48 = arith.muli %arg1, %mul3A_47 : i32
    %add3A_49 = arith.constant 32768 : i32
    %add3A_50 = arith.addi %mul3A_48, %add3A_49 : i32
    "tpu.region"() ({
      %run_scoped3A = tpu.sem_alloc : memref<!tpu.dma_semaphore, #tpu.memory_space<semaphore_mem>>
      %dma_start3A = tpu.memref_slice %arg10[%add3A_50] : memref<1052672xf32, #tpu.memory_space<vmem_shared>> -> memref<8192xf32, #tpu.memory_space<vmem_shared>>
      %dma_start3A_570 = tpu.memref_slice %arg10[%add3A_50] : memref<1052672xf32, #tpu.memory_space<vmem_shared>> -> memref<8192xf32, #tpu.memory_space<vmem_shared>>
      tpu.enqueue_dma source(%arg9 : memref<8192xf32, #tpu.memory_space<vmem>>) target(%dma_start3A_570 : memref<8192xf32, #tpu.memory_space<vmem_shared>>) target_semaphore(%run_scoped3A : memref<!tpu.dma_semaphore, #tpu.memory_space<semaphore_mem>>)
      %dma_wait3A = tpu.memref_slice %arg10[%add3A_50] : memref<1052672xf32, #tpu.memory_space<vmem_shared>> -> memref<8192xf32, #tpu.memory_space<vmem_shared>>
      %dma_wait3A_571 = tpu.memref_slice %arg10[%add3A_50] : memref<1052672xf32, #tpu.memory_space<vmem_shared>> -> memref<8192xf32, #tpu.memory_space<vmem_shared>>
      tpu.wait_dma2 semaphore(%run_scoped3A : memref<!tpu.dma_semaphore, #tpu.memory_space<semaphore_mem>>) src(%arg9 : memref<8192xf32, #tpu.memory_space<vmem>>) dst(%dma_wait3A_571 : memref<8192xf32, #tpu.memory_space<vmem_shared>>)
      tpu.yield
    }) : () -> ()
    %mul3A_51 = arith.constant 65536 : i32
    %mul3A_52 = arith.muli %arg1, %mul3A_51 : i32
    %add3A_53 = arith.constant 40960 : i32
    %add3A_54 = arith.addi %mul3A_52, %add3A_53 : i32
    "tpu.region"() ({
      %run_scoped3A = tpu.sem_alloc : memref<!tpu.dma_semaphore, #tpu.memory_space<semaphore_mem>>
      %dma_start3A = tpu.memref_slice %arg10[%add3A_54] : memref<1052672xf32, #tpu.memory_space<vmem_shared>> -> memref<8192xf32, #tpu.memory_space<vmem_shared>>
      %dma_start3A_570 = tpu.memref_slice %arg10[%add3A_54] : memref<1052672xf32, #tpu.memory_space<vmem_shared>> -> memref<8192xf32, #tpu.memory_space<vmem_shared>>
      tpu.enqueue_dma source(%arg9 : memref<8192xf32, #tpu.memory_space<vmem>>) target(%dma_start3A_570 : memref<8192xf32, #tpu.memory_space<vmem_shared>>) target_semaphore(%run_scoped3A : memref<!tpu.dma_semaphore, #tpu.memory_space<semaphore_mem>>)
      %dma_wait3A = tpu.memref_slice %arg10[%add3A_54] : memref<1052672xf32, #tpu.memory_space<vmem_shared>> -> memref<8192xf32, #tpu.memory_space<vmem_shared>>
      %dma_wait3A_571 = tpu.memref_slice %arg10[%add3A_54] : memref<1052672xf32, #tpu.memory_space<vmem_shared>> -> memref<8192xf32, #tpu.memory_space<vmem_shared>>
      tpu.wait_dma2 semaphore(%run_scoped3A : memref<!tpu.dma_semaphore, #tpu.memory_space<semaphore_mem>>) src(%arg9 : memref<8192xf32, #tpu.memory_space<vmem>>) dst(%dma_wait3A_571 : memref<8192xf32, #tpu.memory_space<vmem_shared>>)
      tpu.yield
    }) : () -> ()
    %mul3A_55 = arith.constant 65536 : i32
    %mul3A_56 = arith.muli %arg1, %mul3A_55 : i32
    %add3A_57 = arith.constant 49152 : i32
    %add3A_58 = arith.addi %mul3A_56, %add3A_57 : i32
    "tpu.region"() ({
      %run_scoped3A = tpu.sem_alloc : memref<!tpu.dma_semaphore, #tpu.memory_space<semaphore_mem>>
      %dma_start3A = tpu.memref_slice %arg10[%add3A_58] : memref<1052672xf32, #tpu.memory_space<vmem_shared>> -> memref<8192xf32, #tpu.memory_space<vmem_shared>>
      %dma_start3A_570 = tpu.memref_slice %arg10[%add3A_58] : memref<1052672xf32, #tpu.memory_space<vmem_shared>> -> memref<8192xf32, #tpu.memory_space<vmem_shared>>
      tpu.enqueue_dma source(%arg9 : memref<8192xf32, #tpu.memory_space<vmem>>) target(%dma_start3A_570 : memref<8192xf32, #tpu.memory_space<vmem_shared>>) target_semaphore(%run_scoped3A : memref<!tpu.dma_semaphore, #tpu.memory_space<semaphore_mem>>)
      %dma_wait3A = tpu.memref_slice %arg10[%add3A_58] : memref<1052672xf32, #tpu.memory_space<vmem_shared>> -> memref<8192xf32, #tpu.memory_space<vmem_shared>>
      %dma_wait3A_571 = tpu.memref_slice %arg10[%add3A_58] : memref<1052672xf32, #tpu.memory_space<vmem_shared>> -> memref<8192xf32, #tpu.memory_space<vmem_shared>>
      tpu.wait_dma2 semaphore(%run_scoped3A : memref<!tpu.dma_semaphore, #tpu.memory_space<semaphore_mem>>) src(%arg9 : memref<8192xf32, #tpu.memory_space<vmem>>) dst(%dma_wait3A_571 : memref<8192xf32, #tpu.memory_space<vmem_shared>>)
      tpu.yield
    }) : () -> ()
    %mul3A_59 = arith.constant 65536 : i32
    %mul3A_60 = arith.muli %arg1, %mul3A_59 : i32
    %add3A_61 = arith.constant 57344 : i32
    %add3A_62 = arith.addi %mul3A_60, %add3A_61 : i32
    "tpu.region"() ({
      %run_scoped3A = tpu.sem_alloc : memref<!tpu.dma_semaphore, #tpu.memory_space<semaphore_mem>>
      %dma_start3A = tpu.memref_slice %arg10[%add3A_62] : memref<1052672xf32, #tpu.memory_space<vmem_shared>> -> memref<8192xf32, #tpu.memory_space<vmem_shared>>
      %dma_start3A_570 = tpu.memref_slice %arg10[%add3A_62] : memref<1052672xf32, #tpu.memory_space<vmem_shared>> -> memref<8192xf32, #tpu.memory_space<vmem_shared>>
      tpu.enqueue_dma source(%arg9 : memref<8192xf32, #tpu.memory_space<vmem>>) target(%dma_start3A_570 : memref<8192xf32, #tpu.memory_space<vmem_shared>>) target_semaphore(%run_scoped3A : memref<!tpu.dma_semaphore, #tpu.memory_space<semaphore_mem>>)
      %dma_wait3A = tpu.memref_slice %arg10[%add3A_62] : memref<1052672xf32, #tpu.memory_space<vmem_shared>> -> memref<8192xf32, #tpu.memory_space<vmem_shared>>
      %dma_wait3A_571 = tpu.memref_slice %arg10[%add3A_62] : memref<1052672xf32, #tpu.memory_space<vmem_shared>> -> memref<8192xf32, #tpu.memory_space<vmem_shared>>
      tpu.wait_dma2 semaphore(%run_scoped3A : memref<!tpu.dma_semaphore, #tpu.memory_space<semaphore_mem>>) src(%arg9 : memref<8192xf32, #tpu.memory_space<vmem>>) dst(%dma_wait3A_571 : memref<8192xf32, #tpu.memory_space<vmem_shared>>)
      tpu.yield
    }) : () -> ()
    %barrier3A = arith.constant 0 : index
    tpu.barrier barrier_id(%barrier3A)
    %scan3A_63 = arith.constant 0 : i32
    %scan3A_64 = arith.constant 0 : i32
    %scan3A_65 = arith.constant 625 : i32
    %scan3A_66 = arith.addi %scan3A_64, %scan3A_65 : i32
    %scan3A_67 = arith.constant 1 : i32
    scf.for %scan3A_570 = %scan3A_64 to %scan3A_66 step %scan3A_67  : i32 {
      %mul3A_571 = arith.constant 16 : i32
      %mul3A_572 = arith.muli %scan3A_570, %mul3A_571 : i32
      %add3A_573 = arith.addi %mul3A_4, %mul3A_572 : i32
      %get3A = arith.constant 1 : i32
      %get3A_574 = arith.index_cast %get3A : i32 to index
      %get3A_575 = arith.index_cast %add3A_573 : i32 to index
      %get3A_576 = tpu.vector_load %arg5[%get3A_574, %get3A_575] {strides = array<i32>} : memref<2x10240xi32, #tpu.memory_space<vmem>>, vector<1x16xi32>,
      %get3A_577 = vector.shape_cast %get3A_576 : vector<1x16xi32> to vector<16xi32>
      %sub3A_578 = arith.constant 0 : i32
      %sub3A_579 = vector.broadcast %sub3A_578 : i32 to vector<16xi32>
      %sub3A_580 = arith.subi %get3A_577, %sub3A_579 : vector<16xi32>
      %ge3A = arith.constant 0 : i32
      %ge3A_581 = vector.broadcast %ge3A : i32 to vector<16xi32>
      %ge3A_582 = arith.cmpi sge, %sub3A_580, %ge3A_581 : vector<16xi32>
      %lt3A = arith.constant 1048576 : i32
      %lt3A_583 = vector.broadcast %lt3A : i32 to vector<16xi32>
      %lt3A_584 = arith.cmpi slt, %sub3A_580, %lt3A_583 : vector<16xi32>
      %and3A = arith.andi %ge3A_582, %lt3A_584 : vector<16xi1>
      %shift_right_logical3A = arith.constant 7 : i32
      %shift_right_logical3A_585 = vector.broadcast %shift_right_logical3A : i32 to vector<16xi32>
      %shift_right_logical3A_586 = arith.shrui %sub3A_580, %shift_right_logical3A_585 : vector<16xi32>
      %and3A_587 = arith.constant 3 : i32
      %and3A_588 = vector.broadcast %and3A_587 : i32 to vector<16xi32>
      %and3A_589 = arith.andi %shift_right_logical3A_586, %and3A_588 : vector<16xi32>
      %shift_left3A = arith.constant 18 : i32
      %shift_left3A_590 = vector.broadcast %shift_left3A : i32 to vector<16xi32>
      %shift_left3A_591 = arith.shli %and3A_589, %shift_left3A_590 : vector<16xi32>
      %shift_right_logical3A_592 = arith.constant 9 : i32
      %shift_right_logical3A_593 = vector.broadcast %shift_right_logical3A_592 : i32 to vector<16xi32>
      %shift_right_logical3A_594 = arith.shrui %sub3A_580, %shift_right_logical3A_593 : vector<16xi32>
      %shift_left3A_595 = arith.constant 7 : i32
      %shift_left3A_596 = vector.broadcast %shift_left3A_595 : i32 to vector<16xi32>
      %shift_left3A_597 = arith.shli %shift_right_logical3A_594, %shift_left3A_596 : vector<16xi32>
      %add3A_598 = arith.addi %shift_left3A_591, %shift_left3A_597 : vector<16xi32>
      %and3A_599 = arith.constant 127 : i32
      %and3A_600 = vector.broadcast %and3A_599 : i32 to vector<16xi32>
      %and3A_601 = arith.andi %sub3A_580, %and3A_600 : vector<16xi32>
      %add3A_602 = arith.addi %add3A_598, %and3A_601 : vector<16xi32>
      %and3A_603 = arith.constant 4095 : i32
      %and3A_604 = vector.broadcast %and3A_603 : i32 to vector<16xi32>
      %and3A_605 = arith.andi %sub3A_580, %and3A_604 : vector<16xi32>
      %add3A_606 = arith.constant 1048576 : i32
      %add3A_607 = vector.broadcast %add3A_606 : i32 to vector<16xi32>
      %add3A_608 = arith.addi %add3A_607, %and3A_605 : vector<16xi32>
      %select_n3A = arith.select %and3A, %add3A_602, %add3A_608 : vector<16xi1>, vector<16xi32>
      %mul3A_609 = arith.constant 16 : i32
      %mul3A_610 = arith.muli %scan3A_570, %mul3A_609 : i32
      %swap3A = arith.index_cast %mul3A_610 : i32 to index
      %swap3A_611 = tpu.vector_load %arg7[%swap3A] {strides = array<i32>} : memref<10112xi32, #tpu.memory_space<vmem>>, vector<16xi32>,
      %swap3A_612 = vector.shape_cast %swap3A_611 : vector<16xi32> to vector<16xi32>
      %swap3A_613 = vector.shape_cast %select_n3A : vector<16xi32> to vector<16xi32>
      tpu.vector_store %arg7[%swap3A], %swap3A_613 {strides = array<i32>} : memref<10112xi32, #tpu.memory_space<vmem>>, vector<16xi32>,
    }
    %scan3A_68 = arith.constant 625 : i32
    "tpu.region"() ({
      %run_scoped3A = tpu.sem_alloc : memref<!tpu.dma_semaphore, #tpu.memory_space<semaphore_mem>>
      %dma_start3A = arith.constant 0 : i32
      %dma_start3A_570 = tpu.memref_slice %arg10[%dma_start3A] : memref<1052672xf32, #tpu.memory_space<vmem_shared>> -> memref<1052672xf32, #tpu.memory_space<vmem_shared>>
      tpu.enqueue_indirect_dma source(%arg8 : memref<10112xf32, #tpu.memory_space<vmem>>) target(%dma_start3A_570 : memref<1052672xf32, #tpu.memory_space<vmem_shared>>) offsets(%arg7 : memref<10112xi32, #tpu.memory_space<vmem>>) semaphore(%run_scoped3A : memref<!tpu.dma_semaphore, #tpu.memory_space<semaphore_mem>>) {add = true}
      %dma_wait3A = arith.constant 0 : i32
      %dma_wait3A_571 = tpu.memref_slice %arg10[%dma_wait3A] : memref<1052672xf32, #tpu.memory_space<vmem_shared>> -> memref<1052672xf32, #tpu.memory_space<vmem_shared>>
      tpu.wait_indirect_dma semaphore(%run_scoped3A : memref<!tpu.dma_semaphore, #tpu.memory_space<semaphore_mem>>) src(%arg8 : memref<10112xf32, #tpu.memory_space<vmem>>) dst(%dma_wait3A_571 : memref<1052672xf32, #tpu.memory_space<vmem_shared>>)
      tpu.yield
    }) : () -> ()
    %barrier3A_69 = arith.constant 0 : index
    tpu.barrier barrier_id(%barrier3A_69)
    %mul3A_70 = arith.constant 16384 : i32
    %mul3A_71 = arith.muli %arg1, %mul3A_70 : i32
    %add3A_72 = arith.constant 0 : i32
    %add3A_73 = arith.addi %add3A_72, %mul3A_71 : i32
    %mul3A_74 = arith.constant 4 : i32
    %mul3A_75 = arith.muli %arg0, %mul3A_74 : i32
    %add3A_76 = arith.constant 0 : i32
    %add3A_77 = arith.addi %mul3A_75, %add3A_76 : i32
    %mul3A_78 = arith.constant 10240 : i32
    %mul3A_79 = arith.muli %add3A_77, %mul3A_78 : i32
    %add3A_80 = arith.constant 0 : i32
    %add3A_81 = arith.addi %mul3A_79, %add3A_80 : i32
    %mul3A_82 = arith.constant 128 : i32
    %mul3A_83 = arith.muli %arg1, %mul3A_82 : i32
    %add3A_84 = arith.addi %add3A_81, %mul3A_83 : i32
    %mul3A_85 = arith.constant 128 : i32
    %mul3A_86 = arith.muli %add3A_84, %mul3A_85 : i32
    "tpu.region"() ({
      %run_scoped3A = tpu.sem_alloc : memref<!tpu.dma_semaphore, #tpu.memory_space<semaphore_mem>>
      %dma_start3A = tpu.memref_slice %arg4[%mul3A_86] : memref<10485760xf32, #tpu.memory_space<hbm>> -> memref<16384xf32, #tpu.memory_space<hbm>>
      %dma_start3A_570 = tpu.memref_slice %arg10[%add3A_73] : memref<1052672xf32, #tpu.memory_space<vmem_shared>> -> memref<16384xf32, #tpu.memory_space<vmem_shared>>
      tpu.enqueue_dma source(%dma_start3A_570 : memref<16384xf32, #tpu.memory_space<vmem_shared>>) target(%dma_start3A : memref<16384xf32, #tpu.memory_space<hbm>>) target_semaphore(%run_scoped3A : memref<!tpu.dma_semaphore, #tpu.memory_space<semaphore_mem>>)
      %dma_wait3A = tpu.memref_slice %arg4[%mul3A_86] : memref<10485760xf32, #tpu.memory_space<hbm>> -> memref<16384xf32, #tpu.memory_space<hbm>>
      %dma_wait3A_571 = tpu.memref_slice %arg10[%add3A_73] : memref<1052672xf32, #tpu.memory_space<vmem_shared>> -> memref<16384xf32, #tpu.memory_space<vmem_shared>>
      tpu.wait_dma2 semaphore(%run_scoped3A : memref<!tpu.dma_semaphore, #tpu.memory_space<semaphore_mem>>) src(%dma_wait3A_571 : memref<16384xf32, #tpu.memory_space<vmem_shared>>) dst(%dma_wait3A : memref<16384xf32, #tpu.memory_space<hbm>>)
      tpu.yield
    }) : () -> ()
    %mul3A_87 = arith.constant 16384 : i32
    %mul3A_88 = arith.muli %arg1, %mul3A_87 : i32
    %add3A_89 = arith.constant 262144 : i32
    %add3A_90 = arith.addi %add3A_89, %mul3A_88 : i32
    %mul3A_91 = arith.constant 4 : i32
    %mul3A_92 = arith.muli %arg0, %mul3A_91 : i32
    %add3A_93 = arith.constant 1 : i32
    %add3A_94 = arith.addi %mul3A_92, %add3A_93 : i32
    %mul3A_95 = arith.constant 10240 : i32
    %mul3A_96 = arith.muli %add3A_94, %mul3A_95 : i32
    %add3A_97 = arith.constant 0 : i32
    %add3A_98 = arith.addi %mul3A_96, %add3A_97 : i32
    %mul3A_99 = arith.constant 128 : i32
    %mul3A_100 = arith.muli %arg1, %mul3A_99 : i32
    %add3A_101 = arith.addi %add3A_98, %mul3A_100 : i32
    %mul3A_102 = arith.constant 128 : i32
    %mul3A_103 = arith.muli %add3A_101, %mul3A_102 : i32
    "tpu.region"() ({
      %run_scoped3A = tpu.sem_alloc : memref<!tpu.dma_semaphore, #tpu.memory_space<semaphore_mem>>
      %dma_start3A = tpu.memref_slice %arg4[%mul3A_103] : memref<10485760xf32, #tpu.memory_space<hbm>> -> memref<16384xf32, #tpu.memory_space<hbm>>
      %dma_start3A_570 = tpu.memref_slice %arg10[%add3A_90] : memref<1052672xf32, #tpu.memory_space<vmem_shared>> -> memref<16384xf32, #tpu.memory_space<vmem_shared>>
      tpu.enqueue_dma source(%dma_start3A_570 : memref<16384xf32, #tpu.memory_space<vmem_shared>>) target(%dma_start3A : memref<16384xf32, #tpu.memory_space<hbm>>) target_semaphore(%run_scoped3A : memref<!tpu.dma_semaphore, #tpu.memory_space<semaphore_mem>>)
      %dma_wait3A = tpu.memref_slice %arg4[%mul3A_103] : memref<10485760xf32, #tpu.memory_space<hbm>> -> memref<16384xf32, #tpu.memory_space<hbm>>
      %dma_wait3A_571 = tpu.memref_slice %arg10[%add3A_90] : memref<1052672xf32, #tpu.memory_space<vmem_shared>> -> memref<16384xf32, #tpu.memory_space<vmem_shared>>
      tpu.wait_dma2 semaphore(%run_scoped3A : memref<!tpu.dma_semaphore, #tpu.memory_space<semaphore_mem>>) src(%dma_wait3A_571 : memref<16384xf32, #tpu.memory_space<vmem_shared>>) dst(%dma_wait3A : memref<16384xf32, #tpu.memory_space<hbm>>)
      tpu.yield
    }) : () -> ()
    %mul3A_104 = arith.constant 16384 : i32
    %mul3A_105 = arith.muli %arg1, %mul3A_104 : i32
    %add3A_106 = arith.constant 524288 : i32
    %add3A_107 = arith.addi %add3A_106, %mul3A_105 : i32
    %mul3A_108 = arith.constant 4 : i32
    %mul3A_109 = arith.muli %arg0, %mul3A_108 : i32
    %add3A_110 = arith.constant 2 : i32
    %add3A_111 = arith.addi %mul3A_109, %add3A_110 : i32
    %mul3A_112 = arith.constant 10240 : i32
    %mul3A_113 = arith.muli %add3A_111, %mul3A_112 : i32
    %add3A_114 = arith.constant 0 : i32
    %add3A_115 = arith.addi %mul3A_113, %add3A_114 : i32
    %mul3A_116 = arith.constant 128 : i32
    %mul3A_117 = arith.muli %arg1, %mul3A_116 : i32
    %add3A_118 = arith.addi %add3A_115, %mul3A_117 : i32
    %mul3A_119 = arith.constant 128 : i32
    %mul3A_120 = arith.muli %add3A_118, %mul3A_119 : i32
    "tpu.region"() ({
      %run_scoped3A = tpu.sem_alloc : memref<!tpu.dma_semaphore, #tpu.memory_space<semaphore_mem>>
      %dma_start3A = tpu.memref_slice %arg4[%mul3A_120] : memref<10485760xf32, #tpu.memory_space<hbm>> -> memref<16384xf32, #tpu.memory_space<hbm>>
      %dma_start3A_570 = tpu.memref_slice %arg10[%add3A_107] : memref<1052672xf32, #tpu.memory_space<vmem_shared>> -> memref<16384xf32, #tpu.memory_space<vmem_shared>>
      tpu.enqueue_dma source(%dma_start3A_570 : memref<16384xf32, #tpu.memory_space<vmem_shared>>) target(%dma_start3A : memref<16384xf32, #tpu.memory_space<hbm>>) target_semaphore(%run_scoped3A : memref<!tpu.dma_semaphore, #tpu.memory_space<semaphore_mem>>)
      %dma_wait3A = tpu.memref_slice %arg4[%mul3A_120] : memref<10485760xf32, #tpu.memory_space<hbm>> -> memref<16384xf32, #tpu.memory_space<hbm>>
      %dma_wait3A_571 = tpu.memref_slice %arg10[%add3A_107] : memref<1052672xf32, #tpu.memory_space<vmem_shared>> -> memref<16384xf32, #tpu.memory_space<vmem_shared>>
      tpu.wait_dma2 semaphore(%run_scoped3A : memref<!tpu.dma_semaphore, #tpu.memory_space<semaphore_mem>>) src(%dma_wait3A_571 : memref<16384xf32, #tpu.memory_space<vmem_shared>>) dst(%dma_wait3A : memref<16384xf32, #tpu.memory_space<hbm>>)
      tpu.yield
    }) : () -> ()
    %mul3A_121 = arith.constant 16384 : i32
    %mul3A_122 = arith.muli %arg1, %mul3A_121 : i32
    %add3A_123 = arith.constant 786432 : i32
    %add3A_124 = arith.addi %add3A_123, %mul3A_122 : i32
    %mul3A_125 = arith.constant 4 : i32
    %mul3A_126 = arith.muli %arg0, %mul3A_125 : i32
    %add3A_127 = arith.constant 3 : i32
    %add3A_128 = arith.addi %mul3A_126, %add3A_127 : i32
    %mul3A_129 = arith.constant 10240 : i32
    %mul3A_130 = arith.muli %add3A_128, %mul3A_129 : i32
    %add3A_131 = arith.constant 0 : i32
    %add3A_132 = arith.addi %mul3A_130, %add3A_131 : i32
    %mul3A_133 = arith.constant 128 : i32
    %mul3A_134 = arith.muli %arg1, %mul3A_133 : i32
    %add3A_135 = arith.addi %add3A_132, %mul3A_134 : i32
    %mul3A_136 = arith.constant 128 : i32
    %mul3A_137 = arith.muli %add3A_135, %mul3A_136 : i32
    "tpu.region"() ({
      %run_scoped3A = tpu.sem_alloc : memref<!tpu.dma_semaphore, #tpu.memory_space<semaphore_mem>>
      %dma_start3A = tpu.memref_slice %arg4[%mul3A_137] : memref<10485760xf32, #tpu.memory_space<hbm>> -> memref<16384xf32, #tpu.memory_space<hbm>>
      %dma_start3A_570 = tpu.memref_slice %arg10[%add3A_124] : memref<1052672xf32, #tpu.memory_space<vmem_shared>> -> memref<16384xf32, #tpu.memory_space<vmem_shared>>
      tpu.enqueue_dma source(%dma_start3A_570 : memref<16384xf32, #tpu.memory_space<vmem_shared>>) target(%dma_start3A : memref<16384xf32, #tpu.memory_space<hbm>>) target_semaphore(%run_scoped3A : memref<!tpu.dma_semaphore, #tpu.memory_space<semaphore_mem>>)
      %dma_wait3A = tpu.memref_slice %arg4[%mul3A_137] : memref<10485760xf32, #tpu.memory_space<hbm>> -> memref<16384xf32, #tpu.memory_space<hbm>>
      %dma_wait3A_571 = tpu.memref_slice %arg10[%add3A_124] : memref<1052672xf32, #tpu.memory_space<vmem_shared>> -> memref<16384xf32, #tpu.memory_space<vmem_shared>>
      tpu.wait_dma2 semaphore(%run_scoped3A : memref<!tpu.dma_semaphore, #tpu.memory_space<semaphore_mem>>) src(%dma_wait3A_571 : memref<16384xf32, #tpu.memory_space<vmem_shared>>) dst(%dma_wait3A : memref<16384xf32, #tpu.memory_space<hbm>>)
      tpu.yield
    }) : () -> ()
    %mul3A_138 = arith.constant 65536 : i32
    %mul3A_139 = arith.muli %arg1, %mul3A_138 : i32
    %add3A_140 = arith.constant 0 : i32
    %add3A_141 = arith.addi %mul3A_139, %add3A_140 : i32
    "tpu.region"() ({
      %run_scoped3A = tpu.sem_alloc : memref<!tpu.dma_semaphore, #tpu.memory_space<semaphore_mem>>
      %dma_start3A = tpu.memref_slice %arg10[%add3A_141] : memref<1052672xf32, #tpu.memory_space<vmem_shared>> -> memref<8192xf32, #tpu.memory_space<vmem_shared>>
      %dma_start3A_570 = tpu.memref_slice %arg10[%add3A_141] : memref<1052672xf32, #tpu.memory_space<vmem_shared>> -> memref<8192xf32, #tpu.memory_space<vmem_shared>>
      tpu.enqueue_dma source(%arg9 : memref<8192xf32, #tpu.memory_space<vmem>>) target(%dma_start3A_570 : memref<8192xf32, #tpu.memory_space<vmem_shared>>) target_semaphore(%run_scoped3A : memref<!tpu.dma_semaphore, #tpu.memory_space<semaphore_mem>>)
      %dma_wait3A = tpu.memref_slice %arg10[%add3A_141] : memref<1052672xf32, #tpu.memory_space<vmem_shared>> -> memref<8192xf32, #tpu.memory_space<vmem_shared>>
      %dma_wait3A_571 = tpu.memref_slice %arg10[%add3A_141] : memref<1052672xf32, #tpu.memory_space<vmem_shared>> -> memref<8192xf32, #tpu.memory_space<vmem_shared>>
      tpu.wait_dma2 semaphore(%run_scoped3A : memref<!tpu.dma_semaphore, #tpu.memory_space<semaphore_mem>>) src(%arg9 : memref<8192xf32, #tpu.memory_space<vmem>>) dst(%dma_wait3A_571 : memref<8192xf32, #tpu.memory_space<vmem_shared>>)
      tpu.yield
    }) : () -> ()
    %mul3A_142 = arith.constant 65536 : i32
    %mul3A_143 = arith.muli %arg1, %mul3A_142 : i32
    %add3A_144 = arith.constant 8192 : i32
    %add3A_145 = arith.addi %mul3A_143, %add3A_144 : i32
    "tpu.region"() ({
      %run_scoped3A = tpu.sem_alloc : memref<!tpu.dma_semaphore, #tpu.memory_space<semaphore_mem>>
      %dma_start3A = tpu.memref_slice %arg10[%add3A_145] : memref<1052672xf32, #tpu.memory_space<vmem_shared>> -> memref<8192xf32, #tpu.memory_space<vmem_shared>>
      %dma_start3A_570 = tpu.memref_slice %arg10[%add3A_145] : memref<1052672xf32, #tpu.memory_space<vmem_shared>> -> memref<8192xf32, #tpu.memory_space<vmem_shared>>
      tpu.enqueue_dma source(%arg9 : memref<8192xf32, #tpu.memory_space<vmem>>) target(%dma_start3A_570 : memref<8192xf32, #tpu.memory_space<vmem_shared>>) target_semaphore(%run_scoped3A : memref<!tpu.dma_semaphore, #tpu.memory_space<semaphore_mem>>)
      %dma_wait3A = tpu.memref_slice %arg10[%add3A_145] : memref<1052672xf32, #tpu.memory_space<vmem_shared>> -> memref<8192xf32, #tpu.memory_space<vmem_shared>>
      %dma_wait3A_571 = tpu.memref_slice %arg10[%add3A_145] : memref<1052672xf32, #tpu.memory_space<vmem_shared>> -> memref<8192xf32, #tpu.memory_space<vmem_shared>>
      tpu.wait_dma2 semaphore(%run_scoped3A : memref<!tpu.dma_semaphore, #tpu.memory_space<semaphore_mem>>) src(%arg9 : memref<8192xf32, #tpu.memory_space<vmem>>) dst(%dma_wait3A_571 : memref<8192xf32, #tpu.memory_space<vmem_shared>>)
      tpu.yield
    }) : () -> ()
    %mul3A_146 = arith.constant 65536 : i32
    %mul3A_147 = arith.muli %arg1, %mul3A_146 : i32
    %add3A_148 = arith.constant 16384 : i32
    %add3A_149 = arith.addi %mul3A_147, %add3A_148 : i32
    "tpu.region"() ({
      %run_scoped3A = tpu.sem_alloc : memref<!tpu.dma_semaphore, #tpu.memory_space<semaphore_mem>>
      %dma_start3A = tpu.memref_slice %arg10[%add3A_149] : memref<1052672xf32, #tpu.memory_space<vmem_shared>> -> memref<8192xf32, #tpu.memory_space<vmem_shared>>
      %dma_start3A_570 = tpu.memref_slice %arg10[%add3A_149] : memref<1052672xf32, #tpu.memory_space<vmem_shared>> -> memref<8192xf32, #tpu.memory_space<vmem_shared>>
      tpu.enqueue_dma source(%arg9 : memref<8192xf32, #tpu.memory_space<vmem>>) target(%dma_start3A_570 : memref<8192xf32, #tpu.memory_space<vmem_shared>>) target_semaphore(%run_scoped3A : memref<!tpu.dma_semaphore, #tpu.memory_space<semaphore_mem>>)
      %dma_wait3A = tpu.memref_slice %arg10[%add3A_149] : memref<1052672xf32, #tpu.memory_space<vmem_shared>> -> memref<8192xf32, #tpu.memory_space<vmem_shared>>
      %dma_wait3A_571 = tpu.memref_slice %arg10[%add3A_149] : memref<1052672xf32, #tpu.memory_space<vmem_shared>> -> memref<8192xf32, #tpu.memory_space<vmem_shared>>
      tpu.wait_dma2 semaphore(%run_scoped3A : memref<!tpu.dma_semaphore, #tpu.memory_space<semaphore_mem>>) src(%arg9 : memref<8192xf32, #tpu.memory_space<vmem>>) dst(%dma_wait3A_571 : memref<8192xf32, #tpu.memory_space<vmem_shared>>)
      tpu.yield
    }) : () -> ()
    %mul3A_150 = arith.constant 65536 : i32
    %mul3A_151 = arith.muli %arg1, %mul3A_150 : i32
    %add3A_152 = arith.constant 24576 : i32
    %add3A_153 = arith.addi %mul3A_151, %add3A_152 : i32
    "tpu.region"() ({
      %run_scoped3A = tpu.sem_alloc : memref<!tpu.dma_semaphore, #tpu.memory_space<semaphore_mem>>
      %dma_start3A = tpu.memref_slice %arg10[%add3A_153] : memref<1052672xf32, #tpu.memory_space<vmem_shared>> -> memref<8192xf32, #tpu.memory_space<vmem_shared>>
      %dma_start3A_570 = tpu.memref_slice %arg10[%add3A_153] : memref<1052672xf32, #tpu.memory_space<vmem_shared>> -> memref<8192xf32, #tpu.memory_space<vmem_shared>>
      tpu.enqueue_dma source(%arg9 : memref<8192xf32, #tpu.memory_space<vmem>>) target(%dma_start3A_570 : memref<8192xf32, #tpu.memory_space<vmem_shared>>) target_semaphore(%run_scoped3A : memref<!tpu.dma_semaphore, #tpu.memory_space<semaphore_mem>>)
      %dma_wait3A = tpu.memref_slice %arg10[%add3A_153] : memref<1052672xf32, #tpu.memory_space<vmem_shared>> -> memref<8192xf32, #tpu.memory_space<vmem_shared>>
      %dma_wait3A_571 = tpu.memref_slice %arg10[%add3A_153] : memref<1052672xf32, #tpu.memory_space<vmem_shared>> -> memref<8192xf32, #tpu.memory_space<vmem_shared>>
      tpu.wait_dma2 semaphore(%run_scoped3A : memref<!tpu.dma_semaphore, #tpu.memory_space<semaphore_mem>>) src(%arg9 : memref<8192xf32, #tpu.memory_space<vmem>>) dst(%dma_wait3A_571 : memref<8192xf32, #tpu.memory_space<vmem_shared>>)
      tpu.yield
    }) : () -> ()
    %mul3A_154 = arith.constant 65536 : i32
    %mul3A_155 = arith.muli %arg1, %mul3A_154 : i32
    %add3A_156 = arith.constant 32768 : i32
    %add3A_157 = arith.addi %mul3A_155, %add3A_156 : i32
    "tpu.region"() ({
      %run_scoped3A = tpu.sem_alloc : memref<!tpu.dma_semaphore, #tpu.memory_space<semaphore_mem>>
      %dma_start3A = tpu.memref_slice %arg10[%add3A_157] : memref<1052672xf32, #tpu.memory_space<vmem_shared>> -> memref<8192xf32, #tpu.memory_space<vmem_shared>>
      %dma_start3A_570 = tpu.memref_slice %arg10[%add3A_157] : memref<1052672xf32, #tpu.memory_space<vmem_shared>> -> memref<8192xf32, #tpu.memory_space<vmem_shared>>
      tpu.enqueue_dma source(%arg9 : memref<8192xf32, #tpu.memory_space<vmem>>) target(%dma_start3A_570 : memref<8192xf32, #tpu.memory_space<vmem_shared>>) target_semaphore(%run_scoped3A : memref<!tpu.dma_semaphore, #tpu.memory_space<semaphore_mem>>)
      %dma_wait3A = tpu.memref_slice %arg10[%add3A_157] : memref<1052672xf32, #tpu.memory_space<vmem_shared>> -> memref<8192xf32, #tpu.memory_space<vmem_shared>>
      %dma_wait3A_571 = tpu.memref_slice %arg10[%add3A_157] : memref<1052672xf32, #tpu.memory_space<vmem_shared>> -> memref<8192xf32, #tpu.memory_space<vmem_shared>>
      tpu.wait_dma2 semaphore(%run_scoped3A : memref<!tpu.dma_semaphore, #tpu.memory_space<semaphore_mem>>) src(%arg9 : memref<8192xf32, #tpu.memory_space<vmem>>) dst(%dma_wait3A_571 : memref<8192xf32, #tpu.memory_space<vmem_shared>>)
      tpu.yield
    }) : () -> ()
    %mul3A_158 = arith.constant 65536 : i32
    %mul3A_159 = arith.muli %arg1, %mul3A_158 : i32
    %add3A_160 = arith.constant 40960 : i32
    %add3A_161 = arith.addi %mul3A_159, %add3A_160 : i32
    "tpu.region"() ({
      %run_scoped3A = tpu.sem_alloc : memref<!tpu.dma_semaphore, #tpu.memory_space<semaphore_mem>>
      %dma_start3A = tpu.memref_slice %arg10[%add3A_161] : memref<1052672xf32, #tpu.memory_space<vmem_shared>> -> memref<8192xf32, #tpu.memory_space<vmem_shared>>
      %dma_start3A_570 = tpu.memref_slice %arg10[%add3A_161] : memref<1052672xf32, #tpu.memory_space<vmem_shared>> -> memref<8192xf32, #tpu.memory_space<vmem_shared>>
      tpu.enqueue_dma source(%arg9 : memref<8192xf32, #tpu.memory_space<vmem>>) target(%dma_start3A_570 : memref<8192xf32, #tpu.memory_space<vmem_shared>>) target_semaphore(%run_scoped3A : memref<!tpu.dma_semaphore, #tpu.memory_space<semaphore_mem>>)
      %dma_wait3A = tpu.memref_slice %arg10[%add3A_161] : memref<1052672xf32, #tpu.memory_space<vmem_shared>> -> memref<8192xf32, #tpu.memory_space<vmem_shared>>
      %dma_wait3A_571 = tpu.memref_slice %arg10[%add3A_161] : memref<1052672xf32, #tpu.memory_space<vmem_shared>> -> memref<8192xf32, #tpu.memory_space<vmem_shared>>
      tpu.wait_dma2 semaphore(%run_scoped3A : memref<!tpu.dma_semaphore, #tpu.memory_space<semaphore_mem>>) src(%arg9 : memref<8192xf32, #tpu.memory_space<vmem>>) dst(%dma_wait3A_571 : memref<8192xf32, #tpu.memory_space<vmem_shared>>)
      tpu.yield
    }) : () -> ()
    %mul3A_162 = arith.constant 65536 : i32
    %mul3A_163 = arith.muli %arg1, %mul3A_162 : i32
    %add3A_164 = arith.constant 49152 : i32
    %add3A_165 = arith.addi %mul3A_163, %add3A_164 : i32
    "tpu.region"() ({
      %run_scoped3A = tpu.sem_alloc : memref<!tpu.dma_semaphore, #tpu.memory_space<semaphore_mem>>
      %dma_start3A = tpu.memref_slice %arg10[%add3A_165] : memref<1052672xf32, #tpu.memory_space<vmem_shared>> -> memref<8192xf32, #tpu.memory_space<vmem_shared>>
      %dma_start3A_570 = tpu.memref_slice %arg10[%add3A_165] : memref<1052672xf32, #tpu.memory_space<vmem_shared>> -> memref<8192xf32, #tpu.memory_space<vmem_shared>>
      tpu.enqueue_dma source(%arg9 : memref<8192xf32, #tpu.memory_space<vmem>>) target(%dma_start3A_570 : memref<8192xf32, #tpu.memory_space<vmem_shared>>) target_semaphore(%run_scoped3A : memref<!tpu.dma_semaphore, #tpu.memory_space<semaphore_mem>>)
      %dma_wait3A = tpu.memref_slice %arg10[%add3A_165] : memref<1052672xf32, #tpu.memory_space<vmem_shared>> -> memref<8192xf32, #tpu.memory_space<vmem_shared>>
      %dma_wait3A_571 = tpu.memref_slice %arg10[%add3A_165] : memref<1052672xf32, #tpu.memory_space<vmem_shared>> -> memref<8192xf32, #tpu.memory_space<vmem_shared>>
      tpu.wait_dma2 semaphore(%run_scoped3A : memref<!tpu.dma_semaphore, #tpu.memory_space<semaphore_mem>>) src(%arg9 : memref<8192xf32, #tpu.memory_space<vmem>>) dst(%dma_wait3A_571 : memref<8192xf32, #tpu.memory_space<vmem_shared>>)
      tpu.yield
    }) : () -> ()
    %mul3A_166 = arith.constant 65536 : i32
    %mul3A_167 = arith.muli %arg1, %mul3A_166 : i32
    %add3A_168 = arith.constant 57344 : i32
    %add3A_169 = arith.addi %mul3A_167, %add3A_168 : i32
    "tpu.region"() ({
      %run_scoped3A = tpu.sem_alloc : memref<!tpu.dma_semaphore, #tpu.memory_space<semaphore_mem>>
      %dma_start3A = tpu.memref_slice %arg10[%add3A_169] : memref<1052672xf32, #tpu.memory_space<vmem_shared>> -> memref<8192xf32, #tpu.memory_space<vmem_shared>>
      %dma_start3A_570 = tpu.memref_slice %arg10[%add3A_169] : memref<1052672xf32, #tpu.memory_space<vmem_shared>> -> memref<8192xf32, #tpu.memory_space<vmem_shared>>
      tpu.enqueue_dma source(%arg9 : memref<8192xf32, #tpu.memory_space<vmem>>) target(%dma_start3A_570 : memref<8192xf32, #tpu.memory_space<vmem_shared>>) target_semaphore(%run_scoped3A : memref<!tpu.dma_semaphore, #tpu.memory_space<semaphore_mem>>)
      %dma_wait3A = tpu.memref_slice %arg10[%add3A_169] : memref<1052672xf32, #tpu.memory_space<vmem_shared>> -> memref<8192xf32, #tpu.memory_space<vmem_shared>>
      %dma_wait3A_571 = tpu.memref_slice %arg10[%add3A_169] : memref<1052672xf32, #tpu.memory_space<vmem_shared>> -> memref<8192xf32, #tpu.memory_space<vmem_shared>>
      tpu.wait_dma2 semaphore(%run_scoped3A : memref<!tpu.dma_semaphore, #tpu.memory_space<semaphore_mem>>) src(%arg9 : memref<8192xf32, #tpu.memory_space<vmem>>) dst(%dma_wait3A_571 : memref<8192xf32, #tpu.memory_space<vmem_shared>>)
      tpu.yield
    }) : () -> ()
    %barrier3A_170 = arith.constant 0 : index
    tpu.barrier barrier_id(%barrier3A_170)
    %scan3A_171 = arith.constant 0 : i32
    %scan3A_172 = arith.constant 0 : i32
    %scan3A_173 = arith.constant 625 : i32
    %scan3A_174 = arith.addi %scan3A_172, %scan3A_173 : i32
    %scan3A_175 = arith.constant 1 : i32
    scf.for %scan3A_570 = %scan3A_172 to %scan3A_174 step %scan3A_175  : i32 {
      %mul3A_571 = arith.constant 16 : i32
      %mul3A_572 = arith.muli %scan3A_570, %mul3A_571 : i32
      %add3A_573 = arith.addi %mul3A_4, %mul3A_572 : i32
      %get3A = arith.constant 1 : i32
      %get3A_574 = arith.index_cast %get3A : i32 to index
      %get3A_575 = arith.index_cast %add3A_573 : i32 to index
      %get3A_576 = tpu.vector_load %arg5[%get3A_574, %get3A_575] {strides = array<i32>} : memref<2x10240xi32, #tpu.memory_space<vmem>>, vector<1x16xi32>,
      %get3A_577 = vector.shape_cast %get3A_576 : vector<1x16xi32> to vector<16xi32>
      %sub3A_578 = arith.constant 1048576 : i32
      %sub3A_579 = vector.broadcast %sub3A_578 : i32 to vector<16xi32>
      %sub3A_580 = arith.subi %get3A_577, %sub3A_579 : vector<16xi32>
      %ge3A = arith.constant 0 : i32
      %ge3A_581 = vector.broadcast %ge3A : i32 to vector<16xi32>
      %ge3A_582 = arith.cmpi sge, %sub3A_580, %ge3A_581 : vector<16xi32>
      %lt3A = arith.constant 1048576 : i32
      %lt3A_583 = vector.broadcast %lt3A : i32 to vector<16xi32>
      %lt3A_584 = arith.cmpi slt, %sub3A_580, %lt3A_583 : vector<16xi32>
      %and3A = arith.andi %ge3A_582, %lt3A_584 : vector<16xi1>
      %shift_right_logical3A = arith.constant 7 : i32
      %shift_right_logical3A_585 = vector.broadcast %shift_right_logical3A : i32 to vector<16xi32>
      %shift_right_logical3A_586 = arith.shrui %sub3A_580, %shift_right_logical3A_585 : vector<16xi32>
      %and3A_587 = arith.constant 3 : i32
      %and3A_588 = vector.broadcast %and3A_587 : i32 to vector<16xi32>
      %and3A_589 = arith.andi %shift_right_logical3A_586, %and3A_588 : vector<16xi32>
      %shift_left3A = arith.constant 18 : i32
      %shift_left3A_590 = vector.broadcast %shift_left3A : i32 to vector<16xi32>
      %shift_left3A_591 = arith.shli %and3A_589, %shift_left3A_590 : vector<16xi32>
      %shift_right_logical3A_592 = arith.constant 9 : i32
      %shift_right_logical3A_593 = vector.broadcast %shift_right_logical3A_592 : i32 to vector<16xi32>
      %shift_right_logical3A_594 = arith.shrui %sub3A_580, %shift_right_logical3A_593 : vector<16xi32>
      %shift_left3A_595 = arith.constant 7 : i32
      %shift_left3A_596 = vector.broadcast %shift_left3A_595 : i32 to vector<16xi32>
      %shift_left3A_597 = arith.shli %shift_right_logical3A_594, %shift_left3A_596 : vector<16xi32>
      %add3A_598 = arith.addi %shift_left3A_591, %shift_left3A_597 : vector<16xi32>
      %and3A_599 = arith.constant 127 : i32
      %and3A_600 = vector.broadcast %and3A_599 : i32 to vector<16xi32>
      %and3A_601 = arith.andi %sub3A_580, %and3A_600 : vector<16xi32>
      %add3A_602 = arith.addi %add3A_598, %and3A_601 : vector<16xi32>
      %and3A_603 = arith.constant 4095 : i32
      %and3A_604 = vector.broadcast %and3A_603 : i32 to vector<16xi32>
      %and3A_605 = arith.andi %sub3A_580, %and3A_604 : vector<16xi32>
      %add3A_606 = arith.constant 1048576 : i32
      %add3A_607 = vector.broadcast %add3A_606 : i32 to vector<16xi32>
      %add3A_608 = arith.addi %add3A_607, %and3A_605 : vector<16xi32>
      %select_n3A = arith.select %and3A, %add3A_602, %add3A_608 : vector<16xi1>, vector<16xi32>
      %mul3A_609 = arith.constant 16 : i32
      %mul3A_610 = arith.muli %scan3A_570, %mul3A_609 : i32
      %swap3A = arith.index_cast %mul3A_610 : i32 to index
      %swap3A_611 = tpu.vector_load %arg7[%swap3A] {strides = array<i32>} : memref<10112xi32, #tpu.memory_space<vmem>>, vector<16xi32>,
      %swap3A_612 = vector.shape_cast %swap3A_611 : vector<16xi32> to vector<16xi32>
      %swap3A_613 = vector.shape_cast %select_n3A : vector<16xi32> to vector<16xi32>
      tpu.vector_store %arg7[%swap3A], %swap3A_613 {strides = array<i32>} : memref<10112xi32, #tpu.memory_space<vmem>>, vector<16xi32>,
    }
    %scan3A_176 = arith.constant 625 : i32
    "tpu.region"() ({
      %run_scoped3A = tpu.sem_alloc : memref<!tpu.dma_semaphore, #tpu.memory_space<semaphore_mem>>
      %dma_start3A = arith.constant 0 : i32
      %dma_start3A_570 = tpu.memref_slice %arg10[%dma_start3A] : memref<1052672xf32, #tpu.memory_space<vmem_shared>> -> memref<1052672xf32, #tpu.memory_space<vmem_shared>>
      tpu.enqueue_indirect_dma source(%arg8 : memref<10112xf32, #tpu.memory_space<vmem>>) target(%dma_start3A_570 : memref<1052672xf32, #tpu.memory_space<vmem_shared>>) offsets(%arg7 : memref<10112xi32, #tpu.memory_space<vmem>>) semaphore(%run_scoped3A : memref<!tpu.dma_semaphore, #tpu.memory_space<semaphore_mem>>) {add = true}
      %dma_wait3A = arith.constant 0 : i32
      %dma_wait3A_571 = tpu.memref_slice %arg10[%dma_wait3A] : memref<1052672xf32, #tpu.memory_space<vmem_shared>> -> memref<1052672xf32, #tpu.memory_space<vmem_shared>>
      tpu.wait_indirect_dma semaphore(%run_scoped3A : memref<!tpu.dma_semaphore, #tpu.memory_space<semaphore_mem>>) src(%arg8 : memref<10112xf32, #tpu.memory_space<vmem>>) dst(%dma_wait3A_571 : memref<1052672xf32, #tpu.memory_space<vmem_shared>>)
      tpu.yield
    }) : () -> ()
    %barrier3A_177 = arith.constant 0 : index
    tpu.barrier barrier_id(%barrier3A_177)
    %mul3A_178 = arith.constant 16384 : i32
    %mul3A_179 = arith.muli %arg1, %mul3A_178 : i32
    %add3A_180 = arith.constant 0 : i32
    %add3A_181 = arith.addi %add3A_180, %mul3A_179 : i32
    %mul3A_182 = arith.constant 4 : i32
    %mul3A_183 = arith.muli %arg0, %mul3A_182 : i32
    %add3A_184 = arith.constant 0 : i32
    %add3A_185 = arith.addi %mul3A_183, %add3A_184 : i32
    %mul3A_186 = arith.constant 10240 : i32
    %mul3A_187 = arith.muli %add3A_185, %mul3A_186 : i32
    %add3A_188 = arith.constant 2048 : i32
    %add3A_189 = arith.addi %mul3A_187, %add3A_188 : i32
    %mul3A_190 = arith.constant 128 : i32
    %mul3A_191 = arith.muli %arg1, %mul3A_190 : i32
    %add3A_192 = arith.addi %add3A_189, %mul3A_191 : i32
    %mul3A_193 = arith.constant 128 : i32
    %mul3A_194 = arith.muli %add3A_192, %mul3A_193 : i32
    "tpu.region"() ({
      %run_scoped3A = tpu.sem_alloc : memref<!tpu.dma_semaphore, #tpu.memory_space<semaphore_mem>>
      %dma_start3A = tpu.memref_slice %arg4[%mul3A_194] : memref<10485760xf32, #tpu.memory_space<hbm>> -> memref<16384xf32, #tpu.memory_space<hbm>>
      %dma_start3A_570 = tpu.memref_slice %arg10[%add3A_181] : memref<1052672xf32, #tpu.memory_space<vmem_shared>> -> memref<16384xf32, #tpu.memory_space<vmem_shared>>
      tpu.enqueue_dma source(%dma_start3A_570 : memref<16384xf32, #tpu.memory_space<vmem_shared>>) target(%dma_start3A : memref<16384xf32, #tpu.memory_space<hbm>>) target_semaphore(%run_scoped3A : memref<!tpu.dma_semaphore, #tpu.memory_space<semaphore_mem>>)
      %dma_wait3A = tpu.memref_slice %arg4[%mul3A_194] : memref<10485760xf32, #tpu.memory_space<hbm>> -> memref<16384xf32, #tpu.memory_space<hbm>>
      %dma_wait3A_571 = tpu.memref_slice %arg10[%add3A_181] : memref<1052672xf32, #tpu.memory_space<vmem_shared>> -> memref<16384xf32, #tpu.memory_space<vmem_shared>>
      tpu.wait_dma2 semaphore(%run_scoped3A : memref<!tpu.dma_semaphore, #tpu.memory_space<semaphore_mem>>) src(%dma_wait3A_571 : memref<16384xf32, #tpu.memory_space<vmem_shared>>) dst(%dma_wait3A : memref<16384xf32, #tpu.memory_space<hbm>>)
      tpu.yield
    }) : () -> ()
    %mul3A_195 = arith.constant 16384 : i32
    %mul3A_196 = arith.muli %arg1, %mul3A_195 : i32
    %add3A_197 = arith.constant 262144 : i32
    %add3A_198 = arith.addi %add3A_197, %mul3A_196 : i32
    %mul3A_199 = arith.constant 4 : i32
    %mul3A_200 = arith.muli %arg0, %mul3A_199 : i32
    %add3A_201 = arith.constant 1 : i32
    %add3A_202 = arith.addi %mul3A_200, %add3A_201 : i32
    %mul3A_203 = arith.constant 10240 : i32
    %mul3A_204 = arith.muli %add3A_202, %mul3A_203 : i32
    %add3A_205 = arith.constant 2048 : i32
    %add3A_206 = arith.addi %mul3A_204, %add3A_205 : i32
    %mul3A_207 = arith.constant 128 : i32
    %mul3A_208 = arith.muli %arg1, %mul3A_207 : i32
    %add3A_209 = arith.addi %add3A_206, %mul3A_208 : i32
    %mul3A_210 = arith.constant 128 : i32
    %mul3A_211 = arith.muli %add3A_209, %mul3A_210 : i32
    "tpu.region"() ({
      %run_scoped3A = tpu.sem_alloc : memref<!tpu.dma_semaphore, #tpu.memory_space<semaphore_mem>>
      %dma_start3A = tpu.memref_slice %arg4[%mul3A_211] : memref<10485760xf32, #tpu.memory_space<hbm>> -> memref<16384xf32, #tpu.memory_space<hbm>>
      %dma_start3A_570 = tpu.memref_slice %arg10[%add3A_198] : memref<1052672xf32, #tpu.memory_space<vmem_shared>> -> memref<16384xf32, #tpu.memory_space<vmem_shared>>
      tpu.enqueue_dma source(%dma_start3A_570 : memref<16384xf32, #tpu.memory_space<vmem_shared>>) target(%dma_start3A : memref<16384xf32, #tpu.memory_space<hbm>>) target_semaphore(%run_scoped3A : memref<!tpu.dma_semaphore, #tpu.memory_space<semaphore_mem>>)
      %dma_wait3A = tpu.memref_slice %arg4[%mul3A_211] : memref<10485760xf32, #tpu.memory_space<hbm>> -> memref<16384xf32, #tpu.memory_space<hbm>>
      %dma_wait3A_571 = tpu.memref_slice %arg10[%add3A_198] : memref<1052672xf32, #tpu.memory_space<vmem_shared>> -> memref<16384xf32, #tpu.memory_space<vmem_shared>>
      tpu.wait_dma2 semaphore(%run_scoped3A : memref<!tpu.dma_semaphore, #tpu.memory_space<semaphore_mem>>) src(%dma_wait3A_571 : memref<16384xf32, #tpu.memory_space<vmem_shared>>) dst(%dma_wait3A : memref<16384xf32, #tpu.memory_space<hbm>>)
      tpu.yield
    }) : () -> ()
    %mul3A_212 = arith.constant 16384 : i32
    %mul3A_213 = arith.muli %arg1, %mul3A_212 : i32
    %add3A_214 = arith.constant 524288 : i32
    %add3A_215 = arith.addi %add3A_214, %mul3A_213 : i32
    %mul3A_216 = arith.constant 4 : i32
    %mul3A_217 = arith.muli %arg0, %mul3A_216 : i32
    %add3A_218 = arith.constant 2 : i32
    %add3A_219 = arith.addi %mul3A_217, %add3A_218 : i32
    %mul3A_220 = arith.constant 10240 : i32
    %mul3A_221 = arith.muli %add3A_219, %mul3A_220 : i32
    %add3A_222 = arith.constant 2048 : i32
    %add3A_223 = arith.addi %mul3A_221, %add3A_222 : i32
    %mul3A_224 = arith.constant 128 : i32
    %mul3A_225 = arith.muli %arg1, %mul3A_224 : i32
    %add3A_226 = arith.addi %add3A_223, %mul3A_225 : i32
    %mul3A_227 = arith.constant 128 : i32
    %mul3A_228 = arith.muli %add3A_226, %mul3A_227 : i32
    "tpu.region"() ({
      %run_scoped3A = tpu.sem_alloc : memref<!tpu.dma_semaphore, #tpu.memory_space<semaphore_mem>>
      %dma_start3A = tpu.memref_slice %arg4[%mul3A_228] : memref<10485760xf32, #tpu.memory_space<hbm>> -> memref<16384xf32, #tpu.memory_space<hbm>>
      %dma_start3A_570 = tpu.memref_slice %arg10[%add3A_215] : memref<1052672xf32, #tpu.memory_space<vmem_shared>> -> memref<16384xf32, #tpu.memory_space<vmem_shared>>
      tpu.enqueue_dma source(%dma_start3A_570 : memref<16384xf32, #tpu.memory_space<vmem_shared>>) target(%dma_start3A : memref<16384xf32, #tpu.memory_space<hbm>>) target_semaphore(%run_scoped3A : memref<!tpu.dma_semaphore, #tpu.memory_space<semaphore_mem>>)
      %dma_wait3A = tpu.memref_slice %arg4[%mul3A_228] : memref<10485760xf32, #tpu.memory_space<hbm>> -> memref<16384xf32, #tpu.memory_space<hbm>>
      %dma_wait3A_571 = tpu.memref_slice %arg10[%add3A_215] : memref<1052672xf32, #tpu.memory_space<vmem_shared>> -> memref<16384xf32, #tpu.memory_space<vmem_shared>>
      tpu.wait_dma2 semaphore(%run_scoped3A : memref<!tpu.dma_semaphore, #tpu.memory_space<semaphore_mem>>) src(%dma_wait3A_571 : memref<16384xf32, #tpu.memory_space<vmem_shared>>) dst(%dma_wait3A : memref<16384xf32, #tpu.memory_space<hbm>>)
      tpu.yield
    }) : () -> ()
    %mul3A_229 = arith.constant 16384 : i32
    %mul3A_230 = arith.muli %arg1, %mul3A_229 : i32
    %add3A_231 = arith.constant 786432 : i32
    %add3A_232 = arith.addi %add3A_231, %mul3A_230 : i32
    %mul3A_233 = arith.constant 4 : i32
    %mul3A_234 = arith.muli %arg0, %mul3A_233 : i32
    %add3A_235 = arith.constant 3 : i32
    %add3A_236 = arith.addi %mul3A_234, %add3A_235 : i32
    %mul3A_237 = arith.constant 10240 : i32
    %mul3A_238 = arith.muli %add3A_236, %mul3A_237 : i32
    %add3A_239 = arith.constant 2048 : i32
    %add3A_240 = arith.addi %mul3A_238, %add3A_239 : i32
    %mul3A_241 = arith.constant 128 : i32
    %mul3A_242 = arith.muli %arg1, %mul3A_241 : i32
    %add3A_243 = arith.addi %add3A_240, %mul3A_242 : i32
    %mul3A_244 = arith.constant 128 : i32
    %mul3A_245 = arith.muli %add3A_243, %mul3A_244 : i32
    "tpu.region"() ({
      %run_scoped3A = tpu.sem_alloc : memref<!tpu.dma_semaphore, #tpu.memory_space<semaphore_mem>>
      %dma_start3A = tpu.memref_slice %arg4[%mul3A_245] : memref<10485760xf32, #tpu.memory_space<hbm>> -> memref<16384xf32, #tpu.memory_space<hbm>>
      %dma_start3A_570 = tpu.memref_slice %arg10[%add3A_232] : memref<1052672xf32, #tpu.memory_space<vmem_shared>> -> memref<16384xf32, #tpu.memory_space<vmem_shared>>
      tpu.enqueue_dma source(%dma_start3A_570 : memref<16384xf32, #tpu.memory_space<vmem_shared>>) target(%dma_start3A : memref<16384xf32, #tpu.memory_space<hbm>>) target_semaphore(%run_scoped3A : memref<!tpu.dma_semaphore, #tpu.memory_space<semaphore_mem>>)
      %dma_wait3A = tpu.memref_slice %arg4[%mul3A_245] : memref<10485760xf32, #tpu.memory_space<hbm>> -> memref<16384xf32, #tpu.memory_space<hbm>>
      %dma_wait3A_571 = tpu.memref_slice %arg10[%add3A_232] : memref<1052672xf32, #tpu.memory_space<vmem_shared>> -> memref<16384xf32, #tpu.memory_space<vmem_shared>>
      tpu.wait_dma2 semaphore(%run_scoped3A : memref<!tpu.dma_semaphore, #tpu.memory_space<semaphore_mem>>) src(%dma_wait3A_571 : memref<16384xf32, #tpu.memory_space<vmem_shared>>) dst(%dma_wait3A : memref<16384xf32, #tpu.memory_space<hbm>>)
      tpu.yield
    }) : () -> ()
    %mul3A_246 = arith.constant 65536 : i32
    %mul3A_247 = arith.muli %arg1, %mul3A_246 : i32
    %add3A_248 = arith.constant 0 : i32
    %add3A_249 = arith.addi %mul3A_247, %add3A_248 : i32
    "tpu.region"() ({
      %run_scoped3A = tpu.sem_alloc : memref<!tpu.dma_semaphore, #tpu.memory_space<semaphore_mem>>
      %dma_start3A = tpu.memref_slice %arg10[%add3A_249] : memref<1052672xf32, #tpu.memory_space<vmem_shared>> -> memref<8192xf32, #tpu.memory_space<vmem_shared>>
      %dma_start3A_570 = tpu.memref_slice %arg10[%add3A_249] : memref<1052672xf32, #tpu.memory_space<vmem_shared>> -> memref<8192xf32, #tpu.memory_space<vmem_shared>>
      tpu.enqueue_dma source(%arg9 : memref<8192xf32, #tpu.memory_space<vmem>>) target(%dma_start3A_570 : memref<8192xf32, #tpu.memory_space<vmem_shared>>) target_semaphore(%run_scoped3A : memref<!tpu.dma_semaphore, #tpu.memory_space<semaphore_mem>>)
      %dma_wait3A = tpu.memref_slice %arg10[%add3A_249] : memref<1052672xf32, #tpu.memory_space<vmem_shared>> -> memref<8192xf32, #tpu.memory_space<vmem_shared>>
      %dma_wait3A_571 = tpu.memref_slice %arg10[%add3A_249] : memref<1052672xf32, #tpu.memory_space<vmem_shared>> -> memref<8192xf32, #tpu.memory_space<vmem_shared>>
      tpu.wait_dma2 semaphore(%run_scoped3A : memref<!tpu.dma_semaphore, #tpu.memory_space<semaphore_mem>>) src(%arg9 : memref<8192xf32, #tpu.memory_space<vmem>>) dst(%dma_wait3A_571 : memref<8192xf32, #tpu.memory_space<vmem_shared>>)
      tpu.yield
    }) : () -> ()
    %mul3A_250 = arith.constant 65536 : i32
    %mul3A_251 = arith.muli %arg1, %mul3A_250 : i32
    %add3A_252 = arith.constant 8192 : i32
    %add3A_253 = arith.addi %mul3A_251, %add3A_252 : i32
    "tpu.region"() ({
      %run_scoped3A = tpu.sem_alloc : memref<!tpu.dma_semaphore, #tpu.memory_space<semaphore_mem>>
      %dma_start3A = tpu.memref_slice %arg10[%add3A_253] : memref<1052672xf32, #tpu.memory_space<vmem_shared>> -> memref<8192xf32, #tpu.memory_space<vmem_shared>>
      %dma_start3A_570 = tpu.memref_slice %arg10[%add3A_253] : memref<1052672xf32, #tpu.memory_space<vmem_shared>> -> memref<8192xf32, #tpu.memory_space<vmem_shared>>
      tpu.enqueue_dma source(%arg9 : memref<8192xf32, #tpu.memory_space<vmem>>) target(%dma_start3A_570 : memref<8192xf32, #tpu.memory_space<vmem_shared>>) target_semaphore(%run_scoped3A : memref<!tpu.dma_semaphore, #tpu.memory_space<semaphore_mem>>)
      %dma_wait3A = tpu.memref_slice %arg10[%add3A_253] : memref<1052672xf32, #tpu.memory_space<vmem_shared>> -> memref<8192xf32, #tpu.memory_space<vmem_shared>>
      %dma_wait3A_571 = tpu.memref_slice %arg10[%add3A_253] : memref<1052672xf32, #tpu.memory_space<vmem_shared>> -> memref<8192xf32, #tpu.memory_space<vmem_shared>>
      tpu.wait_dma2 semaphore(%run_scoped3A : memref<!tpu.dma_semaphore, #tpu.memory_space<semaphore_mem>>) src(%arg9 : memref<8192xf32, #tpu.memory_space<vmem>>) dst(%dma_wait3A_571 : memref<8192xf32, #tpu.memory_space<vmem_shared>>)
      tpu.yield
    }) : () -> ()
    %mul3A_254 = arith.constant 65536 : i32
    %mul3A_255 = arith.muli %arg1, %mul3A_254 : i32
    %add3A_256 = arith.constant 16384 : i32
    %add3A_257 = arith.addi %mul3A_255, %add3A_256 : i32
    "tpu.region"() ({
      %run_scoped3A = tpu.sem_alloc : memref<!tpu.dma_semaphore, #tpu.memory_space<semaphore_mem>>
      %dma_start3A = tpu.memref_slice %arg10[%add3A_257] : memref<1052672xf32, #tpu.memory_space<vmem_shared>> -> memref<8192xf32, #tpu.memory_space<vmem_shared>>
      %dma_start3A_570 = tpu.memref_slice %arg10[%add3A_257] : memref<1052672xf32, #tpu.memory_space<vmem_shared>> -> memref<8192xf32, #tpu.memory_space<vmem_shared>>
      tpu.enqueue_dma source(%arg9 : memref<8192xf32, #tpu.memory_space<vmem>>) target(%dma_start3A_570 : memref<8192xf32, #tpu.memory_space<vmem_shared>>) target_semaphore(%run_scoped3A : memref<!tpu.dma_semaphore, #tpu.memory_space<semaphore_mem>>)
      %dma_wait3A = tpu.memref_slice %arg10[%add3A_257] : memref<1052672xf32, #tpu.memory_space<vmem_shared>> -> memref<8192xf32, #tpu.memory_space<vmem_shared>>
      %dma_wait3A_571 = tpu.memref_slice %arg10[%add3A_257] : memref<1052672xf32, #tpu.memory_space<vmem_shared>> -> memref<8192xf32, #tpu.memory_space<vmem_shared>>
      tpu.wait_dma2 semaphore(%run_scoped3A : memref<!tpu.dma_semaphore, #tpu.memory_space<semaphore_mem>>) src(%arg9 : memref<8192xf32, #tpu.memory_space<vmem>>) dst(%dma_wait3A_571 : memref<8192xf32, #tpu.memory_space<vmem_shared>>)
      tpu.yield
    }) : () -> ()
    %mul3A_258 = arith.constant 65536 : i32
    %mul3A_259 = arith.muli %arg1, %mul3A_258 : i32
    %add3A_260 = arith.constant 24576 : i32
    %add3A_261 = arith.addi %mul3A_259, %add3A_260 : i32
    "tpu.region"() ({
      %run_scoped3A = tpu.sem_alloc : memref<!tpu.dma_semaphore, #tpu.memory_space<semaphore_mem>>
      %dma_start3A = tpu.memref_slice %arg10[%add3A_261] : memref<1052672xf32, #tpu.memory_space<vmem_shared>> -> memref<8192xf32, #tpu.memory_space<vmem_shared>>
      %dma_start3A_570 = tpu.memref_slice %arg10[%add3A_261] : memref<1052672xf32, #tpu.memory_space<vmem_shared>> -> memref<8192xf32, #tpu.memory_space<vmem_shared>>
      tpu.enqueue_dma source(%arg9 : memref<8192xf32, #tpu.memory_space<vmem>>) target(%dma_start3A_570 : memref<8192xf32, #tpu.memory_space<vmem_shared>>) target_semaphore(%run_scoped3A : memref<!tpu.dma_semaphore, #tpu.memory_space<semaphore_mem>>)
      %dma_wait3A = tpu.memref_slice %arg10[%add3A_261] : memref<1052672xf32, #tpu.memory_space<vmem_shared>> -> memref<8192xf32, #tpu.memory_space<vmem_shared>>
      %dma_wait3A_571 = tpu.memref_slice %arg10[%add3A_261] : memref<1052672xf32, #tpu.memory_space<vmem_shared>> -> memref<8192xf32, #tpu.memory_space<vmem_shared>>
      tpu.wait_dma2 semaphore(%run_scoped3A : memref<!tpu.dma_semaphore, #tpu.memory_space<semaphore_mem>>) src(%arg9 : memref<8192xf32, #tpu.memory_space<vmem>>) dst(%dma_wait3A_571 : memref<8192xf32, #tpu.memory_space<vmem_shared>>)
      tpu.yield
    }) : () -> ()
    %mul3A_262 = arith.constant 65536 : i32
    %mul3A_263 = arith.muli %arg1, %mul3A_262 : i32
    %add3A_264 = arith.constant 32768 : i32
    %add3A_265 = arith.addi %mul3A_263, %add3A_264 : i32
    "tpu.region"() ({
      %run_scoped3A = tpu.sem_alloc : memref<!tpu.dma_semaphore, #tpu.memory_space<semaphore_mem>>
      %dma_start3A = tpu.memref_slice %arg10[%add3A_265] : memref<1052672xf32, #tpu.memory_space<vmem_shared>> -> memref<8192xf32, #tpu.memory_space<vmem_shared>>
      %dma_start3A_570 = tpu.memref_slice %arg10[%add3A_265] : memref<1052672xf32, #tpu.memory_space<vmem_shared>> -> memref<8192xf32, #tpu.memory_space<vmem_shared>>
      tpu.enqueue_dma source(%arg9 : memref<8192xf32, #tpu.memory_space<vmem>>) target(%dma_start3A_570 : memref<8192xf32, #tpu.memory_space<vmem_shared>>) target_semaphore(%run_scoped3A : memref<!tpu.dma_semaphore, #tpu.memory_space<semaphore_mem>>)
      %dma_wait3A = tpu.memref_slice %arg10[%add3A_265] : memref<1052672xf32, #tpu.memory_space<vmem_shared>> -> memref<8192xf32, #tpu.memory_space<vmem_shared>>
      %dma_wait3A_571 = tpu.memref_slice %arg10[%add3A_265] : memref<1052672xf32, #tpu.memory_space<vmem_shared>> -> memref<8192xf32, #tpu.memory_space<vmem_shared>>
      tpu.wait_dma2 semaphore(%run_scoped3A : memref<!tpu.dma_semaphore, #tpu.memory_space<semaphore_mem>>) src(%arg9 : memref<8192xf32, #tpu.memory_space<vmem>>) dst(%dma_wait3A_571 : memref<8192xf32, #tpu.memory_space<vmem_shared>>)
      tpu.yield
    }) : () -> ()
    %mul3A_266 = arith.constant 65536 : i32
    %mul3A_267 = arith.muli %arg1, %mul3A_266 : i32
    %add3A_268 = arith.constant 40960 : i32
    %add3A_269 = arith.addi %mul3A_267, %add3A_268 : i32
    "tpu.region"() ({
      %run_scoped3A = tpu.sem_alloc : memref<!tpu.dma_semaphore, #tpu.memory_space<semaphore_mem>>
      %dma_start3A = tpu.memref_slice %arg10[%add3A_269] : memref<1052672xf32, #tpu.memory_space<vmem_shared>> -> memref<8192xf32, #tpu.memory_space<vmem_shared>>
      %dma_start3A_570 = tpu.memref_slice %arg10[%add3A_269] : memref<1052672xf32, #tpu.memory_space<vmem_shared>> -> memref<8192xf32, #tpu.memory_space<vmem_shared>>
      tpu.enqueue_dma source(%arg9 : memref<8192xf32, #tpu.memory_space<vmem>>) target(%dma_start3A_570 : memref<8192xf32, #tpu.memory_space<vmem_shared>>) target_semaphore(%run_scoped3A : memref<!tpu.dma_semaphore, #tpu.memory_space<semaphore_mem>>)
      %dma_wait3A = tpu.memref_slice %arg10[%add3A_269] : memref<1052672xf32, #tpu.memory_space<vmem_shared>> -> memref<8192xf32, #tpu.memory_space<vmem_shared>>
      %dma_wait3A_571 = tpu.memref_slice %arg10[%add3A_269] : memref<1052672xf32, #tpu.memory_space<vmem_shared>> -> memref<8192xf32, #tpu.memory_space<vmem_shared>>
      tpu.wait_dma2 semaphore(%run_scoped3A : memref<!tpu.dma_semaphore, #tpu.memory_space<semaphore_mem>>) src(%arg9 : memref<8192xf32, #tpu.memory_space<vmem>>) dst(%dma_wait3A_571 : memref<8192xf32, #tpu.memory_space<vmem_shared>>)
      tpu.yield
    }) : () -> ()
    %mul3A_270 = arith.constant 65536 : i32
    %mul3A_271 = arith.muli %arg1, %mul3A_270 : i32
    %add3A_272 = arith.constant 49152 : i32
    %add3A_273 = arith.addi %mul3A_271, %add3A_272 : i32
    "tpu.region"() ({
      %run_scoped3A = tpu.sem_alloc : memref<!tpu.dma_semaphore, #tpu.memory_space<semaphore_mem>>
      %dma_start3A = tpu.memref_slice %arg10[%add3A_273] : memref<1052672xf32, #tpu.memory_space<vmem_shared>> -> memref<8192xf32, #tpu.memory_space<vmem_shared>>
      %dma_start3A_570 = tpu.memref_slice %arg10[%add3A_273] : memref<1052672xf32, #tpu.memory_space<vmem_shared>> -> memref<8192xf32, #tpu.memory_space<vmem_shared>>
      tpu.enqueue_dma source(%arg9 : memref<8192xf32, #tpu.memory_space<vmem>>) target(%dma_start3A_570 : memref<8192xf32, #tpu.memory_space<vmem_shared>>) target_semaphore(%run_scoped3A : memref<!tpu.dma_semaphore, #tpu.memory_space<semaphore_mem>>)
      %dma_wait3A = tpu.memref_slice %arg10[%add3A_273] : memref<1052672xf32, #tpu.memory_space<vmem_shared>> -> memref<8192xf32, #tpu.memory_space<vmem_shared>>
      %dma_wait3A_571 = tpu.memref_slice %arg10[%add3A_273] : memref<1052672xf32, #tpu.memory_space<vmem_shared>> -> memref<8192xf32, #tpu.memory_space<vmem_shared>>
      tpu.wait_dma2 semaphore(%run_scoped3A : memref<!tpu.dma_semaphore, #tpu.memory_space<semaphore_mem>>) src(%arg9 : memref<8192xf32, #tpu.memory_space<vmem>>) dst(%dma_wait3A_571 : memref<8192xf32, #tpu.memory_space<vmem_shared>>)
      tpu.yield
    }) : () -> ()
    %mul3A_274 = arith.constant 65536 : i32
    %mul3A_275 = arith.muli %arg1, %mul3A_274 : i32
    %add3A_276 = arith.constant 57344 : i32
    %add3A_277 = arith.addi %mul3A_275, %add3A_276 : i32
    "tpu.region"() ({
      %run_scoped3A = tpu.sem_alloc : memref<!tpu.dma_semaphore, #tpu.memory_space<semaphore_mem>>
      %dma_start3A = tpu.memref_slice %arg10[%add3A_277] : memref<1052672xf32, #tpu.memory_space<vmem_shared>> -> memref<8192xf32, #tpu.memory_space<vmem_shared>>
      %dma_start3A_570 = tpu.memref_slice %arg10[%add3A_277] : memref<1052672xf32, #tpu.memory_space<vmem_shared>> -> memref<8192xf32, #tpu.memory_space<vmem_shared>>
      tpu.enqueue_dma source(%arg9 : memref<8192xf32, #tpu.memory_space<vmem>>) target(%dma_start3A_570 : memref<8192xf32, #tpu.memory_space<vmem_shared>>) target_semaphore(%run_scoped3A : memref<!tpu.dma_semaphore, #tpu.memory_space<semaphore_mem>>)
      %dma_wait3A = tpu.memref_slice %arg10[%add3A_277] : memref<1052672xf32, #tpu.memory_space<vmem_shared>> -> memref<8192xf32, #tpu.memory_space<vmem_shared>>
      %dma_wait3A_571 = tpu.memref_slice %arg10[%add3A_277] : memref<1052672xf32, #tpu.memory_space<vmem_shared>> -> memref<8192xf32, #tpu.memory_space<vmem_shared>>
      tpu.wait_dma2 semaphore(%run_scoped3A : memref<!tpu.dma_semaphore, #tpu.memory_space<semaphore_mem>>) src(%arg9 : memref<8192xf32, #tpu.memory_space<vmem>>) dst(%dma_wait3A_571 : memref<8192xf32, #tpu.memory_space<vmem_shared>>)
      tpu.yield
    }) : () -> ()
    %barrier3A_278 = arith.constant 0 : index
    tpu.barrier barrier_id(%barrier3A_278)
    %scan3A_279 = arith.constant 0 : i32
    %scan3A_280 = arith.constant 0 : i32
    %scan3A_281 = arith.constant 625 : i32
    %scan3A_282 = arith.addi %scan3A_280, %scan3A_281 : i32
    %scan3A_283 = arith.constant 1 : i32
    scf.for %scan3A_570 = %scan3A_280 to %scan3A_282 step %scan3A_283  : i32 {
      %mul3A_571 = arith.constant 16 : i32
      %mul3A_572 = arith.muli %scan3A_570, %mul3A_571 : i32
      %add3A_573 = arith.addi %mul3A_4, %mul3A_572 : i32
      %get3A = arith.constant 1 : i32
      %get3A_574 = arith.index_cast %get3A : i32 to index
      %get3A_575 = arith.index_cast %add3A_573 : i32 to index
      %get3A_576 = tpu.vector_load %arg5[%get3A_574, %get3A_575] {strides = array<i32>} : memref<2x10240xi32, #tpu.memory_space<vmem>>, vector<1x16xi32>,
      %get3A_577 = vector.shape_cast %get3A_576 : vector<1x16xi32> to vector<16xi32>
      %sub3A_578 = arith.constant 2097152 : i32
      %sub3A_579 = vector.broadcast %sub3A_578 : i32 to vector<16xi32>
      %sub3A_580 = arith.subi %get3A_577, %sub3A_579 : vector<16xi32>
      %ge3A = arith.constant 0 : i32
      %ge3A_581 = vector.broadcast %ge3A : i32 to vector<16xi32>
      %ge3A_582 = arith.cmpi sge, %sub3A_580, %ge3A_581 : vector<16xi32>
      %lt3A = arith.constant 1048576 : i32
      %lt3A_583 = vector.broadcast %lt3A : i32 to vector<16xi32>
      %lt3A_584 = arith.cmpi slt, %sub3A_580, %lt3A_583 : vector<16xi32>
      %and3A = arith.andi %ge3A_582, %lt3A_584 : vector<16xi1>
      %shift_right_logical3A = arith.constant 7 : i32
      %shift_right_logical3A_585 = vector.broadcast %shift_right_logical3A : i32 to vector<16xi32>
      %shift_right_logical3A_586 = arith.shrui %sub3A_580, %shift_right_logical3A_585 : vector<16xi32>
      %and3A_587 = arith.constant 3 : i32
      %and3A_588 = vector.broadcast %and3A_587 : i32 to vector<16xi32>
      %and3A_589 = arith.andi %shift_right_logical3A_586, %and3A_588 : vector<16xi32>
      %shift_left3A = arith.constant 18 : i32
      %shift_left3A_590 = vector.broadcast %shift_left3A : i32 to vector<16xi32>
      %shift_left3A_591 = arith.shli %and3A_589, %shift_left3A_590 : vector<16xi32>
      %shift_right_logical3A_592 = arith.constant 9 : i32
      %shift_right_logical3A_593 = vector.broadcast %shift_right_logical3A_592 : i32 to vector<16xi32>
      %shift_right_logical3A_594 = arith.shrui %sub3A_580, %shift_right_logical3A_593 : vector<16xi32>
      %shift_left3A_595 = arith.constant 7 : i32
      %shift_left3A_596 = vector.broadcast %shift_left3A_595 : i32 to vector<16xi32>
      %shift_left3A_597 = arith.shli %shift_right_logical3A_594, %shift_left3A_596 : vector<16xi32>
      %add3A_598 = arith.addi %shift_left3A_591, %shift_left3A_597 : vector<16xi32>
      %and3A_599 = arith.constant 127 : i32
      %and3A_600 = vector.broadcast %and3A_599 : i32 to vector<16xi32>
      %and3A_601 = arith.andi %sub3A_580, %and3A_600 : vector<16xi32>
      %add3A_602 = arith.addi %add3A_598, %and3A_601 : vector<16xi32>
      %and3A_603 = arith.constant 4095 : i32
      %and3A_604 = vector.broadcast %and3A_603 : i32 to vector<16xi32>
      %and3A_605 = arith.andi %sub3A_580, %and3A_604 : vector<16xi32>
      %add3A_606 = arith.constant 1048576 : i32
      %add3A_607 = vector.broadcast %add3A_606 : i32 to vector<16xi32>
      %add3A_608 = arith.addi %add3A_607, %and3A_605 : vector<16xi32>
      %select_n3A = arith.select %and3A, %add3A_602, %add3A_608 : vector<16xi1>, vector<16xi32>
      %mul3A_609 = arith.constant 16 : i32
      %mul3A_610 = arith.muli %scan3A_570, %mul3A_609 : i32
      %swap3A = arith.index_cast %mul3A_610 : i32 to index
      %swap3A_611 = tpu.vector_load %arg7[%swap3A] {strides = array<i32>} : memref<10112xi32, #tpu.memory_space<vmem>>, vector<16xi32>,
      %swap3A_612 = vector.shape_cast %swap3A_611 : vector<16xi32> to vector<16xi32>
      %swap3A_613 = vector.shape_cast %select_n3A : vector<16xi32> to vector<16xi32>
      tpu.vector_store %arg7[%swap3A], %swap3A_613 {strides = array<i32>} : memref<10112xi32, #tpu.memory_space<vmem>>, vector<16xi32>,
    }
    %scan3A_284 = arith.constant 625 : i32
    "tpu.region"() ({
      %run_scoped3A = tpu.sem_alloc : memref<!tpu.dma_semaphore, #tpu.memory_space<semaphore_mem>>
      %dma_start3A = arith.constant 0 : i32
      %dma_start3A_570 = tpu.memref_slice %arg10[%dma_start3A] : memref<1052672xf32, #tpu.memory_space<vmem_shared>> -> memref<1052672xf32, #tpu.memory_space<vmem_shared>>
      tpu.enqueue_indirect_dma source(%arg8 : memref<10112xf32, #tpu.memory_space<vmem>>) target(%dma_start3A_570 : memref<1052672xf32, #tpu.memory_space<vmem_shared>>) offsets(%arg7 : memref<10112xi32, #tpu.memory_space<vmem>>) semaphore(%run_scoped3A : memref<!tpu.dma_semaphore, #tpu.memory_space<semaphore_mem>>) {add = true}
      %dma_wait3A = arith.constant 0 : i32
      %dma_wait3A_571 = tpu.memref_slice %arg10[%dma_wait3A] : memref<1052672xf32, #tpu.memory_space<vmem_shared>> -> memref<1052672xf32, #tpu.memory_space<vmem_shared>>
      tpu.wait_indirect_dma semaphore(%run_scoped3A : memref<!tpu.dma_semaphore, #tpu.memory_space<semaphore_mem>>) src(%arg8 : memref<10112xf32, #tpu.memory_space<vmem>>) dst(%dma_wait3A_571 : memref<1052672xf32, #tpu.memory_space<vmem_shared>>)
      tpu.yield
    }) : () -> ()
    %barrier3A_285 = arith.constant 0 : index
    tpu.barrier barrier_id(%barrier3A_285)
    %mul3A_286 = arith.constant 16384 : i32
    %mul3A_287 = arith.muli %arg1, %mul3A_286 : i32
    %add3A_288 = arith.constant 0 : i32
    %add3A_289 = arith.addi %add3A_288, %mul3A_287 : i32
    %mul3A_290 = arith.constant 4 : i32
    %mul3A_291 = arith.muli %arg0, %mul3A_290 : i32
    %add3A_292 = arith.constant 0 : i32
    %add3A_293 = arith.addi %mul3A_291, %add3A_292 : i32
    %mul3A_294 = arith.constant 10240 : i32
    %mul3A_295 = arith.muli %add3A_293, %mul3A_294 : i32
    %add3A_296 = arith.constant 4096 : i32
    %add3A_297 = arith.addi %mul3A_295, %add3A_296 : i32
    %mul3A_298 = arith.constant 128 : i32
    %mul3A_299 = arith.muli %arg1, %mul3A_298 : i32
    %add3A_300 = arith.addi %add3A_297, %mul3A_299 : i32
    %mul3A_301 = arith.constant 128 : i32
    %mul3A_302 = arith.muli %add3A_300, %mul3A_301 : i32
    "tpu.region"() ({
      %run_scoped3A = tpu.sem_alloc : memref<!tpu.dma_semaphore, #tpu.memory_space<semaphore_mem>>
      %dma_start3A = tpu.memref_slice %arg4[%mul3A_302] : memref<10485760xf32, #tpu.memory_space<hbm>> -> memref<16384xf32, #tpu.memory_space<hbm>>
      %dma_start3A_570 = tpu.memref_slice %arg10[%add3A_289] : memref<1052672xf32, #tpu.memory_space<vmem_shared>> -> memref<16384xf32, #tpu.memory_space<vmem_shared>>
      tpu.enqueue_dma source(%dma_start3A_570 : memref<16384xf32, #tpu.memory_space<vmem_shared>>) target(%dma_start3A : memref<16384xf32, #tpu.memory_space<hbm>>) target_semaphore(%run_scoped3A : memref<!tpu.dma_semaphore, #tpu.memory_space<semaphore_mem>>)
      %dma_wait3A = tpu.memref_slice %arg4[%mul3A_302] : memref<10485760xf32, #tpu.memory_space<hbm>> -> memref<16384xf32, #tpu.memory_space<hbm>>
      %dma_wait3A_571 = tpu.memref_slice %arg10[%add3A_289] : memref<1052672xf32, #tpu.memory_space<vmem_shared>> -> memref<16384xf32, #tpu.memory_space<vmem_shared>>
      tpu.wait_dma2 semaphore(%run_scoped3A : memref<!tpu.dma_semaphore, #tpu.memory_space<semaphore_mem>>) src(%dma_wait3A_571 : memref<16384xf32, #tpu.memory_space<vmem_shared>>) dst(%dma_wait3A : memref<16384xf32, #tpu.memory_space<hbm>>)
      tpu.yield
    }) : () -> ()
    %mul3A_303 = arith.constant 16384 : i32
    %mul3A_304 = arith.muli %arg1, %mul3A_303 : i32
    %add3A_305 = arith.constant 262144 : i32
    %add3A_306 = arith.addi %add3A_305, %mul3A_304 : i32
    %mul3A_307 = arith.constant 4 : i32
    %mul3A_308 = arith.muli %arg0, %mul3A_307 : i32
    %add3A_309 = arith.constant 1 : i32
    %add3A_310 = arith.addi %mul3A_308, %add3A_309 : i32
    %mul3A_311 = arith.constant 10240 : i32
    %mul3A_312 = arith.muli %add3A_310, %mul3A_311 : i32
    %add3A_313 = arith.constant 4096 : i32
    %add3A_314 = arith.addi %mul3A_312, %add3A_313 : i32
    %mul3A_315 = arith.constant 128 : i32
    %mul3A_316 = arith.muli %arg1, %mul3A_315 : i32
    %add3A_317 = arith.addi %add3A_314, %mul3A_316 : i32
    %mul3A_318 = arith.constant 128 : i32
    %mul3A_319 = arith.muli %add3A_317, %mul3A_318 : i32
    "tpu.region"() ({
      %run_scoped3A = tpu.sem_alloc : memref<!tpu.dma_semaphore, #tpu.memory_space<semaphore_mem>>
      %dma_start3A = tpu.memref_slice %arg4[%mul3A_319] : memref<10485760xf32, #tpu.memory_space<hbm>> -> memref<16384xf32, #tpu.memory_space<hbm>>
      %dma_start3A_570 = tpu.memref_slice %arg10[%add3A_306] : memref<1052672xf32, #tpu.memory_space<vmem_shared>> -> memref<16384xf32, #tpu.memory_space<vmem_shared>>
      tpu.enqueue_dma source(%dma_start3A_570 : memref<16384xf32, #tpu.memory_space<vmem_shared>>) target(%dma_start3A : memref<16384xf32, #tpu.memory_space<hbm>>) target_semaphore(%run_scoped3A : memref<!tpu.dma_semaphore, #tpu.memory_space<semaphore_mem>>)
      %dma_wait3A = tpu.memref_slice %arg4[%mul3A_319] : memref<10485760xf32, #tpu.memory_space<hbm>> -> memref<16384xf32, #tpu.memory_space<hbm>>
      %dma_wait3A_571 = tpu.memref_slice %arg10[%add3A_306] : memref<1052672xf32, #tpu.memory_space<vmem_shared>> -> memref<16384xf32, #tpu.memory_space<vmem_shared>>
      tpu.wait_dma2 semaphore(%run_scoped3A : memref<!tpu.dma_semaphore, #tpu.memory_space<semaphore_mem>>) src(%dma_wait3A_571 : memref<16384xf32, #tpu.memory_space<vmem_shared>>) dst(%dma_wait3A : memref<16384xf32, #tpu.memory_space<hbm>>)
      tpu.yield
    }) : () -> ()
    %mul3A_320 = arith.constant 16384 : i32
    %mul3A_321 = arith.muli %arg1, %mul3A_320 : i32
    %add3A_322 = arith.constant 524288 : i32
    %add3A_323 = arith.addi %add3A_322, %mul3A_321 : i32
    %mul3A_324 = arith.constant 4 : i32
    %mul3A_325 = arith.muli %arg0, %mul3A_324 : i32
    %add3A_326 = arith.constant 2 : i32
    %add3A_327 = arith.addi %mul3A_325, %add3A_326 : i32
    %mul3A_328 = arith.constant 10240 : i32
    %mul3A_329 = arith.muli %add3A_327, %mul3A_328 : i32
    %add3A_330 = arith.constant 4096 : i32
    %add3A_331 = arith.addi %mul3A_329, %add3A_330 : i32
    %mul3A_332 = arith.constant 128 : i32
    %mul3A_333 = arith.muli %arg1, %mul3A_332 : i32
    %add3A_334 = arith.addi %add3A_331, %mul3A_333 : i32
    %mul3A_335 = arith.constant 128 : i32
    %mul3A_336 = arith.muli %add3A_334, %mul3A_335 : i32
    "tpu.region"() ({
      %run_scoped3A = tpu.sem_alloc : memref<!tpu.dma_semaphore, #tpu.memory_space<semaphore_mem>>
      %dma_start3A = tpu.memref_slice %arg4[%mul3A_336] : memref<10485760xf32, #tpu.memory_space<hbm>> -> memref<16384xf32, #tpu.memory_space<hbm>>
      %dma_start3A_570 = tpu.memref_slice %arg10[%add3A_323] : memref<1052672xf32, #tpu.memory_space<vmem_shared>> -> memref<16384xf32, #tpu.memory_space<vmem_shared>>
      tpu.enqueue_dma source(%dma_start3A_570 : memref<16384xf32, #tpu.memory_space<vmem_shared>>) target(%dma_start3A : memref<16384xf32, #tpu.memory_space<hbm>>) target_semaphore(%run_scoped3A : memref<!tpu.dma_semaphore, #tpu.memory_space<semaphore_mem>>)
      %dma_wait3A = tpu.memref_slice %arg4[%mul3A_336] : memref<10485760xf32, #tpu.memory_space<hbm>> -> memref<16384xf32, #tpu.memory_space<hbm>>
      %dma_wait3A_571 = tpu.memref_slice %arg10[%add3A_323] : memref<1052672xf32, #tpu.memory_space<vmem_shared>> -> memref<16384xf32, #tpu.memory_space<vmem_shared>>
      tpu.wait_dma2 semaphore(%run_scoped3A : memref<!tpu.dma_semaphore, #tpu.memory_space<semaphore_mem>>) src(%dma_wait3A_571 : memref<16384xf32, #tpu.memory_space<vmem_shared>>) dst(%dma_wait3A : memref<16384xf32, #tpu.memory_space<hbm>>)
      tpu.yield
    }) : () -> ()
    %mul3A_337 = arith.constant 16384 : i32
    %mul3A_338 = arith.muli %arg1, %mul3A_337 : i32
    %add3A_339 = arith.constant 786432 : i32
    %add3A_340 = arith.addi %add3A_339, %mul3A_338 : i32
    %mul3A_341 = arith.constant 4 : i32
    %mul3A_342 = arith.muli %arg0, %mul3A_341 : i32
    %add3A_343 = arith.constant 3 : i32
    %add3A_344 = arith.addi %mul3A_342, %add3A_343 : i32
    %mul3A_345 = arith.constant 10240 : i32
    %mul3A_346 = arith.muli %add3A_344, %mul3A_345 : i32
    %add3A_347 = arith.constant 4096 : i32
    %add3A_348 = arith.addi %mul3A_346, %add3A_347 : i32
    %mul3A_349 = arith.constant 128 : i32
    %mul3A_350 = arith.muli %arg1, %mul3A_349 : i32
    %add3A_351 = arith.addi %add3A_348, %mul3A_350 : i32
    %mul3A_352 = arith.constant 128 : i32
    %mul3A_353 = arith.muli %add3A_351, %mul3A_352 : i32
    "tpu.region"() ({
      %run_scoped3A = tpu.sem_alloc : memref<!tpu.dma_semaphore, #tpu.memory_space<semaphore_mem>>
      %dma_start3A = tpu.memref_slice %arg4[%mul3A_353] : memref<10485760xf32, #tpu.memory_space<hbm>> -> memref<16384xf32, #tpu.memory_space<hbm>>
      %dma_start3A_570 = tpu.memref_slice %arg10[%add3A_340] : memref<1052672xf32, #tpu.memory_space<vmem_shared>> -> memref<16384xf32, #tpu.memory_space<vmem_shared>>
      tpu.enqueue_dma source(%dma_start3A_570 : memref<16384xf32, #tpu.memory_space<vmem_shared>>) target(%dma_start3A : memref<16384xf32, #tpu.memory_space<hbm>>) target_semaphore(%run_scoped3A : memref<!tpu.dma_semaphore, #tpu.memory_space<semaphore_mem>>)
      %dma_wait3A = tpu.memref_slice %arg4[%mul3A_353] : memref<10485760xf32, #tpu.memory_space<hbm>> -> memref<16384xf32, #tpu.memory_space<hbm>>
      %dma_wait3A_571 = tpu.memref_slice %arg10[%add3A_340] : memref<1052672xf32, #tpu.memory_space<vmem_shared>> -> memref<16384xf32, #tpu.memory_space<vmem_shared>>
      tpu.wait_dma2 semaphore(%run_scoped3A : memref<!tpu.dma_semaphore, #tpu.memory_space<semaphore_mem>>) src(%dma_wait3A_571 : memref<16384xf32, #tpu.memory_space<vmem_shared>>) dst(%dma_wait3A : memref<16384xf32, #tpu.memory_space<hbm>>)
      tpu.yield
    }) : () -> ()
    %mul3A_354 = arith.constant 65536 : i32
    %mul3A_355 = arith.muli %arg1, %mul3A_354 : i32
    %add3A_356 = arith.constant 0 : i32
    %add3A_357 = arith.addi %mul3A_355, %add3A_356 : i32
    "tpu.region"() ({
      %run_scoped3A = tpu.sem_alloc : memref<!tpu.dma_semaphore, #tpu.memory_space<semaphore_mem>>
      %dma_start3A = tpu.memref_slice %arg10[%add3A_357] : memref<1052672xf32, #tpu.memory_space<vmem_shared>> -> memref<8192xf32, #tpu.memory_space<vmem_shared>>
      %dma_start3A_570 = tpu.memref_slice %arg10[%add3A_357] : memref<1052672xf32, #tpu.memory_space<vmem_shared>> -> memref<8192xf32, #tpu.memory_space<vmem_shared>>
      tpu.enqueue_dma source(%arg9 : memref<8192xf32, #tpu.memory_space<vmem>>) target(%dma_start3A_570 : memref<8192xf32, #tpu.memory_space<vmem_shared>>) target_semaphore(%run_scoped3A : memref<!tpu.dma_semaphore, #tpu.memory_space<semaphore_mem>>)
      %dma_wait3A = tpu.memref_slice %arg10[%add3A_357] : memref<1052672xf32, #tpu.memory_space<vmem_shared>> -> memref<8192xf32, #tpu.memory_space<vmem_shared>>
      %dma_wait3A_571 = tpu.memref_slice %arg10[%add3A_357] : memref<1052672xf32, #tpu.memory_space<vmem_shared>> -> memref<8192xf32, #tpu.memory_space<vmem_shared>>
      tpu.wait_dma2 semaphore(%run_scoped3A : memref<!tpu.dma_semaphore, #tpu.memory_space<semaphore_mem>>) src(%arg9 : memref<8192xf32, #tpu.memory_space<vmem>>) dst(%dma_wait3A_571 : memref<8192xf32, #tpu.memory_space<vmem_shared>>)
      tpu.yield
    }) : () -> ()
    %mul3A_358 = arith.constant 65536 : i32
    %mul3A_359 = arith.muli %arg1, %mul3A_358 : i32
    %add3A_360 = arith.constant 8192 : i32
    %add3A_361 = arith.addi %mul3A_359, %add3A_360 : i32
    "tpu.region"() ({
      %run_scoped3A = tpu.sem_alloc : memref<!tpu.dma_semaphore, #tpu.memory_space<semaphore_mem>>
      %dma_start3A = tpu.memref_slice %arg10[%add3A_361] : memref<1052672xf32, #tpu.memory_space<vmem_shared>> -> memref<8192xf32, #tpu.memory_space<vmem_shared>>
      %dma_start3A_570 = tpu.memref_slice %arg10[%add3A_361] : memref<1052672xf32, #tpu.memory_space<vmem_shared>> -> memref<8192xf32, #tpu.memory_space<vmem_shared>>
      tpu.enqueue_dma source(%arg9 : memref<8192xf32, #tpu.memory_space<vmem>>) target(%dma_start3A_570 : memref<8192xf32, #tpu.memory_space<vmem_shared>>) target_semaphore(%run_scoped3A : memref<!tpu.dma_semaphore, #tpu.memory_space<semaphore_mem>>)
      %dma_wait3A = tpu.memref_slice %arg10[%add3A_361] : memref<1052672xf32, #tpu.memory_space<vmem_shared>> -> memref<8192xf32, #tpu.memory_space<vmem_shared>>
      %dma_wait3A_571 = tpu.memref_slice %arg10[%add3A_361] : memref<1052672xf32, #tpu.memory_space<vmem_shared>> -> memref<8192xf32, #tpu.memory_space<vmem_shared>>
      tpu.wait_dma2 semaphore(%run_scoped3A : memref<!tpu.dma_semaphore, #tpu.memory_space<semaphore_mem>>) src(%arg9 : memref<8192xf32, #tpu.memory_space<vmem>>) dst(%dma_wait3A_571 : memref<8192xf32, #tpu.memory_space<vmem_shared>>)
      tpu.yield
    }) : () -> ()
    %mul3A_362 = arith.constant 65536 : i32
    %mul3A_363 = arith.muli %arg1, %mul3A_362 : i32
    %add3A_364 = arith.constant 16384 : i32
    %add3A_365 = arith.addi %mul3A_363, %add3A_364 : i32
    "tpu.region"() ({
      %run_scoped3A = tpu.sem_alloc : memref<!tpu.dma_semaphore, #tpu.memory_space<semaphore_mem>>
      %dma_start3A = tpu.memref_slice %arg10[%add3A_365] : memref<1052672xf32, #tpu.memory_space<vmem_shared>> -> memref<8192xf32, #tpu.memory_space<vmem_shared>>
      %dma_start3A_570 = tpu.memref_slice %arg10[%add3A_365] : memref<1052672xf32, #tpu.memory_space<vmem_shared>> -> memref<8192xf32, #tpu.memory_space<vmem_shared>>
      tpu.enqueue_dma source(%arg9 : memref<8192xf32, #tpu.memory_space<vmem>>) target(%dma_start3A_570 : memref<8192xf32, #tpu.memory_space<vmem_shared>>) target_semaphore(%run_scoped3A : memref<!tpu.dma_semaphore, #tpu.memory_space<semaphore_mem>>)
      %dma_wait3A = tpu.memref_slice %arg10[%add3A_365] : memref<1052672xf32, #tpu.memory_space<vmem_shared>> -> memref<8192xf32, #tpu.memory_space<vmem_shared>>
      %dma_wait3A_571 = tpu.memref_slice %arg10[%add3A_365] : memref<1052672xf32, #tpu.memory_space<vmem_shared>> -> memref<8192xf32, #tpu.memory_space<vmem_shared>>
      tpu.wait_dma2 semaphore(%run_scoped3A : memref<!tpu.dma_semaphore, #tpu.memory_space<semaphore_mem>>) src(%arg9 : memref<8192xf32, #tpu.memory_space<vmem>>) dst(%dma_wait3A_571 : memref<8192xf32, #tpu.memory_space<vmem_shared>>)
      tpu.yield
    }) : () -> ()
    %mul3A_366 = arith.constant 65536 : i32
    %mul3A_367 = arith.muli %arg1, %mul3A_366 : i32
    %add3A_368 = arith.constant 24576 : i32
    %add3A_369 = arith.addi %mul3A_367, %add3A_368 : i32
    "tpu.region"() ({
      %run_scoped3A = tpu.sem_alloc : memref<!tpu.dma_semaphore, #tpu.memory_space<semaphore_mem>>
      %dma_start3A = tpu.memref_slice %arg10[%add3A_369] : memref<1052672xf32, #tpu.memory_space<vmem_shared>> -> memref<8192xf32, #tpu.memory_space<vmem_shared>>
      %dma_start3A_570 = tpu.memref_slice %arg10[%add3A_369] : memref<1052672xf32, #tpu.memory_space<vmem_shared>> -> memref<8192xf32, #tpu.memory_space<vmem_shared>>
      tpu.enqueue_dma source(%arg9 : memref<8192xf32, #tpu.memory_space<vmem>>) target(%dma_start3A_570 : memref<8192xf32, #tpu.memory_space<vmem_shared>>) target_semaphore(%run_scoped3A : memref<!tpu.dma_semaphore, #tpu.memory_space<semaphore_mem>>)
      %dma_wait3A = tpu.memref_slice %arg10[%add3A_369] : memref<1052672xf32, #tpu.memory_space<vmem_shared>> -> memref<8192xf32, #tpu.memory_space<vmem_shared>>
      %dma_wait3A_571 = tpu.memref_slice %arg10[%add3A_369] : memref<1052672xf32, #tpu.memory_space<vmem_shared>> -> memref<8192xf32, #tpu.memory_space<vmem_shared>>
      tpu.wait_dma2 semaphore(%run_scoped3A : memref<!tpu.dma_semaphore, #tpu.memory_space<semaphore_mem>>) src(%arg9 : memref<8192xf32, #tpu.memory_space<vmem>>) dst(%dma_wait3A_571 : memref<8192xf32, #tpu.memory_space<vmem_shared>>)
      tpu.yield
    }) : () -> ()
    %mul3A_370 = arith.constant 65536 : i32
    %mul3A_371 = arith.muli %arg1, %mul3A_370 : i32
    %add3A_372 = arith.constant 32768 : i32
    %add3A_373 = arith.addi %mul3A_371, %add3A_372 : i32
    "tpu.region"() ({
      %run_scoped3A = tpu.sem_alloc : memref<!tpu.dma_semaphore, #tpu.memory_space<semaphore_mem>>
      %dma_start3A = tpu.memref_slice %arg10[%add3A_373] : memref<1052672xf32, #tpu.memory_space<vmem_shared>> -> memref<8192xf32, #tpu.memory_space<vmem_shared>>
      %dma_start3A_570 = tpu.memref_slice %arg10[%add3A_373] : memref<1052672xf32, #tpu.memory_space<vmem_shared>> -> memref<8192xf32, #tpu.memory_space<vmem_shared>>
      tpu.enqueue_dma source(%arg9 : memref<8192xf32, #tpu.memory_space<vmem>>) target(%dma_start3A_570 : memref<8192xf32, #tpu.memory_space<vmem_shared>>) target_semaphore(%run_scoped3A : memref<!tpu.dma_semaphore, #tpu.memory_space<semaphore_mem>>)
      %dma_wait3A = tpu.memref_slice %arg10[%add3A_373] : memref<1052672xf32, #tpu.memory_space<vmem_shared>> -> memref<8192xf32, #tpu.memory_space<vmem_shared>>
      %dma_wait3A_571 = tpu.memref_slice %arg10[%add3A_373] : memref<1052672xf32, #tpu.memory_space<vmem_shared>> -> memref<8192xf32, #tpu.memory_space<vmem_shared>>
      tpu.wait_dma2 semaphore(%run_scoped3A : memref<!tpu.dma_semaphore, #tpu.memory_space<semaphore_mem>>) src(%arg9 : memref<8192xf32, #tpu.memory_space<vmem>>) dst(%dma_wait3A_571 : memref<8192xf32, #tpu.memory_space<vmem_shared>>)
      tpu.yield
    }) : () -> ()
    %mul3A_374 = arith.constant 65536 : i32
    %mul3A_375 = arith.muli %arg1, %mul3A_374 : i32
    %add3A_376 = arith.constant 40960 : i32
    %add3A_377 = arith.addi %mul3A_375, %add3A_376 : i32
    "tpu.region"() ({
      %run_scoped3A = tpu.sem_alloc : memref<!tpu.dma_semaphore, #tpu.memory_space<semaphore_mem>>
      %dma_start3A = tpu.memref_slice %arg10[%add3A_377] : memref<1052672xf32, #tpu.memory_space<vmem_shared>> -> memref<8192xf32, #tpu.memory_space<vmem_shared>>
      %dma_start3A_570 = tpu.memref_slice %arg10[%add3A_377] : memref<1052672xf32, #tpu.memory_space<vmem_shared>> -> memref<8192xf32, #tpu.memory_space<vmem_shared>>
      tpu.enqueue_dma source(%arg9 : memref<8192xf32, #tpu.memory_space<vmem>>) target(%dma_start3A_570 : memref<8192xf32, #tpu.memory_space<vmem_shared>>) target_semaphore(%run_scoped3A : memref<!tpu.dma_semaphore, #tpu.memory_space<semaphore_mem>>)
      %dma_wait3A = tpu.memref_slice %arg10[%add3A_377] : memref<1052672xf32, #tpu.memory_space<vmem_shared>> -> memref<8192xf32, #tpu.memory_space<vmem_shared>>
      %dma_wait3A_571 = tpu.memref_slice %arg10[%add3A_377] : memref<1052672xf32, #tpu.memory_space<vmem_shared>> -> memref<8192xf32, #tpu.memory_space<vmem_shared>>
      tpu.wait_dma2 semaphore(%run_scoped3A : memref<!tpu.dma_semaphore, #tpu.memory_space<semaphore_mem>>) src(%arg9 : memref<8192xf32, #tpu.memory_space<vmem>>) dst(%dma_wait3A_571 : memref<8192xf32, #tpu.memory_space<vmem_shared>>)
      tpu.yield
    }) : () -> ()
    %mul3A_378 = arith.constant 65536 : i32
    %mul3A_379 = arith.muli %arg1, %mul3A_378 : i32
    %add3A_380 = arith.constant 49152 : i32
    %add3A_381 = arith.addi %mul3A_379, %add3A_380 : i32
    "tpu.region"() ({
      %run_scoped3A = tpu.sem_alloc : memref<!tpu.dma_semaphore, #tpu.memory_space<semaphore_mem>>
      %dma_start3A = tpu.memref_slice %arg10[%add3A_381] : memref<1052672xf32, #tpu.memory_space<vmem_shared>> -> memref<8192xf32, #tpu.memory_space<vmem_shared>>
      %dma_start3A_570 = tpu.memref_slice %arg10[%add3A_381] : memref<1052672xf32, #tpu.memory_space<vmem_shared>> -> memref<8192xf32, #tpu.memory_space<vmem_shared>>
      tpu.enqueue_dma source(%arg9 : memref<8192xf32, #tpu.memory_space<vmem>>) target(%dma_start3A_570 : memref<8192xf32, #tpu.memory_space<vmem_shared>>) target_semaphore(%run_scoped3A : memref<!tpu.dma_semaphore, #tpu.memory_space<semaphore_mem>>)
      %dma_wait3A = tpu.memref_slice %arg10[%add3A_381] : memref<1052672xf32, #tpu.memory_space<vmem_shared>> -> memref<8192xf32, #tpu.memory_space<vmem_shared>>
      %dma_wait3A_571 = tpu.memref_slice %arg10[%add3A_381] : memref<1052672xf32, #tpu.memory_space<vmem_shared>> -> memref<8192xf32, #tpu.memory_space<vmem_shared>>
      tpu.wait_dma2 semaphore(%run_scoped3A : memref<!tpu.dma_semaphore, #tpu.memory_space<semaphore_mem>>) src(%arg9 : memref<8192xf32, #tpu.memory_space<vmem>>) dst(%dma_wait3A_571 : memref<8192xf32, #tpu.memory_space<vmem_shared>>)
      tpu.yield
    }) : () -> ()
    %mul3A_382 = arith.constant 65536 : i32
    %mul3A_383 = arith.muli %arg1, %mul3A_382 : i32
    %add3A_384 = arith.constant 57344 : i32
    %add3A_385 = arith.addi %mul3A_383, %add3A_384 : i32
    "tpu.region"() ({
      %run_scoped3A = tpu.sem_alloc : memref<!tpu.dma_semaphore, #tpu.memory_space<semaphore_mem>>
      %dma_start3A = tpu.memref_slice %arg10[%add3A_385] : memref<1052672xf32, #tpu.memory_space<vmem_shared>> -> memref<8192xf32, #tpu.memory_space<vmem_shared>>
      %dma_start3A_570 = tpu.memref_slice %arg10[%add3A_385] : memref<1052672xf32, #tpu.memory_space<vmem_shared>> -> memref<8192xf32, #tpu.memory_space<vmem_shared>>
      tpu.enqueue_dma source(%arg9 : memref<8192xf32, #tpu.memory_space<vmem>>) target(%dma_start3A_570 : memref<8192xf32, #tpu.memory_space<vmem_shared>>) target_semaphore(%run_scoped3A : memref<!tpu.dma_semaphore, #tpu.memory_space<semaphore_mem>>)
      %dma_wait3A = tpu.memref_slice %arg10[%add3A_385] : memref<1052672xf32, #tpu.memory_space<vmem_shared>> -> memref<8192xf32, #tpu.memory_space<vmem_shared>>
      %dma_wait3A_571 = tpu.memref_slice %arg10[%add3A_385] : memref<1052672xf32, #tpu.memory_space<vmem_shared>> -> memref<8192xf32, #tpu.memory_space<vmem_shared>>
      tpu.wait_dma2 semaphore(%run_scoped3A : memref<!tpu.dma_semaphore, #tpu.memory_space<semaphore_mem>>) src(%arg9 : memref<8192xf32, #tpu.memory_space<vmem>>) dst(%dma_wait3A_571 : memref<8192xf32, #tpu.memory_space<vmem_shared>>)
      tpu.yield
    }) : () -> ()
    %barrier3A_386 = arith.constant 0 : index
    tpu.barrier barrier_id(%barrier3A_386)
    %scan3A_387 = arith.constant 0 : i32
    %scan3A_388 = arith.constant 0 : i32
    %scan3A_389 = arith.constant 625 : i32
    %scan3A_390 = arith.addi %scan3A_388, %scan3A_389 : i32
    %scan3A_391 = arith.constant 1 : i32
    scf.for %scan3A_570 = %scan3A_388 to %scan3A_390 step %scan3A_391  : i32 {
      %mul3A_571 = arith.constant 16 : i32
      %mul3A_572 = arith.muli %scan3A_570, %mul3A_571 : i32
      %add3A_573 = arith.addi %mul3A_4, %mul3A_572 : i32
      %get3A = arith.constant 1 : i32
      %get3A_574 = arith.index_cast %get3A : i32 to index
      %get3A_575 = arith.index_cast %add3A_573 : i32 to index
      %get3A_576 = tpu.vector_load %arg5[%get3A_574, %get3A_575] {strides = array<i32>} : memref<2x10240xi32, #tpu.memory_space<vmem>>, vector<1x16xi32>,
      %get3A_577 = vector.shape_cast %get3A_576 : vector<1x16xi32> to vector<16xi32>
      %sub3A_578 = arith.constant 3145728 : i32
      %sub3A_579 = vector.broadcast %sub3A_578 : i32 to vector<16xi32>
      %sub3A_580 = arith.subi %get3A_577, %sub3A_579 : vector<16xi32>
      %ge3A = arith.constant 0 : i32
      %ge3A_581 = vector.broadcast %ge3A : i32 to vector<16xi32>
      %ge3A_582 = arith.cmpi sge, %sub3A_580, %ge3A_581 : vector<16xi32>
      %lt3A = arith.constant 1048576 : i32
      %lt3A_583 = vector.broadcast %lt3A : i32 to vector<16xi32>
      %lt3A_584 = arith.cmpi slt, %sub3A_580, %lt3A_583 : vector<16xi32>
      %and3A = arith.andi %ge3A_582, %lt3A_584 : vector<16xi1>
      %shift_right_logical3A = arith.constant 7 : i32
      %shift_right_logical3A_585 = vector.broadcast %shift_right_logical3A : i32 to vector<16xi32>
      %shift_right_logical3A_586 = arith.shrui %sub3A_580, %shift_right_logical3A_585 : vector<16xi32>
      %and3A_587 = arith.constant 3 : i32
      %and3A_588 = vector.broadcast %and3A_587 : i32 to vector<16xi32>
      %and3A_589 = arith.andi %shift_right_logical3A_586, %and3A_588 : vector<16xi32>
      %shift_left3A = arith.constant 18 : i32
      %shift_left3A_590 = vector.broadcast %shift_left3A : i32 to vector<16xi32>
      %shift_left3A_591 = arith.shli %and3A_589, %shift_left3A_590 : vector<16xi32>
      %shift_right_logical3A_592 = arith.constant 9 : i32
      %shift_right_logical3A_593 = vector.broadcast %shift_right_logical3A_592 : i32 to vector<16xi32>
      %shift_right_logical3A_594 = arith.shrui %sub3A_580, %shift_right_logical3A_593 : vector<16xi32>
      %shift_left3A_595 = arith.constant 7 : i32
      %shift_left3A_596 = vector.broadcast %shift_left3A_595 : i32 to vector<16xi32>
      %shift_left3A_597 = arith.shli %shift_right_logical3A_594, %shift_left3A_596 : vector<16xi32>
      %add3A_598 = arith.addi %shift_left3A_591, %shift_left3A_597 : vector<16xi32>
      %and3A_599 = arith.constant 127 : i32
      %and3A_600 = vector.broadcast %and3A_599 : i32 to vector<16xi32>
      %and3A_601 = arith.andi %sub3A_580, %and3A_600 : vector<16xi32>
      %add3A_602 = arith.addi %add3A_598, %and3A_601 : vector<16xi32>
      %and3A_603 = arith.constant 4095 : i32
      %and3A_604 = vector.broadcast %and3A_603 : i32 to vector<16xi32>
      %and3A_605 = arith.andi %sub3A_580, %and3A_604 : vector<16xi32>
      %add3A_606 = arith.constant 1048576 : i32
      %add3A_607 = vector.broadcast %add3A_606 : i32 to vector<16xi32>
      %add3A_608 = arith.addi %add3A_607, %and3A_605 : vector<16xi32>
      %select_n3A = arith.select %and3A, %add3A_602, %add3A_608 : vector<16xi1>, vector<16xi32>
      %mul3A_609 = arith.constant 16 : i32
      %mul3A_610 = arith.muli %scan3A_570, %mul3A_609 : i32
      %swap3A = arith.index_cast %mul3A_610 : i32 to index
      %swap3A_611 = tpu.vector_load %arg7[%swap3A] {strides = array<i32>} : memref<10112xi32, #tpu.memory_space<vmem>>, vector<16xi32>,
      %swap3A_612 = vector.shape_cast %swap3A_611 : vector<16xi32> to vector<16xi32>
      %swap3A_613 = vector.shape_cast %select_n3A : vector<16xi32> to vector<16xi32>
      tpu.vector_store %arg7[%swap3A], %swap3A_613 {strides = array<i32>} : memref<10112xi32, #tpu.memory_space<vmem>>, vector<16xi32>,
    }
    %scan3A_392 = arith.constant 625 : i32
    "tpu.region"() ({
      %run_scoped3A = tpu.sem_alloc : memref<!tpu.dma_semaphore, #tpu.memory_space<semaphore_mem>>
      %dma_start3A = arith.constant 0 : i32
      %dma_start3A_570 = tpu.memref_slice %arg10[%dma_start3A] : memref<1052672xf32, #tpu.memory_space<vmem_shared>> -> memref<1052672xf32, #tpu.memory_space<vmem_shared>>
      tpu.enqueue_indirect_dma source(%arg8 : memref<10112xf32, #tpu.memory_space<vmem>>) target(%dma_start3A_570 : memref<1052672xf32, #tpu.memory_space<vmem_shared>>) offsets(%arg7 : memref<10112xi32, #tpu.memory_space<vmem>>) semaphore(%run_scoped3A : memref<!tpu.dma_semaphore, #tpu.memory_space<semaphore_mem>>) {add = true}
      %dma_wait3A = arith.constant 0 : i32
      %dma_wait3A_571 = tpu.memref_slice %arg10[%dma_wait3A] : memref<1052672xf32, #tpu.memory_space<vmem_shared>> -> memref<1052672xf32, #tpu.memory_space<vmem_shared>>
      tpu.wait_indirect_dma semaphore(%run_scoped3A : memref<!tpu.dma_semaphore, #tpu.memory_space<semaphore_mem>>) src(%arg8 : memref<10112xf32, #tpu.memory_space<vmem>>) dst(%dma_wait3A_571 : memref<1052672xf32, #tpu.memory_space<vmem_shared>>)
      tpu.yield
    }) : () -> ()
    %barrier3A_393 = arith.constant 0 : index
    tpu.barrier barrier_id(%barrier3A_393)
    %mul3A_394 = arith.constant 16384 : i32
    %mul3A_395 = arith.muli %arg1, %mul3A_394 : i32
    %add3A_396 = arith.constant 0 : i32
    %add3A_397 = arith.addi %add3A_396, %mul3A_395 : i32
    %mul3A_398 = arith.constant 4 : i32
    %mul3A_399 = arith.muli %arg0, %mul3A_398 : i32
    %add3A_400 = arith.constant 0 : i32
    %add3A_401 = arith.addi %mul3A_399, %add3A_400 : i32
    %mul3A_402 = arith.constant 10240 : i32
    %mul3A_403 = arith.muli %add3A_401, %mul3A_402 : i32
    %add3A_404 = arith.constant 6144 : i32
    %add3A_405 = arith.addi %mul3A_403, %add3A_404 : i32
    %mul3A_406 = arith.constant 128 : i32
    %mul3A_407 = arith.muli %arg1, %mul3A_406 : i32
    %add3A_408 = arith.addi %add3A_405, %mul3A_407 : i32
    %mul3A_409 = arith.constant 128 : i32
    %mul3A_410 = arith.muli %add3A_408, %mul3A_409 : i32
    "tpu.region"() ({
      %run_scoped3A = tpu.sem_alloc : memref<!tpu.dma_semaphore, #tpu.memory_space<semaphore_mem>>
      %dma_start3A = tpu.memref_slice %arg4[%mul3A_410] : memref<10485760xf32, #tpu.memory_space<hbm>> -> memref<16384xf32, #tpu.memory_space<hbm>>
      %dma_start3A_570 = tpu.memref_slice %arg10[%add3A_397] : memref<1052672xf32, #tpu.memory_space<vmem_shared>> -> memref<16384xf32, #tpu.memory_space<vmem_shared>>
      tpu.enqueue_dma source(%dma_start3A_570 : memref<16384xf32, #tpu.memory_space<vmem_shared>>) target(%dma_start3A : memref<16384xf32, #tpu.memory_space<hbm>>) target_semaphore(%run_scoped3A : memref<!tpu.dma_semaphore, #tpu.memory_space<semaphore_mem>>)
      %dma_wait3A = tpu.memref_slice %arg4[%mul3A_410] : memref<10485760xf32, #tpu.memory_space<hbm>> -> memref<16384xf32, #tpu.memory_space<hbm>>
      %dma_wait3A_571 = tpu.memref_slice %arg10[%add3A_397] : memref<1052672xf32, #tpu.memory_space<vmem_shared>> -> memref<16384xf32, #tpu.memory_space<vmem_shared>>
      tpu.wait_dma2 semaphore(%run_scoped3A : memref<!tpu.dma_semaphore, #tpu.memory_space<semaphore_mem>>) src(%dma_wait3A_571 : memref<16384xf32, #tpu.memory_space<vmem_shared>>) dst(%dma_wait3A : memref<16384xf32, #tpu.memory_space<hbm>>)
      tpu.yield
    }) : () -> ()
    %mul3A_411 = arith.constant 16384 : i32
    %mul3A_412 = arith.muli %arg1, %mul3A_411 : i32
    %add3A_413 = arith.constant 262144 : i32
    %add3A_414 = arith.addi %add3A_413, %mul3A_412 : i32
    %mul3A_415 = arith.constant 4 : i32
    %mul3A_416 = arith.muli %arg0, %mul3A_415 : i32
    %add3A_417 = arith.constant 1 : i32
    %add3A_418 = arith.addi %mul3A_416, %add3A_417 : i32
    %mul3A_419 = arith.constant 10240 : i32
    %mul3A_420 = arith.muli %add3A_418, %mul3A_419 : i32
    %add3A_421 = arith.constant 6144 : i32
    %add3A_422 = arith.addi %mul3A_420, %add3A_421 : i32
    %mul3A_423 = arith.constant 128 : i32
    %mul3A_424 = arith.muli %arg1, %mul3A_423 : i32
    %add3A_425 = arith.addi %add3A_422, %mul3A_424 : i32
    %mul3A_426 = arith.constant 128 : i32
    %mul3A_427 = arith.muli %add3A_425, %mul3A_426 : i32
    "tpu.region"() ({
      %run_scoped3A = tpu.sem_alloc : memref<!tpu.dma_semaphore, #tpu.memory_space<semaphore_mem>>
      %dma_start3A = tpu.memref_slice %arg4[%mul3A_427] : memref<10485760xf32, #tpu.memory_space<hbm>> -> memref<16384xf32, #tpu.memory_space<hbm>>
      %dma_start3A_570 = tpu.memref_slice %arg10[%add3A_414] : memref<1052672xf32, #tpu.memory_space<vmem_shared>> -> memref<16384xf32, #tpu.memory_space<vmem_shared>>
      tpu.enqueue_dma source(%dma_start3A_570 : memref<16384xf32, #tpu.memory_space<vmem_shared>>) target(%dma_start3A : memref<16384xf32, #tpu.memory_space<hbm>>) target_semaphore(%run_scoped3A : memref<!tpu.dma_semaphore, #tpu.memory_space<semaphore_mem>>)
      %dma_wait3A = tpu.memref_slice %arg4[%mul3A_427] : memref<10485760xf32, #tpu.memory_space<hbm>> -> memref<16384xf32, #tpu.memory_space<hbm>>
      %dma_wait3A_571 = tpu.memref_slice %arg10[%add3A_414] : memref<1052672xf32, #tpu.memory_space<vmem_shared>> -> memref<16384xf32, #tpu.memory_space<vmem_shared>>
      tpu.wait_dma2 semaphore(%run_scoped3A : memref<!tpu.dma_semaphore, #tpu.memory_space<semaphore_mem>>) src(%dma_wait3A_571 : memref<16384xf32, #tpu.memory_space<vmem_shared>>) dst(%dma_wait3A : memref<16384xf32, #tpu.memory_space<hbm>>)
      tpu.yield
    }) : () -> ()
    %mul3A_428 = arith.constant 16384 : i32
    %mul3A_429 = arith.muli %arg1, %mul3A_428 : i32
    %add3A_430 = arith.constant 524288 : i32
    %add3A_431 = arith.addi %add3A_430, %mul3A_429 : i32
    %mul3A_432 = arith.constant 4 : i32
    %mul3A_433 = arith.muli %arg0, %mul3A_432 : i32
    %add3A_434 = arith.constant 2 : i32
    %add3A_435 = arith.addi %mul3A_433, %add3A_434 : i32
    %mul3A_436 = arith.constant 10240 : i32
    %mul3A_437 = arith.muli %add3A_435, %mul3A_436 : i32
    %add3A_438 = arith.constant 6144 : i32
    %add3A_439 = arith.addi %mul3A_437, %add3A_438 : i32
    %mul3A_440 = arith.constant 128 : i32
    %mul3A_441 = arith.muli %arg1, %mul3A_440 : i32
    %add3A_442 = arith.addi %add3A_439, %mul3A_441 : i32
    %mul3A_443 = arith.constant 128 : i32
    %mul3A_444 = arith.muli %add3A_442, %mul3A_443 : i32
    "tpu.region"() ({
      %run_scoped3A = tpu.sem_alloc : memref<!tpu.dma_semaphore, #tpu.memory_space<semaphore_mem>>
      %dma_start3A = tpu.memref_slice %arg4[%mul3A_444] : memref<10485760xf32, #tpu.memory_space<hbm>> -> memref<16384xf32, #tpu.memory_space<hbm>>
      %dma_start3A_570 = tpu.memref_slice %arg10[%add3A_431] : memref<1052672xf32, #tpu.memory_space<vmem_shared>> -> memref<16384xf32, #tpu.memory_space<vmem_shared>>
      tpu.enqueue_dma source(%dma_start3A_570 : memref<16384xf32, #tpu.memory_space<vmem_shared>>) target(%dma_start3A : memref<16384xf32, #tpu.memory_space<hbm>>) target_semaphore(%run_scoped3A : memref<!tpu.dma_semaphore, #tpu.memory_space<semaphore_mem>>)
      %dma_wait3A = tpu.memref_slice %arg4[%mul3A_444] : memref<10485760xf32, #tpu.memory_space<hbm>> -> memref<16384xf32, #tpu.memory_space<hbm>>
      %dma_wait3A_571 = tpu.memref_slice %arg10[%add3A_431] : memref<1052672xf32, #tpu.memory_space<vmem_shared>> -> memref<16384xf32, #tpu.memory_space<vmem_shared>>
      tpu.wait_dma2 semaphore(%run_scoped3A : memref<!tpu.dma_semaphore, #tpu.memory_space<semaphore_mem>>) src(%dma_wait3A_571 : memref<16384xf32, #tpu.memory_space<vmem_shared>>) dst(%dma_wait3A : memref<16384xf32, #tpu.memory_space<hbm>>)
      tpu.yield
    }) : () -> ()
    %mul3A_445 = arith.constant 16384 : i32
    %mul3A_446 = arith.muli %arg1, %mul3A_445 : i32
    %add3A_447 = arith.constant 786432 : i32
    %add3A_448 = arith.addi %add3A_447, %mul3A_446 : i32
    %mul3A_449 = arith.constant 4 : i32
    %mul3A_450 = arith.muli %arg0, %mul3A_449 : i32
    %add3A_451 = arith.constant 3 : i32
    %add3A_452 = arith.addi %mul3A_450, %add3A_451 : i32
    %mul3A_453 = arith.constant 10240 : i32
    %mul3A_454 = arith.muli %add3A_452, %mul3A_453 : i32
    %add3A_455 = arith.constant 6144 : i32
    %add3A_456 = arith.addi %mul3A_454, %add3A_455 : i32
    %mul3A_457 = arith.constant 128 : i32
    %mul3A_458 = arith.muli %arg1, %mul3A_457 : i32
    %add3A_459 = arith.addi %add3A_456, %mul3A_458 : i32
    %mul3A_460 = arith.constant 128 : i32
    %mul3A_461 = arith.muli %add3A_459, %mul3A_460 : i32
    "tpu.region"() ({
      %run_scoped3A = tpu.sem_alloc : memref<!tpu.dma_semaphore, #tpu.memory_space<semaphore_mem>>
      %dma_start3A = tpu.memref_slice %arg4[%mul3A_461] : memref<10485760xf32, #tpu.memory_space<hbm>> -> memref<16384xf32, #tpu.memory_space<hbm>>
      %dma_start3A_570 = tpu.memref_slice %arg10[%add3A_448] : memref<1052672xf32, #tpu.memory_space<vmem_shared>> -> memref<16384xf32, #tpu.memory_space<vmem_shared>>
      tpu.enqueue_dma source(%dma_start3A_570 : memref<16384xf32, #tpu.memory_space<vmem_shared>>) target(%dma_start3A : memref<16384xf32, #tpu.memory_space<hbm>>) target_semaphore(%run_scoped3A : memref<!tpu.dma_semaphore, #tpu.memory_space<semaphore_mem>>)
      %dma_wait3A = tpu.memref_slice %arg4[%mul3A_461] : memref<10485760xf32, #tpu.memory_space<hbm>> -> memref<16384xf32, #tpu.memory_space<hbm>>
      %dma_wait3A_571 = tpu.memref_slice %arg10[%add3A_448] : memref<1052672xf32, #tpu.memory_space<vmem_shared>> -> memref<16384xf32, #tpu.memory_space<vmem_shared>>
      tpu.wait_dma2 semaphore(%run_scoped3A : memref<!tpu.dma_semaphore, #tpu.memory_space<semaphore_mem>>) src(%dma_wait3A_571 : memref<16384xf32, #tpu.memory_space<vmem_shared>>) dst(%dma_wait3A : memref<16384xf32, #tpu.memory_space<hbm>>)
      tpu.yield
    }) : () -> ()
    %mul3A_462 = arith.constant 65536 : i32
    %mul3A_463 = arith.muli %arg1, %mul3A_462 : i32
    %add3A_464 = arith.constant 0 : i32
    %add3A_465 = arith.addi %mul3A_463, %add3A_464 : i32
    "tpu.region"() ({
      %run_scoped3A = tpu.sem_alloc : memref<!tpu.dma_semaphore, #tpu.memory_space<semaphore_mem>>
      %dma_start3A = tpu.memref_slice %arg10[%add3A_465] : memref<1052672xf32, #tpu.memory_space<vmem_shared>> -> memref<8192xf32, #tpu.memory_space<vmem_shared>>
      %dma_start3A_570 = tpu.memref_slice %arg10[%add3A_465] : memref<1052672xf32, #tpu.memory_space<vmem_shared>> -> memref<8192xf32, #tpu.memory_space<vmem_shared>>
      tpu.enqueue_dma source(%arg9 : memref<8192xf32, #tpu.memory_space<vmem>>) target(%dma_start3A_570 : memref<8192xf32, #tpu.memory_space<vmem_shared>>) target_semaphore(%run_scoped3A : memref<!tpu.dma_semaphore, #tpu.memory_space<semaphore_mem>>)
      %dma_wait3A = tpu.memref_slice %arg10[%add3A_465] : memref<1052672xf32, #tpu.memory_space<vmem_shared>> -> memref<8192xf32, #tpu.memory_space<vmem_shared>>
      %dma_wait3A_571 = tpu.memref_slice %arg10[%add3A_465] : memref<1052672xf32, #tpu.memory_space<vmem_shared>> -> memref<8192xf32, #tpu.memory_space<vmem_shared>>
      tpu.wait_dma2 semaphore(%run_scoped3A : memref<!tpu.dma_semaphore, #tpu.memory_space<semaphore_mem>>) src(%arg9 : memref<8192xf32, #tpu.memory_space<vmem>>) dst(%dma_wait3A_571 : memref<8192xf32, #tpu.memory_space<vmem_shared>>)
      tpu.yield
    }) : () -> ()
    %mul3A_466 = arith.constant 65536 : i32
    %mul3A_467 = arith.muli %arg1, %mul3A_466 : i32
    %add3A_468 = arith.constant 8192 : i32
    %add3A_469 = arith.addi %mul3A_467, %add3A_468 : i32
    "tpu.region"() ({
      %run_scoped3A = tpu.sem_alloc : memref<!tpu.dma_semaphore, #tpu.memory_space<semaphore_mem>>
      %dma_start3A = tpu.memref_slice %arg10[%add3A_469] : memref<1052672xf32, #tpu.memory_space<vmem_shared>> -> memref<8192xf32, #tpu.memory_space<vmem_shared>>
      %dma_start3A_570 = tpu.memref_slice %arg10[%add3A_469] : memref<1052672xf32, #tpu.memory_space<vmem_shared>> -> memref<8192xf32, #tpu.memory_space<vmem_shared>>
      tpu.enqueue_dma source(%arg9 : memref<8192xf32, #tpu.memory_space<vmem>>) target(%dma_start3A_570 : memref<8192xf32, #tpu.memory_space<vmem_shared>>) target_semaphore(%run_scoped3A : memref<!tpu.dma_semaphore, #tpu.memory_space<semaphore_mem>>)
      %dma_wait3A = tpu.memref_slice %arg10[%add3A_469] : memref<1052672xf32, #tpu.memory_space<vmem_shared>> -> memref<8192xf32, #tpu.memory_space<vmem_shared>>
      %dma_wait3A_571 = tpu.memref_slice %arg10[%add3A_469] : memref<1052672xf32, #tpu.memory_space<vmem_shared>> -> memref<8192xf32, #tpu.memory_space<vmem_shared>>
      tpu.wait_dma2 semaphore(%run_scoped3A : memref<!tpu.dma_semaphore, #tpu.memory_space<semaphore_mem>>) src(%arg9 : memref<8192xf32, #tpu.memory_space<vmem>>) dst(%dma_wait3A_571 : memref<8192xf32, #tpu.memory_space<vmem_shared>>)
      tpu.yield
    }) : () -> ()
    %mul3A_470 = arith.constant 65536 : i32
    %mul3A_471 = arith.muli %arg1, %mul3A_470 : i32
    %add3A_472 = arith.constant 16384 : i32
    %add3A_473 = arith.addi %mul3A_471, %add3A_472 : i32
    "tpu.region"() ({
      %run_scoped3A = tpu.sem_alloc : memref<!tpu.dma_semaphore, #tpu.memory_space<semaphore_mem>>
      %dma_start3A = tpu.memref_slice %arg10[%add3A_473] : memref<1052672xf32, #tpu.memory_space<vmem_shared>> -> memref<8192xf32, #tpu.memory_space<vmem_shared>>
      %dma_start3A_570 = tpu.memref_slice %arg10[%add3A_473] : memref<1052672xf32, #tpu.memory_space<vmem_shared>> -> memref<8192xf32, #tpu.memory_space<vmem_shared>>
      tpu.enqueue_dma source(%arg9 : memref<8192xf32, #tpu.memory_space<vmem>>) target(%dma_start3A_570 : memref<8192xf32, #tpu.memory_space<vmem_shared>>) target_semaphore(%run_scoped3A : memref<!tpu.dma_semaphore, #tpu.memory_space<semaphore_mem>>)
      %dma_wait3A = tpu.memref_slice %arg10[%add3A_473] : memref<1052672xf32, #tpu.memory_space<vmem_shared>> -> memref<8192xf32, #tpu.memory_space<vmem_shared>>
      %dma_wait3A_571 = tpu.memref_slice %arg10[%add3A_473] : memref<1052672xf32, #tpu.memory_space<vmem_shared>> -> memref<8192xf32, #tpu.memory_space<vmem_shared>>
      tpu.wait_dma2 semaphore(%run_scoped3A : memref<!tpu.dma_semaphore, #tpu.memory_space<semaphore_mem>>) src(%arg9 : memref<8192xf32, #tpu.memory_space<vmem>>) dst(%dma_wait3A_571 : memref<8192xf32, #tpu.memory_space<vmem_shared>>)
      tpu.yield
    }) : () -> ()
    %mul3A_474 = arith.constant 65536 : i32
    %mul3A_475 = arith.muli %arg1, %mul3A_474 : i32
    %add3A_476 = arith.constant 24576 : i32
    %add3A_477 = arith.addi %mul3A_475, %add3A_476 : i32
    "tpu.region"() ({
      %run_scoped3A = tpu.sem_alloc : memref<!tpu.dma_semaphore, #tpu.memory_space<semaphore_mem>>
      %dma_start3A = tpu.memref_slice %arg10[%add3A_477] : memref<1052672xf32, #tpu.memory_space<vmem_shared>> -> memref<8192xf32, #tpu.memory_space<vmem_shared>>
      %dma_start3A_570 = tpu.memref_slice %arg10[%add3A_477] : memref<1052672xf32, #tpu.memory_space<vmem_shared>> -> memref<8192xf32, #tpu.memory_space<vmem_shared>>
      tpu.enqueue_dma source(%arg9 : memref<8192xf32, #tpu.memory_space<vmem>>) target(%dma_start3A_570 : memref<8192xf32, #tpu.memory_space<vmem_shared>>) target_semaphore(%run_scoped3A : memref<!tpu.dma_semaphore, #tpu.memory_space<semaphore_mem>>)
      %dma_wait3A = tpu.memref_slice %arg10[%add3A_477] : memref<1052672xf32, #tpu.memory_space<vmem_shared>> -> memref<8192xf32, #tpu.memory_space<vmem_shared>>
      %dma_wait3A_571 = tpu.memref_slice %arg10[%add3A_477] : memref<1052672xf32, #tpu.memory_space<vmem_shared>> -> memref<8192xf32, #tpu.memory_space<vmem_shared>>
      tpu.wait_dma2 semaphore(%run_scoped3A : memref<!tpu.dma_semaphore, #tpu.memory_space<semaphore_mem>>) src(%arg9 : memref<8192xf32, #tpu.memory_space<vmem>>) dst(%dma_wait3A_571 : memref<8192xf32, #tpu.memory_space<vmem_shared>>)
      tpu.yield
    }) : () -> ()
    %mul3A_478 = arith.constant 65536 : i32
    %mul3A_479 = arith.muli %arg1, %mul3A_478 : i32
    %add3A_480 = arith.constant 32768 : i32
    %add3A_481 = arith.addi %mul3A_479, %add3A_480 : i32
    "tpu.region"() ({
      %run_scoped3A = tpu.sem_alloc : memref<!tpu.dma_semaphore, #tpu.memory_space<semaphore_mem>>
      %dma_start3A = tpu.memref_slice %arg10[%add3A_481] : memref<1052672xf32, #tpu.memory_space<vmem_shared>> -> memref<8192xf32, #tpu.memory_space<vmem_shared>>
      %dma_start3A_570 = tpu.memref_slice %arg10[%add3A_481] : memref<1052672xf32, #tpu.memory_space<vmem_shared>> -> memref<8192xf32, #tpu.memory_space<vmem_shared>>
      tpu.enqueue_dma source(%arg9 : memref<8192xf32, #tpu.memory_space<vmem>>) target(%dma_start3A_570 : memref<8192xf32, #tpu.memory_space<vmem_shared>>) target_semaphore(%run_scoped3A : memref<!tpu.dma_semaphore, #tpu.memory_space<semaphore_mem>>)
      %dma_wait3A = tpu.memref_slice %arg10[%add3A_481] : memref<1052672xf32, #tpu.memory_space<vmem_shared>> -> memref<8192xf32, #tpu.memory_space<vmem_shared>>
      %dma_wait3A_571 = tpu.memref_slice %arg10[%add3A_481] : memref<1052672xf32, #tpu.memory_space<vmem_shared>> -> memref<8192xf32, #tpu.memory_space<vmem_shared>>
      tpu.wait_dma2 semaphore(%run_scoped3A : memref<!tpu.dma_semaphore, #tpu.memory_space<semaphore_mem>>) src(%arg9 : memref<8192xf32, #tpu.memory_space<vmem>>) dst(%dma_wait3A_571 : memref<8192xf32, #tpu.memory_space<vmem_shared>>)
      tpu.yield
    }) : () -> ()
    %mul3A_482 = arith.constant 65536 : i32
    %mul3A_483 = arith.muli %arg1, %mul3A_482 : i32
    %add3A_484 = arith.constant 40960 : i32
    %add3A_485 = arith.addi %mul3A_483, %add3A_484 : i32
    "tpu.region"() ({
      %run_scoped3A = tpu.sem_alloc : memref<!tpu.dma_semaphore, #tpu.memory_space<semaphore_mem>>
      %dma_start3A = tpu.memref_slice %arg10[%add3A_485] : memref<1052672xf32, #tpu.memory_space<vmem_shared>> -> memref<8192xf32, #tpu.memory_space<vmem_shared>>
      %dma_start3A_570 = tpu.memref_slice %arg10[%add3A_485] : memref<1052672xf32, #tpu.memory_space<vmem_shared>> -> memref<8192xf32, #tpu.memory_space<vmem_shared>>
      tpu.enqueue_dma source(%arg9 : memref<8192xf32, #tpu.memory_space<vmem>>) target(%dma_start3A_570 : memref<8192xf32, #tpu.memory_space<vmem_shared>>) target_semaphore(%run_scoped3A : memref<!tpu.dma_semaphore, #tpu.memory_space<semaphore_mem>>)
      %dma_wait3A = tpu.memref_slice %arg10[%add3A_485] : memref<1052672xf32, #tpu.memory_space<vmem_shared>> -> memref<8192xf32, #tpu.memory_space<vmem_shared>>
      %dma_wait3A_571 = tpu.memref_slice %arg10[%add3A_485] : memref<1052672xf32, #tpu.memory_space<vmem_shared>> -> memref<8192xf32, #tpu.memory_space<vmem_shared>>
      tpu.wait_dma2 semaphore(%run_scoped3A : memref<!tpu.dma_semaphore, #tpu.memory_space<semaphore_mem>>) src(%arg9 : memref<8192xf32, #tpu.memory_space<vmem>>) dst(%dma_wait3A_571 : memref<8192xf32, #tpu.memory_space<vmem_shared>>)
      tpu.yield
    }) : () -> ()
    %mul3A_486 = arith.constant 65536 : i32
    %mul3A_487 = arith.muli %arg1, %mul3A_486 : i32
    %add3A_488 = arith.constant 49152 : i32
    %add3A_489 = arith.addi %mul3A_487, %add3A_488 : i32
    "tpu.region"() ({
      %run_scoped3A = tpu.sem_alloc : memref<!tpu.dma_semaphore, #tpu.memory_space<semaphore_mem>>
      %dma_start3A = tpu.memref_slice %arg10[%add3A_489] : memref<1052672xf32, #tpu.memory_space<vmem_shared>> -> memref<8192xf32, #tpu.memory_space<vmem_shared>>
      %dma_start3A_570 = tpu.memref_slice %arg10[%add3A_489] : memref<1052672xf32, #tpu.memory_space<vmem_shared>> -> memref<8192xf32, #tpu.memory_space<vmem_shared>>
      tpu.enqueue_dma source(%arg9 : memref<8192xf32, #tpu.memory_space<vmem>>) target(%dma_start3A_570 : memref<8192xf32, #tpu.memory_space<vmem_shared>>) target_semaphore(%run_scoped3A : memref<!tpu.dma_semaphore, #tpu.memory_space<semaphore_mem>>)
      %dma_wait3A = tpu.memref_slice %arg10[%add3A_489] : memref<1052672xf32, #tpu.memory_space<vmem_shared>> -> memref<8192xf32, #tpu.memory_space<vmem_shared>>
      %dma_wait3A_571 = tpu.memref_slice %arg10[%add3A_489] : memref<1052672xf32, #tpu.memory_space<vmem_shared>> -> memref<8192xf32, #tpu.memory_space<vmem_shared>>
      tpu.wait_dma2 semaphore(%run_scoped3A : memref<!tpu.dma_semaphore, #tpu.memory_space<semaphore_mem>>) src(%arg9 : memref<8192xf32, #tpu.memory_space<vmem>>) dst(%dma_wait3A_571 : memref<8192xf32, #tpu.memory_space<vmem_shared>>)
      tpu.yield
    }) : () -> ()
    %mul3A_490 = arith.constant 65536 : i32
    %mul3A_491 = arith.muli %arg1, %mul3A_490 : i32
    %add3A_492 = arith.constant 57344 : i32
    %add3A_493 = arith.addi %mul3A_491, %add3A_492 : i32
    "tpu.region"() ({
      %run_scoped3A = tpu.sem_alloc : memref<!tpu.dma_semaphore, #tpu.memory_space<semaphore_mem>>
      %dma_start3A = tpu.memref_slice %arg10[%add3A_493] : memref<1052672xf32, #tpu.memory_space<vmem_shared>> -> memref<8192xf32, #tpu.memory_space<vmem_shared>>
      %dma_start3A_570 = tpu.memref_slice %arg10[%add3A_493] : memref<1052672xf32, #tpu.memory_space<vmem_shared>> -> memref<8192xf32, #tpu.memory_space<vmem_shared>>
      tpu.enqueue_dma source(%arg9 : memref<8192xf32, #tpu.memory_space<vmem>>) target(%dma_start3A_570 : memref<8192xf32, #tpu.memory_space<vmem_shared>>) target_semaphore(%run_scoped3A : memref<!tpu.dma_semaphore, #tpu.memory_space<semaphore_mem>>)
      %dma_wait3A = tpu.memref_slice %arg10[%add3A_493] : memref<1052672xf32, #tpu.memory_space<vmem_shared>> -> memref<8192xf32, #tpu.memory_space<vmem_shared>>
      %dma_wait3A_571 = tpu.memref_slice %arg10[%add3A_493] : memref<1052672xf32, #tpu.memory_space<vmem_shared>> -> memref<8192xf32, #tpu.memory_space<vmem_shared>>
      tpu.wait_dma2 semaphore(%run_scoped3A : memref<!tpu.dma_semaphore, #tpu.memory_space<semaphore_mem>>) src(%arg9 : memref<8192xf32, #tpu.memory_space<vmem>>) dst(%dma_wait3A_571 : memref<8192xf32, #tpu.memory_space<vmem_shared>>)
      tpu.yield
    }) : () -> ()
    %barrier3A_494 = arith.constant 0 : index
    tpu.barrier barrier_id(%barrier3A_494)
    %scan3A_495 = arith.constant 0 : i32
    %scan3A_496 = arith.constant 0 : i32
    %scan3A_497 = arith.constant 625 : i32
    %scan3A_498 = arith.addi %scan3A_496, %scan3A_497 : i32
    %scan3A_499 = arith.constant 1 : i32
    scf.for %scan3A_570 = %scan3A_496 to %scan3A_498 step %scan3A_499  : i32 {
      %mul3A_571 = arith.constant 16 : i32
      %mul3A_572 = arith.muli %scan3A_570, %mul3A_571 : i32
      %add3A_573 = arith.addi %mul3A_4, %mul3A_572 : i32
      %get3A = arith.constant 1 : i32
      %get3A_574 = arith.index_cast %get3A : i32 to index
      %get3A_575 = arith.index_cast %add3A_573 : i32 to index
      %get3A_576 = tpu.vector_load %arg5[%get3A_574, %get3A_575] {strides = array<i32>} : memref<2x10240xi32, #tpu.memory_space<vmem>>, vector<1x16xi32>,
      %get3A_577 = vector.shape_cast %get3A_576 : vector<1x16xi32> to vector<16xi32>
      %sub3A_578 = arith.constant 4194304 : i32
      %sub3A_579 = vector.broadcast %sub3A_578 : i32 to vector<16xi32>
      %sub3A_580 = arith.subi %get3A_577, %sub3A_579 : vector<16xi32>
      %ge3A = arith.constant 0 : i32
      %ge3A_581 = vector.broadcast %ge3A : i32 to vector<16xi32>
      %ge3A_582 = arith.cmpi sge, %sub3A_580, %ge3A_581 : vector<16xi32>
      %lt3A = arith.constant 1048576 : i32
      %lt3A_583 = vector.broadcast %lt3A : i32 to vector<16xi32>
      %lt3A_584 = arith.cmpi slt, %sub3A_580, %lt3A_583 : vector<16xi32>
      %and3A = arith.andi %ge3A_582, %lt3A_584 : vector<16xi1>
      %shift_right_logical3A = arith.constant 7 : i32
      %shift_right_logical3A_585 = vector.broadcast %shift_right_logical3A : i32 to vector<16xi32>
      %shift_right_logical3A_586 = arith.shrui %sub3A_580, %shift_right_logical3A_585 : vector<16xi32>
      %and3A_587 = arith.constant 3 : i32
      %and3A_588 = vector.broadcast %and3A_587 : i32 to vector<16xi32>
      %and3A_589 = arith.andi %shift_right_logical3A_586, %and3A_588 : vector<16xi32>
      %shift_left3A = arith.constant 18 : i32
      %shift_left3A_590 = vector.broadcast %shift_left3A : i32 to vector<16xi32>
      %shift_left3A_591 = arith.shli %and3A_589, %shift_left3A_590 : vector<16xi32>
      %shift_right_logical3A_592 = arith.constant 9 : i32
      %shift_right_logical3A_593 = vector.broadcast %shift_right_logical3A_592 : i32 to vector<16xi32>
      %shift_right_logical3A_594 = arith.shrui %sub3A_580, %shift_right_logical3A_593 : vector<16xi32>
      %shift_left3A_595 = arith.constant 7 : i32
      %shift_left3A_596 = vector.broadcast %shift_left3A_595 : i32 to vector<16xi32>
      %shift_left3A_597 = arith.shli %shift_right_logical3A_594, %shift_left3A_596 : vector<16xi32>
      %add3A_598 = arith.addi %shift_left3A_591, %shift_left3A_597 : vector<16xi32>
      %and3A_599 = arith.constant 127 : i32
      %and3A_600 = vector.broadcast %and3A_599 : i32 to vector<16xi32>
      %and3A_601 = arith.andi %sub3A_580, %and3A_600 : vector<16xi32>
      %add3A_602 = arith.addi %add3A_598, %and3A_601 : vector<16xi32>
      %and3A_603 = arith.constant 4095 : i32
      %and3A_604 = vector.broadcast %and3A_603 : i32 to vector<16xi32>
      %and3A_605 = arith.andi %sub3A_580, %and3A_604 : vector<16xi32>
      %add3A_606 = arith.constant 1048576 : i32
      %add3A_607 = vector.broadcast %add3A_606 : i32 to vector<16xi32>
      %add3A_608 = arith.addi %add3A_607, %and3A_605 : vector<16xi32>
      %select_n3A = arith.select %and3A, %add3A_602, %add3A_608 : vector<16xi1>, vector<16xi32>
      %mul3A_609 = arith.constant 16 : i32
      %mul3A_610 = arith.muli %scan3A_570, %mul3A_609 : i32
      %swap3A = arith.index_cast %mul3A_610 : i32 to index
      %swap3A_611 = tpu.vector_load %arg7[%swap3A] {strides = array<i32>} : memref<10112xi32, #tpu.memory_space<vmem>>, vector<16xi32>,
      %swap3A_612 = vector.shape_cast %swap3A_611 : vector<16xi32> to vector<16xi32>
      %swap3A_613 = vector.shape_cast %select_n3A : vector<16xi32> to vector<16xi32>
      tpu.vector_store %arg7[%swap3A], %swap3A_613 {strides = array<i32>} : memref<10112xi32, #tpu.memory_space<vmem>>, vector<16xi32>,
    }
    %scan3A_500 = arith.constant 625 : i32
    "tpu.region"() ({
      %run_scoped3A = tpu.sem_alloc : memref<!tpu.dma_semaphore, #tpu.memory_space<semaphore_mem>>
      %dma_start3A = arith.constant 0 : i32
      %dma_start3A_570 = tpu.memref_slice %arg10[%dma_start3A] : memref<1052672xf32, #tpu.memory_space<vmem_shared>> -> memref<1052672xf32, #tpu.memory_space<vmem_shared>>
      tpu.enqueue_indirect_dma source(%arg8 : memref<10112xf32, #tpu.memory_space<vmem>>) target(%dma_start3A_570 : memref<1052672xf32, #tpu.memory_space<vmem_shared>>) offsets(%arg7 : memref<10112xi32, #tpu.memory_space<vmem>>) semaphore(%run_scoped3A : memref<!tpu.dma_semaphore, #tpu.memory_space<semaphore_mem>>) {add = true}
      %dma_wait3A = arith.constant 0 : i32
      %dma_wait3A_571 = tpu.memref_slice %arg10[%dma_wait3A] : memref<1052672xf32, #tpu.memory_space<vmem_shared>> -> memref<1052672xf32, #tpu.memory_space<vmem_shared>>
      tpu.wait_indirect_dma semaphore(%run_scoped3A : memref<!tpu.dma_semaphore, #tpu.memory_space<semaphore_mem>>) src(%arg8 : memref<10112xf32, #tpu.memory_space<vmem>>) dst(%dma_wait3A_571 : memref<1052672xf32, #tpu.memory_space<vmem_shared>>)
      tpu.yield
    }) : () -> ()
    %barrier3A_501 = arith.constant 0 : index
    tpu.barrier barrier_id(%barrier3A_501)
    %mul3A_502 = arith.constant 16384 : i32
    %mul3A_503 = arith.muli %arg1, %mul3A_502 : i32
    %add3A_504 = arith.constant 0 : i32
    %add3A_505 = arith.addi %add3A_504, %mul3A_503 : i32
    %mul3A_506 = arith.constant 4 : i32
    %mul3A_507 = arith.muli %arg0, %mul3A_506 : i32
    %add3A_508 = arith.constant 0 : i32
    %add3A_509 = arith.addi %mul3A_507, %add3A_508 : i32
    %mul3A_510 = arith.constant 10240 : i32
    %mul3A_511 = arith.muli %add3A_509, %mul3A_510 : i32
    %add3A_512 = arith.constant 8192 : i32
    %add3A_513 = arith.addi %mul3A_511, %add3A_512 : i32
    %mul3A_514 = arith.constant 128 : i32
    %mul3A_515 = arith.muli %arg1, %mul3A_514 : i32
    %add3A_516 = arith.addi %add3A_513, %mul3A_515 : i32
    %mul3A_517 = arith.constant 128 : i32
    %mul3A_518 = arith.muli %add3A_516, %mul3A_517 : i32
    "tpu.region"() ({
      %run_scoped3A = tpu.sem_alloc : memref<!tpu.dma_semaphore, #tpu.memory_space<semaphore_mem>>
      %dma_start3A = tpu.memref_slice %arg4[%mul3A_518] : memref<10485760xf32, #tpu.memory_space<hbm>> -> memref<16384xf32, #tpu.memory_space<hbm>>
      %dma_start3A_570 = tpu.memref_slice %arg10[%add3A_505] : memref<1052672xf32, #tpu.memory_space<vmem_shared>> -> memref<16384xf32, #tpu.memory_space<vmem_shared>>
      tpu.enqueue_dma source(%dma_start3A_570 : memref<16384xf32, #tpu.memory_space<vmem_shared>>) target(%dma_start3A : memref<16384xf32, #tpu.memory_space<hbm>>) target_semaphore(%run_scoped3A : memref<!tpu.dma_semaphore, #tpu.memory_space<semaphore_mem>>)
      %dma_wait3A = tpu.memref_slice %arg4[%mul3A_518] : memref<10485760xf32, #tpu.memory_space<hbm>> -> memref<16384xf32, #tpu.memory_space<hbm>>
      %dma_wait3A_571 = tpu.memref_slice %arg10[%add3A_505] : memref<1052672xf32, #tpu.memory_space<vmem_shared>> -> memref<16384xf32, #tpu.memory_space<vmem_shared>>
      tpu.wait_dma2 semaphore(%run_scoped3A : memref<!tpu.dma_semaphore, #tpu.memory_space<semaphore_mem>>) src(%dma_wait3A_571 : memref<16384xf32, #tpu.memory_space<vmem_shared>>) dst(%dma_wait3A : memref<16384xf32, #tpu.memory_space<hbm>>)
      tpu.yield
    }) : () -> ()
    %mul3A_519 = arith.constant 16384 : i32
    %mul3A_520 = arith.muli %arg1, %mul3A_519 : i32
    %add3A_521 = arith.constant 262144 : i32
    %add3A_522 = arith.addi %add3A_521, %mul3A_520 : i32
    %mul3A_523 = arith.constant 4 : i32
    %mul3A_524 = arith.muli %arg0, %mul3A_523 : i32
    %add3A_525 = arith.constant 1 : i32
    %add3A_526 = arith.addi %mul3A_524, %add3A_525 : i32
    %mul3A_527 = arith.constant 10240 : i32
    %mul3A_528 = arith.muli %add3A_526, %mul3A_527 : i32
    %add3A_529 = arith.constant 8192 : i32
    %add3A_530 = arith.addi %mul3A_528, %add3A_529 : i32
    %mul3A_531 = arith.constant 128 : i32
    %mul3A_532 = arith.muli %arg1, %mul3A_531 : i32
    %add3A_533 = arith.addi %add3A_530, %mul3A_532 : i32
    %mul3A_534 = arith.constant 128 : i32
    %mul3A_535 = arith.muli %add3A_533, %mul3A_534 : i32
    "tpu.region"() ({
      %run_scoped3A = tpu.sem_alloc : memref<!tpu.dma_semaphore, #tpu.memory_space<semaphore_mem>>
      %dma_start3A = tpu.memref_slice %arg4[%mul3A_535] : memref<10485760xf32, #tpu.memory_space<hbm>> -> memref<16384xf32, #tpu.memory_space<hbm>>
      %dma_start3A_570 = tpu.memref_slice %arg10[%add3A_522] : memref<1052672xf32, #tpu.memory_space<vmem_shared>> -> memref<16384xf32, #tpu.memory_space<vmem_shared>>
      tpu.enqueue_dma source(%dma_start3A_570 : memref<16384xf32, #tpu.memory_space<vmem_shared>>) target(%dma_start3A : memref<16384xf32, #tpu.memory_space<hbm>>) target_semaphore(%run_scoped3A : memref<!tpu.dma_semaphore, #tpu.memory_space<semaphore_mem>>)
      %dma_wait3A = tpu.memref_slice %arg4[%mul3A_535] : memref<10485760xf32, #tpu.memory_space<hbm>> -> memref<16384xf32, #tpu.memory_space<hbm>>
      %dma_wait3A_571 = tpu.memref_slice %arg10[%add3A_522] : memref<1052672xf32, #tpu.memory_space<vmem_shared>> -> memref<16384xf32, #tpu.memory_space<vmem_shared>>
      tpu.wait_dma2 semaphore(%run_scoped3A : memref<!tpu.dma_semaphore, #tpu.memory_space<semaphore_mem>>) src(%dma_wait3A_571 : memref<16384xf32, #tpu.memory_space<vmem_shared>>) dst(%dma_wait3A : memref<16384xf32, #tpu.memory_space<hbm>>)
      tpu.yield
    }) : () -> ()
    %mul3A_536 = arith.constant 16384 : i32
    %mul3A_537 = arith.muli %arg1, %mul3A_536 : i32
    %add3A_538 = arith.constant 524288 : i32
    %add3A_539 = arith.addi %add3A_538, %mul3A_537 : i32
    %mul3A_540 = arith.constant 4 : i32
    %mul3A_541 = arith.muli %arg0, %mul3A_540 : i32
    %add3A_542 = arith.constant 2 : i32
    %add3A_543 = arith.addi %mul3A_541, %add3A_542 : i32
    %mul3A_544 = arith.constant 10240 : i32
    %mul3A_545 = arith.muli %add3A_543, %mul3A_544 : i32
    %add3A_546 = arith.constant 8192 : i32
    %add3A_547 = arith.addi %mul3A_545, %add3A_546 : i32
    %mul3A_548 = arith.constant 128 : i32
    %mul3A_549 = arith.muli %arg1, %mul3A_548 : i32
    %add3A_550 = arith.addi %add3A_547, %mul3A_549 : i32
    %mul3A_551 = arith.constant 128 : i32
    %mul3A_552 = arith.muli %add3A_550, %mul3A_551 : i32
    "tpu.region"() ({
      %run_scoped3A = tpu.sem_alloc : memref<!tpu.dma_semaphore, #tpu.memory_space<semaphore_mem>>
      %dma_start3A = tpu.memref_slice %arg4[%mul3A_552] : memref<10485760xf32, #tpu.memory_space<hbm>> -> memref<16384xf32, #tpu.memory_space<hbm>>
      %dma_start3A_570 = tpu.memref_slice %arg10[%add3A_539] : memref<1052672xf32, #tpu.memory_space<vmem_shared>> -> memref<16384xf32, #tpu.memory_space<vmem_shared>>
      tpu.enqueue_dma source(%dma_start3A_570 : memref<16384xf32, #tpu.memory_space<vmem_shared>>) target(%dma_start3A : memref<16384xf32, #tpu.memory_space<hbm>>) target_semaphore(%run_scoped3A : memref<!tpu.dma_semaphore, #tpu.memory_space<semaphore_mem>>)
      %dma_wait3A = tpu.memref_slice %arg4[%mul3A_552] : memref<10485760xf32, #tpu.memory_space<hbm>> -> memref<16384xf32, #tpu.memory_space<hbm>>
      %dma_wait3A_571 = tpu.memref_slice %arg10[%add3A_539] : memref<1052672xf32, #tpu.memory_space<vmem_shared>> -> memref<16384xf32, #tpu.memory_space<vmem_shared>>
      tpu.wait_dma2 semaphore(%run_scoped3A : memref<!tpu.dma_semaphore, #tpu.memory_space<semaphore_mem>>) src(%dma_wait3A_571 : memref<16384xf32, #tpu.memory_space<vmem_shared>>) dst(%dma_wait3A : memref<16384xf32, #tpu.memory_space<hbm>>)
      tpu.yield
    }) : () -> ()
    %mul3A_553 = arith.constant 16384 : i32
    %mul3A_554 = arith.muli %arg1, %mul3A_553 : i32
    %add3A_555 = arith.constant 786432 : i32
    %add3A_556 = arith.addi %add3A_555, %mul3A_554 : i32
    %mul3A_557 = arith.constant 4 : i32
    %mul3A_558 = arith.muli %arg0, %mul3A_557 : i32
    %add3A_559 = arith.constant 3 : i32
    %add3A_560 = arith.addi %mul3A_558, %add3A_559 : i32
    %mul3A_561 = arith.constant 10240 : i32
    %mul3A_562 = arith.muli %add3A_560, %mul3A_561 : i32
    %add3A_563 = arith.constant 8192 : i32
    %add3A_564 = arith.addi %mul3A_562, %add3A_563 : i32
    %mul3A_565 = arith.constant 128 : i32
    %mul3A_566 = arith.muli %arg1, %mul3A_565 : i32
    %add3A_567 = arith.addi %add3A_564, %mul3A_566 : i32
    %mul3A_568 = arith.constant 128 : i32
    %mul3A_569 = arith.muli %add3A_567, %mul3A_568 : i32
    "tpu.region"() ({
      %run_scoped3A = tpu.sem_alloc : memref<!tpu.dma_semaphore, #tpu.memory_space<semaphore_mem>>
      %dma_start3A = tpu.memref_slice %arg4[%mul3A_569] : memref<10485760xf32, #tpu.memory_space<hbm>> -> memref<16384xf32, #tpu.memory_space<hbm>>
      %dma_start3A_570 = tpu.memref_slice %arg10[%add3A_556] : memref<1052672xf32, #tpu.memory_space<vmem_shared>> -> memref<16384xf32, #tpu.memory_space<vmem_shared>>
      tpu.enqueue_dma source(%dma_start3A_570 : memref<16384xf32, #tpu.memory_space<vmem_shared>>) target(%dma_start3A : memref<16384xf32, #tpu.memory_space<hbm>>) target_semaphore(%run_scoped3A : memref<!tpu.dma_semaphore, #tpu.memory_space<semaphore_mem>>)
      %dma_wait3A = tpu.memref_slice %arg4[%mul3A_569] : memref<10485760xf32, #tpu.memory_space<hbm>> -> memref<16384xf32, #tpu.memory_space<hbm>>
      %dma_wait3A_571 = tpu.memref_slice %arg10[%add3A_556] : memref<1052672xf32, #tpu.memory_space<vmem_shared>> -> memref<16384xf32, #tpu.memory_space<vmem_shared>>
      tpu.wait_dma2 semaphore(%run_scoped3A : memref<!tpu.dma_semaphore, #tpu.memory_space<semaphore_mem>>) src(%dma_wait3A_571 : memref<16384xf32, #tpu.memory_space<vmem_shared>>) dst(%dma_wait3A : memref<16384xf32, #tpu.memory_space<hbm>>)
      tpu.yield
    }) : () -> ()
    return
  }
}

module attributes {stable_mosaic.version = 14 : i64} {
  func.func @_smat_body(%arg0: i32, %arg1: memref<1024x128xf32, #tpu.memory_space<vmem>>, %arg2: memref<512x128xf32, #tpu.memory_space<vmem>>, %arg3: memref<1024x512xf32, #tpu.memory_space<vmem>>) attributes {dimension_semantics = [#tpu.dimension_semantics<arbitrary>], iteration_bounds = array<i64: 10>, scalar_prefetch = 0 : i64, scratch_operands = 0 : i64, tpu.core_type = #tpu.core_type<tc>, window_params = [{transform_indices = @transform_0, window_bounds = array<i64: 1024, 128>}, {pipeline_mode = #tpu.pipeline_mode<synchronous>, transform_indices = @transform_1, window_bounds = array<i64: 512, 128>}, {transform_indices = @transform_2, window_bounds = array<i64: 1024, 512>}]} {
    %get3A = arith.constant 0 : index
    %get3A_0 = arith.constant 0 : index
    %get3A_1 = vector.load %arg1[%get3A, %get3A_0] : memref<1024x128xf32, #tpu.memory_space<vmem>>, vector<1024x128xf32>
    %convert_element_type3A = arith.truncf %get3A_1 : vector<1024x128xf32> to vector<1024x128xbf16>
    %convert_element_type3A_2 = arith.extf %convert_element_type3A : vector<1024x128xbf16> to vector<1024x128xf32>
    %sub3A = arith.subf %get3A_1, %convert_element_type3A_2 : vector<1024x128xf32>
    %convert_element_type3A_3 = arith.truncf %sub3A : vector<1024x128xf32> to vector<1024x128xbf16>
    %get3A_4 = arith.constant 0 : index
    %get3A_5 = arith.constant 0 : index
    %get3A_6 = vector.load %arg2[%get3A_4, %get3A_5] : memref<512x128xf32, #tpu.memory_space<vmem>>, vector<512x128xf32>
    %convert_element_type3A_7 = arith.truncf %get3A_6 : vector<512x128xf32> to vector<512x128xbf16>
    %convert_element_type3A_8 = arith.extf %convert_element_type3A_7 : vector<512x128xbf16> to vector<512x128xf32>
    %sub3A_9 = arith.subf %get3A_6, %convert_element_type3A_8 : vector<512x128xf32>
    %convert_element_type3A_10 = arith.truncf %sub3A_9 : vector<512x128xf32> to vector<512x128xbf16>
    %dot_general3A = arith.constant dense<0.000000e+00> : vector<1024x512xf32>
    %dot_general3A_11 = tpu.matmul %convert_element_type3A, %convert_element_type3A_7, %dot_general3A {dimension_numbers = #tpu.dot_dimension_numbers<[1], [1], [0], [0], [0, 0, 1, 0], [], []>, transpose_lhs_hint = false} : vector<1024x128xbf16>, vector<512x128xbf16>, vector<1024x512xf32> -> vector<1024x512xf32>
    %dot_general3A_12 = arith.constant dense<0.000000e+00> : vector<1024x512xf32>
    %dot_general3A_13 = tpu.matmul %convert_element_type3A, %convert_element_type3A_10, %dot_general3A_12 {dimension_numbers = #tpu.dot_dimension_numbers<[1], [1], [0], [0], [0, 0, 1, 0], [], []>, transpose_lhs_hint = false} : vector<1024x128xbf16>, vector<512x128xbf16>, vector<1024x512xf32> -> vector<1024x512xf32>
    %dot_general3A_14 = arith.constant dense<0.000000e+00> : vector<1024x512xf32>
    %dot_general3A_15 = tpu.matmul %convert_element_type3A_3, %convert_element_type3A_7, %dot_general3A_14 {dimension_numbers = #tpu.dot_dimension_numbers<[1], [1], [0], [0], [0, 0, 1, 0], [], []>, transpose_lhs_hint = false} : vector<1024x128xbf16>, vector<512x128xbf16>, vector<1024x512xf32> -> vector<1024x512xf32>
    %add3A = arith.addf %dot_general3A_13, %dot_general3A_15 : vector<1024x512xf32>
    %add3A_16 = arith.addf %dot_general3A_11, %add3A : vector<1024x512xf32>
    %swap3A = arith.constant 0 : index
    %swap3A_17 = arith.constant 0 : index
    %swap3A_18 = vector.load %arg3[%swap3A, %swap3A_17] : memref<1024x512xf32, #tpu.memory_space<vmem>>, vector<1024x512xf32>
    tpu.vector_store %arg3[%swap3A, %swap3A_17], %add3A_16 {strides = array<i32>} : memref<1024x512xf32, #tpu.memory_space<vmem>>, vector<1024x512xf32>,
    return
  }
  func.func @transform_0(%arg0: i32) -> (i32, i32) {
    %c0_i32 = arith.constant 0 : i32
    %c0_i32_0 = arith.constant 0 : i32
    return %arg0, %c0_i32 : i32, i32
  }
  func.func @transform_1(%arg0: i32) -> (i32, i32) {
    %c0_i32 = arith.constant 0 : i32
    %c0_i32_0 = arith.constant 0 : i32
    %c0_i32_1 = arith.constant 0 : i32
    return %c0_i32, %c0_i32_0 : i32, i32
  }
  func.func @transform_2(%arg0: i32) -> (i32, i32) {
    %c0_i32 = arith.constant 0 : i32
    %c0_i32_0 = arith.constant 0 : i32
    return %arg0, %c0_i32 : i32, i32
  }
}

module attributes {stable_mosaic.version = 14 : i64} {
  func.func @_dense_body(%arg0: i32, %arg1: memref<1024x512xf32, #tpu.memory_space<vmem>>, %arg2: memref<512x128xf32, #tpu.memory_space<vmem>>, %arg3: memref<128x128xf32, #tpu.memory_space<vmem>>, %arg4: memref<1x1x1024x128xf32, #tpu.memory_space<vmem>>, %arg5: memref<1x1x1024x128xf32, #tpu.memory_space<vmem>>, %arg6: memref<1x1x1024x128xf32, #tpu.memory_space<vmem>>, %arg7: memref<1x1x1024x128xf32, #tpu.memory_space<vmem>>, %arg8: memref<1x1x1024x128xf32, #tpu.memory_space<vmem>>, %arg9: memref<1x1x1024x128xf32, #tpu.memory_space<vmem>>, %arg10: memref<1x1x1024x128xf32, #tpu.memory_space<vmem>>, %arg11: memref<1x1x1024x128xf32, #tpu.memory_space<vmem>>, %arg12: memref<1024x128xf32, #tpu.memory_space<vmem>>) attributes {dimension_semantics = [#tpu.dimension_semantics<arbitrary>], iteration_bounds = array<i64: 10>, scalar_prefetch = 0 : i64, scratch_operands = 0 : i64, tpu.core_type = #tpu.core_type<tc>, window_params = [{transform_indices = @transform_0, window_bounds = array<i64: 1024, 512>}, {pipeline_mode = #tpu.pipeline_mode<synchronous>, transform_indices = @transform_1, window_bounds = array<i64: 512, 128>}, {pipeline_mode = #tpu.pipeline_mode<synchronous>, transform_indices = @transform_2, window_bounds = array<i64: 128, 128>}, {transform_indices = @transform_3, window_bounds = array<i64: 1, 1, 1024, 128>}, {transform_indices = @transform_4, window_bounds = array<i64: 1, 1, 1024, 128>}, {transform_indices = @transform_5, window_bounds = array<i64: 1, 1, 1024, 128>}, {transform_indices = @transform_6, window_bounds = array<i64: 1, 1, 1024, 128>}, {transform_indices = @transform_7, window_bounds = array<i64: 1, 1, 1024, 128>}, {transform_indices = @transform_8, window_bounds = array<i64: 1, 1, 1024, 128>}, {transform_indices = @transform_9, window_bounds = array<i64: 1, 1, 1024, 128>}, {transform_indices = @transform_10, window_bounds = array<i64: 1, 1, 1024, 128>}, {transform_indices = @transform_11, window_bounds = array<i64: 1024, 128>}]} {
    %get3A = arith.constant 0 : index
    %get3A_0 = arith.constant 0 : index
    %get3A_1 = vector.load %arg1[%get3A, %get3A_0] : memref<1024x512xf32, #tpu.memory_space<vmem>>, vector<1024x128xf32>
    %get3A_2 = arith.constant 0 : index
    %get3A_3 = arith.constant 0 : index
    %get3A_4 = arith.constant 0 : index
    %get3A_5 = arith.constant 0 : index
    %get3A_6 = vector.load %arg4[%get3A_2, %get3A_3, %get3A_4, %get3A_5] : memref<1x1x1024x128xf32, #tpu.memory_space<vmem>>, vector<1x1x1024x128xf32>
    %get3A_7 = vector.shape_cast %get3A_6 : vector<1x1x1024x128xf32> to vector<1024x128xf32>
    %get3A_8 = arith.constant 0 : index
    %get3A_9 = arith.constant 0 : index
    %get3A_10 = arith.constant 0 : index
    %get3A_11 = arith.constant 0 : index
    %get3A_12 = vector.load %arg8[%get3A_8, %get3A_9, %get3A_10, %get3A_11] : memref<1x1x1024x128xf32, #tpu.memory_space<vmem>>, vector<1x1x1024x128xf32>
    %get3A_13 = vector.shape_cast %get3A_12 : vector<1x1x1024x128xf32> to vector<1024x128xf32>
    %add3A = arith.addf %get3A_7, %get3A_13 : vector<1024x128xf32>
    %gt3A = arith.constant 0.000000e+00 : f32
    %gt3A_14 = vector.broadcast %gt3A : f32 to vector<1024x128xf32>
    %gt3A_15 = arith.cmpf ogt, %add3A, %gt3A_14 : vector<1024x128xf32>
    %jit3A = arith.constant 0xFF800000 : f32
    %broadcast_in_dim3A = vector.broadcast %jit3A : f32 to vector<1024x128xf32>
    %select_n3A = arith.select %gt3A_15, %get3A_1, %broadcast_in_dim3A : vector<1024x128xi1>, vector<1024x128xf32>
    %reduce_max3A = arith.constant dense<0xFF800000> : vector<1024xf32>
    %reduce_max3A_16 = vector.multi_reduction <maximumf>, %select_n3A, %reduce_max3A [1] : vector<1024x128xf32> to vector<1024xf32>
    %broadcast_in_dim3A_17 = vector.shape_cast %reduce_max3A_16 : vector<1024xf32> to vector<1024x1xf32>
    %get3A_18 = arith.constant 0 : index
    %get3A_19 = arith.constant 128 : index
    %get3A_20 = vector.load %arg1[%get3A_18, %get3A_19] : memref<1024x512xf32, #tpu.memory_space<vmem>>, vector<1024x128xf32>
    %get3A_21 = arith.constant 0 : index
    %get3A_22 = arith.constant 0 : index
    %get3A_23 = arith.constant 0 : index
    %get3A_24 = arith.constant 0 : index
    %get3A_25 = vector.load %arg5[%get3A_21, %get3A_22, %get3A_23, %get3A_24] : memref<1x1x1024x128xf32, #tpu.memory_space<vmem>>, vector<1x1x1024x128xf32>
    %get3A_26 = vector.shape_cast %get3A_25 : vector<1x1x1024x128xf32> to vector<1024x128xf32>
    %get3A_27 = arith.constant 0 : index
    %get3A_28 = arith.constant 0 : index
    %get3A_29 = arith.constant 0 : index
    %get3A_30 = arith.constant 0 : index
    %get3A_31 = vector.load %arg9[%get3A_27, %get3A_28, %get3A_29, %get3A_30] : memref<1x1x1024x128xf32, #tpu.memory_space<vmem>>, vector<1x1x1024x128xf32>
    %get3A_32 = vector.shape_cast %get3A_31 : vector<1x1x1024x128xf32> to vector<1024x128xf32>
    %add3A_33 = arith.addf %get3A_26, %get3A_32 : vector<1024x128xf32>
    %gt3A_34 = arith.constant 0.000000e+00 : f32
    %gt3A_35 = vector.broadcast %gt3A_34 : f32 to vector<1024x128xf32>
    %gt3A_36 = arith.cmpf ogt, %add3A_33, %gt3A_35 : vector<1024x128xf32>
    %jit3A_37 = arith.constant 0xFF800000 : f32
    %broadcast_in_dim3A_38 = vector.broadcast %jit3A_37 : f32 to vector<1024x128xf32>
    %select_n3A_39 = arith.select %gt3A_36, %get3A_20, %broadcast_in_dim3A_38 : vector<1024x128xi1>, vector<1024x128xf32>
    %reduce_max3A_40 = arith.constant dense<0xFF800000> : vector<1024xf32>
    %reduce_max3A_41 = vector.multi_reduction <maximumf>, %select_n3A_39, %reduce_max3A_40 [1] : vector<1024x128xf32> to vector<1024xf32>
    %broadcast_in_dim3A_42 = vector.shape_cast %reduce_max3A_41 : vector<1024xf32> to vector<1024x1xf32>
    %max3A = arith.maximumf %broadcast_in_dim3A_17, %broadcast_in_dim3A_42 : vector<1024x1xf32>
    %get3A_43 = arith.constant 0 : index
    %get3A_44 = arith.constant 256 : index
    %get3A_45 = vector.load %arg1[%get3A_43, %get3A_44] : memref<1024x512xf32, #tpu.memory_space<vmem>>, vector<1024x128xf32>
    %get3A_46 = arith.constant 0 : index
    %get3A_47 = arith.constant 0 : index
    %get3A_48 = arith.constant 0 : index
    %get3A_49 = arith.constant 0 : index
    %get3A_50 = vector.load %arg6[%get3A_46, %get3A_47, %get3A_48, %get3A_49] : memref<1x1x1024x128xf32, #tpu.memory_space<vmem>>, vector<1x1x1024x128xf32>
    %get3A_51 = vector.shape_cast %get3A_50 : vector<1x1x1024x128xf32> to vector<1024x128xf32>
    %get3A_52 = arith.constant 0 : index
    %get3A_53 = arith.constant 0 : index
    %get3A_54 = arith.constant 0 : index
    %get3A_55 = arith.constant 0 : index
    %get3A_56 = vector.load %arg10[%get3A_52, %get3A_53, %get3A_54, %get3A_55] : memref<1x1x1024x128xf32, #tpu.memory_space<vmem>>, vector<1x1x1024x128xf32>
    %get3A_57 = vector.shape_cast %get3A_56 : vector<1x1x1024x128xf32> to vector<1024x128xf32>
    %add3A_58 = arith.addf %get3A_51, %get3A_57 : vector<1024x128xf32>
    %gt3A_59 = arith.constant 0.000000e+00 : f32
    %gt3A_60 = vector.broadcast %gt3A_59 : f32 to vector<1024x128xf32>
    %gt3A_61 = arith.cmpf ogt, %add3A_58, %gt3A_60 : vector<1024x128xf32>
    %jit3A_62 = arith.constant 0xFF800000 : f32
    %broadcast_in_dim3A_63 = vector.broadcast %jit3A_62 : f32 to vector<1024x128xf32>
    %select_n3A_64 = arith.select %gt3A_61, %get3A_45, %broadcast_in_dim3A_63 : vector<1024x128xi1>, vector<1024x128xf32>
    %reduce_max3A_65 = arith.constant dense<0xFF800000> : vector<1024xf32>
    %reduce_max3A_66 = vector.multi_reduction <maximumf>, %select_n3A_64, %reduce_max3A_65 [1] : vector<1024x128xf32> to vector<1024xf32>
    %broadcast_in_dim3A_67 = vector.shape_cast %reduce_max3A_66 : vector<1024xf32> to vector<1024x1xf32>
    %max3A_68 = arith.maximumf %max3A, %broadcast_in_dim3A_67 : vector<1024x1xf32>
    %get3A_69 = arith.constant 0 : index
    %get3A_70 = arith.constant 384 : index
    %get3A_71 = vector.load %arg1[%get3A_69, %get3A_70] : memref<1024x512xf32, #tpu.memory_space<vmem>>, vector<1024x128xf32>
    %get3A_72 = arith.constant 0 : index
    %get3A_73 = arith.constant 0 : index
    %get3A_74 = arith.constant 0 : index
    %get3A_75 = arith.constant 0 : index
    %get3A_76 = vector.load %arg7[%get3A_72, %get3A_73, %get3A_74, %get3A_75] : memref<1x1x1024x128xf32, #tpu.memory_space<vmem>>, vector<1x1x1024x128xf32>
    %get3A_77 = vector.shape_cast %get3A_76 : vector<1x1x1024x128xf32> to vector<1024x128xf32>
    %get3A_78 = arith.constant 0 : index
    %get3A_79 = arith.constant 0 : index
    %get3A_80 = arith.constant 0 : index
    %get3A_81 = arith.constant 0 : index
    %get3A_82 = vector.load %arg11[%get3A_78, %get3A_79, %get3A_80, %get3A_81] : memref<1x1x1024x128xf32, #tpu.memory_space<vmem>>, vector<1x1x1024x128xf32>
    %get3A_83 = vector.shape_cast %get3A_82 : vector<1x1x1024x128xf32> to vector<1024x128xf32>
    %add3A_84 = arith.addf %get3A_77, %get3A_83 : vector<1024x128xf32>
    %gt3A_85 = arith.constant 0.000000e+00 : f32
    %gt3A_86 = vector.broadcast %gt3A_85 : f32 to vector<1024x128xf32>
    %gt3A_87 = arith.cmpf ogt, %add3A_84, %gt3A_86 : vector<1024x128xf32>
    %jit3A_88 = arith.constant 0xFF800000 : f32
    %broadcast_in_dim3A_89 = vector.broadcast %jit3A_88 : f32 to vector<1024x128xf32>
    %select_n3A_90 = arith.select %gt3A_87, %get3A_71, %broadcast_in_dim3A_89 : vector<1024x128xi1>, vector<1024x128xf32>
    %reduce_max3A_91 = arith.constant dense<0xFF800000> : vector<1024xf32>
    %reduce_max3A_92 = vector.multi_reduction <maximumf>, %select_n3A_90, %reduce_max3A_91 [1] : vector<1024x128xf32> to vector<1024xf32>
    %broadcast_in_dim3A_93 = vector.shape_cast %reduce_max3A_92 : vector<1024xf32> to vector<1024x1xf32>
    %max3A_94 = arith.maximumf %max3A_68, %broadcast_in_dim3A_93 : vector<1024x1xf32>
    %is_finite3A = tpu.weird %max3A_94 : vector<1024x1xf32> -> vector<1024x1xi1>
    %is_finite3A_95 = arith.constant dense<true> : vector<1024x1xi1>
    %is_finite3A_96 = arith.xori %is_finite3A, %is_finite3A_95 : vector<1024x1xi1>
    %jit3A_97 = arith.constant 0.000000e+00 : f32
    %broadcast_in_dim3A_98 = vector.broadcast %jit3A_97 : f32 to vector<1024x1xf32>
    %select_n3A_99 = arith.select %is_finite3A_96, %max3A_94, %broadcast_in_dim3A_98 : vector<1024x1xi1>, vector<1024x1xf32>
    %get3A_100 = arith.constant 0 : index
    %get3A_101 = arith.constant 0 : index
    %get3A_102 = vector.load %arg2[%get3A_100, %get3A_101] : memref<512x128xf32, #tpu.memory_space<vmem>>, vector<128x128xf32>
    %sub3A = vector.broadcast %select_n3A_99 : vector<1024x1xf32> to vector<1024x128xf32>
    %sub3A_103 = arith.subf %get3A_1, %sub3A : vector<1024x128xf32>
    %min3A = arith.constant 0.000000e+00 : f32
    %min3A_104 = vector.broadcast %min3A : f32 to vector<1024x128xf32>
    %min3A_105 = arith.minimumf %sub3A_103, %min3A_104 : vector<1024x128xf32>
    %exp3A = math.exp %min3A_105 : vector<1024x128xf32>
    %mul3A = arith.mulf %add3A, %exp3A : vector<1024x128xf32>
    %reduce_sum3A = arith.constant dense<0.000000e+00> : vector<1024xf32>
    %reduce_sum3A_106 = vector.multi_reduction <add>, %mul3A, %reduce_sum3A [1] : vector<1024x128xf32> to vector<1024xf32>
    %broadcast_in_dim3A_107 = vector.shape_cast %reduce_sum3A_106 : vector<1024xf32> to vector<1024x1xf32>
    %dot_general3A = arith.constant dense<0.000000e+00> : vector<1024x128xf32>
    %dot_general3A_108 = tpu.matmul %mul3A, %get3A_102, %dot_general3A {dimension_numbers = #tpu.dot_dimension_numbers<[1], [0], [0], [1], [0, 0, 1, 1], [], []>, transpose_lhs_hint = false} : vector<1024x128xf32>, vector<128x128xf32>, vector<1024x128xf32> -> vector<1024x128xf32>
    %get3A_109 = arith.constant 128 : index
    %get3A_110 = arith.constant 0 : index
    %get3A_111 = vector.load %arg2[%get3A_109, %get3A_110] : memref<512x128xf32, #tpu.memory_space<vmem>>, vector<128x128xf32>
    %sub3A_112 = vector.broadcast %select_n3A_99 : vector<1024x1xf32> to vector<1024x128xf32>
    %sub3A_113 = arith.subf %get3A_20, %sub3A_112 : vector<1024x128xf32>
    %min3A_114 = arith.constant 0.000000e+00 : f32
    %min3A_115 = vector.broadcast %min3A_114 : f32 to vector<1024x128xf32>
    %min3A_116 = arith.minimumf %sub3A_113, %min3A_115 : vector<1024x128xf32>
    %exp3A_117 = math.exp %min3A_116 : vector<1024x128xf32>
    %mul3A_118 = arith.mulf %add3A_33, %exp3A_117 : vector<1024x128xf32>
    %reduce_sum3A_119 = arith.constant dense<0.000000e+00> : vector<1024xf32>
    %reduce_sum3A_120 = vector.multi_reduction <add>, %mul3A_118, %reduce_sum3A_119 [1] : vector<1024x128xf32> to vector<1024xf32>
    %broadcast_in_dim3A_121 = vector.shape_cast %reduce_sum3A_120 : vector<1024xf32> to vector<1024x1xf32>
    %add3A_122 = arith.addf %broadcast_in_dim3A_107, %broadcast_in_dim3A_121 : vector<1024x1xf32>
    %dot_general3A_123 = arith.constant dense<0.000000e+00> : vector<1024x128xf32>
    %dot_general3A_124 = tpu.matmul %mul3A_118, %get3A_111, %dot_general3A_123 {dimension_numbers = #tpu.dot_dimension_numbers<[1], [0], [0], [1], [0, 0, 1, 1], [], []>, transpose_lhs_hint = false} : vector<1024x128xf32>, vector<128x128xf32>, vector<1024x128xf32> -> vector<1024x128xf32>
    %add3A_125 = arith.addf %dot_general3A_108, %dot_general3A_124 : vector<1024x128xf32>
    %get3A_126 = arith.constant 256 : index
    %get3A_127 = arith.constant 0 : index
    %get3A_128 = vector.load %arg2[%get3A_126, %get3A_127] : memref<512x128xf32, #tpu.memory_space<vmem>>, vector<128x128xf32>
    %sub3A_129 = vector.broadcast %select_n3A_99 : vector<1024x1xf32> to vector<1024x128xf32>
    %sub3A_130 = arith.subf %get3A_45, %sub3A_129 : vector<1024x128xf32>
    %min3A_131 = arith.constant 0.000000e+00 : f32
    %min3A_132 = vector.broadcast %min3A_131 : f32 to vector<1024x128xf32>
    %min3A_133 = arith.minimumf %sub3A_130, %min3A_132 : vector<1024x128xf32>
    %exp3A_134 = math.exp %min3A_133 : vector<1024x128xf32>
    %mul3A_135 = arith.mulf %add3A_58, %exp3A_134 : vector<1024x128xf32>
    %reduce_sum3A_136 = arith.constant dense<0.000000e+00> : vector<1024xf32>
    %reduce_sum3A_137 = vector.multi_reduction <add>, %mul3A_135, %reduce_sum3A_136 [1] : vector<1024x128xf32> to vector<1024xf32>
    %broadcast_in_dim3A_138 = vector.shape_cast %reduce_sum3A_137 : vector<1024xf32> to vector<1024x1xf32>
    %add3A_139 = arith.addf %add3A_122, %broadcast_in_dim3A_138 : vector<1024x1xf32>
    %dot_general3A_140 = arith.constant dense<0.000000e+00> : vector<1024x128xf32>
    %dot_general3A_141 = tpu.matmul %mul3A_135, %get3A_128, %dot_general3A_140 {dimension_numbers = #tpu.dot_dimension_numbers<[1], [0], [0], [1], [0, 0, 1, 1], [], []>, transpose_lhs_hint = false} : vector<1024x128xf32>, vector<128x128xf32>, vector<1024x128xf32> -> vector<1024x128xf32>
    %add3A_142 = arith.addf %add3A_125, %dot_general3A_141 : vector<1024x128xf32>
    %get3A_143 = arith.constant 384 : index
    %get3A_144 = arith.constant 0 : index
    %get3A_145 = vector.load %arg2[%get3A_143, %get3A_144] : memref<512x128xf32, #tpu.memory_space<vmem>>, vector<128x128xf32>
    %sub3A_146 = vector.broadcast %select_n3A_99 : vector<1024x1xf32> to vector<1024x128xf32>
    %sub3A_147 = arith.subf %get3A_71, %sub3A_146 : vector<1024x128xf32>
    %min3A_148 = arith.constant 0.000000e+00 : f32
    %min3A_149 = vector.broadcast %min3A_148 : f32 to vector<1024x128xf32>
    %min3A_150 = arith.minimumf %sub3A_147, %min3A_149 : vector<1024x128xf32>
    %exp3A_151 = math.exp %min3A_150 : vector<1024x128xf32>
    %mul3A_152 = arith.mulf %add3A_84, %exp3A_151 : vector<1024x128xf32>
    %reduce_sum3A_153 = arith.constant dense<0.000000e+00> : vector<1024xf32>
    %reduce_sum3A_154 = vector.multi_reduction <add>, %mul3A_152, %reduce_sum3A_153 [1] : vector<1024x128xf32> to vector<1024xf32>
    %broadcast_in_dim3A_155 = vector.shape_cast %reduce_sum3A_154 : vector<1024xf32> to vector<1024x1xf32>
    %add3A_156 = arith.addf %add3A_139, %broadcast_in_dim3A_155 : vector<1024x1xf32>
    %dot_general3A_157 = arith.constant dense<0.000000e+00> : vector<1024x128xf32>
    %dot_general3A_158 = tpu.matmul %mul3A_152, %get3A_145, %dot_general3A_157 {dimension_numbers = #tpu.dot_dimension_numbers<[1], [0], [0], [1], [0, 0, 1, 1], [], []>, transpose_lhs_hint = false} : vector<1024x128xf32>, vector<128x128xf32>, vector<1024x128xf32> -> vector<1024x128xf32>
    %add3A_159 = arith.addf %add3A_142, %dot_general3A_158 : vector<1024x128xf32>
    %add3A_160 = arith.constant 1.000000e-16 : f32
    %add3A_161 = vector.broadcast %add3A_160 : f32 to vector<1024x1xf32>
    %add3A_162 = arith.addf %add3A_156, %add3A_161 : vector<1024x1xf32>
    %div3A = vector.broadcast %add3A_162 : vector<1024x1xf32> to vector<1024x128xf32>
    %div3A_163 = arith.divf %add3A_159, %div3A : vector<1024x128xf32>
    %get3A_164 = arith.constant 0 : index
    %get3A_165 = arith.constant 0 : index
    %get3A_166 = vector.load %arg3[%get3A_164, %get3A_165] : memref<128x128xf32, #tpu.memory_space<vmem>>, vector<128x128xf32>
    %dot_general3A_167 = arith.constant dense<0.000000e+00> : vector<1024x128xf32>
    %dot_general3A_168 = tpu.matmul %div3A_163, %get3A_166, %dot_general3A_167 {dimension_numbers = #tpu.dot_dimension_numbers<[1], [0], [0], [1], [0, 0, 1, 1], [], []>, transpose_lhs_hint = false} : vector<1024x128xf32>, vector<128x128xf32>, vector<1024x128xf32> -> vector<1024x128xf32>
    %tanh3A = math.tanh %dot_general3A_168 : vector<1024x128xf32>
    %swap3A = arith.constant 0 : index
    %swap3A_169 = arith.constant 0 : index
    %swap3A_170 = vector.load %arg12[%swap3A, %swap3A_169] : memref<1024x128xf32, #tpu.memory_space<vmem>>, vector<1024x128xf32>
    tpu.vector_store %arg12[%swap3A, %swap3A_169], %tanh3A {strides = array<i32>} : memref<1024x128xf32, #tpu.memory_space<vmem>>, vector<1024x128xf32>,
    return
  }
  func.func @transform_0(%arg0: i32) -> (i32, i32) {
    %c0_i32 = arith.constant 0 : i32
    %c0_i32_0 = arith.constant 0 : i32
    return %arg0, %c0_i32 : i32, i32
  }
  func.func @transform_1(%arg0: i32) -> (i32, i32) {
    %c0_i32 = arith.constant 0 : i32
    %c0_i32_0 = arith.constant 0 : i32
    %c0_i32_1 = arith.constant 0 : i32
    return %c0_i32, %c0_i32_0 : i32, i32
  }
  func.func @transform_2(%arg0: i32) -> (i32, i32) {
    %c0_i32 = arith.constant 0 : i32
    %c0_i32_0 = arith.constant 0 : i32
    %c0_i32_1 = arith.constant 0 : i32
    return %c0_i32, %c0_i32_0 : i32, i32
  }
  func.func @transform_3(%arg0: i32) -> (i32, i32, i32, i32) {
    %c0_i32 = arith.constant 0 : i32
    %c0_i32_0 = arith.constant 0 : i32
    %c0_i32_1 = arith.constant 0 : i32
    %c0_i32_2 = arith.constant 0 : i32
    return %c0_i32, %c0_i32_0, %arg0, %c0_i32_1 : i32, i32, i32, i32
  }
  func.func @transform_4(%arg0: i32) -> (i32, i32, i32, i32) {
    %c0_i32 = arith.constant 0 : i32
    %c1_i32 = arith.constant 1 : i32
    %c0_i32_0 = arith.constant 0 : i32
    %c0_i32_1 = arith.constant 0 : i32
    return %c0_i32, %c1_i32, %arg0, %c0_i32_0 : i32, i32, i32, i32
  }
  func.func @transform_5(%arg0: i32) -> (i32, i32, i32, i32) {
    %c0_i32 = arith.constant 0 : i32
    %c2_i32 = arith.constant 2 : i32
    %c0_i32_0 = arith.constant 0 : i32
    %c0_i32_1 = arith.constant 0 : i32
    return %c0_i32, %c2_i32, %arg0, %c0_i32_0 : i32, i32, i32, i32
  }
  func.func @transform_6(%arg0: i32) -> (i32, i32, i32, i32) {
    %c0_i32 = arith.constant 0 : i32
    %c3_i32 = arith.constant 3 : i32
    %c0_i32_0 = arith.constant 0 : i32
    %c0_i32_1 = arith.constant 0 : i32
    return %c0_i32, %c3_i32, %arg0, %c0_i32_0 : i32, i32, i32, i32
  }
  func.func @transform_7(%arg0: i32) -> (i32, i32, i32, i32) {
    %c1_i32 = arith.constant 1 : i32
    %c0_i32 = arith.constant 0 : i32
    %c0_i32_0 = arith.constant 0 : i32
    %c0_i32_1 = arith.constant 0 : i32
    return %c1_i32, %c0_i32, %arg0, %c0_i32_0 : i32, i32, i32, i32
  }
  func.func @transform_8(%arg0: i32) -> (i32, i32, i32, i32) {
    %c1_i32 = arith.constant 1 : i32
    %c1_i32_0 = arith.constant 1 : i32
    %c0_i32 = arith.constant 0 : i32
    %c0_i32_1 = arith.constant 0 : i32
    return %c1_i32, %c1_i32_0, %arg0, %c0_i32 : i32, i32, i32, i32
  }
  func.func @transform_9(%arg0: i32) -> (i32, i32, i32, i32) {
    %c1_i32 = arith.constant 1 : i32
    %c2_i32 = arith.constant 2 : i32
    %c0_i32 = arith.constant 0 : i32
    %c0_i32_0 = arith.constant 0 : i32
    return %c1_i32, %c2_i32, %arg0, %c0_i32 : i32, i32, i32, i32
  }
  func.func @transform_10(%arg0: i32) -> (i32, i32, i32, i32) {
    %c1_i32 = arith.constant 1 : i32
    %c3_i32 = arith.constant 3 : i32
    %c0_i32 = arith.constant 0 : i32
    %c0_i32_0 = arith.constant 0 : i32
    return %c1_i32, %c3_i32, %arg0, %c0_i32 : i32, i32, i32, i32
  }
  func.func @transform_11(%arg0: i32) -> (i32, i32) {
    %c0_i32 = arith.constant 0 : i32
    %c0_i32_0 = arith.constant 0 : i32
    return %arg0, %c0_i32 : i32, i32
  }
}

</mosaic_0001>

<sc_bundles>
// kernel: kernel.5.cloned.1.call-start
scs
__scs_entry_jumppad:
0x0: {  	(pc) =	sbr.rel $0x88, $3  }
0x1: {  	(tag) =	ssettag $0x0;
	lr =	simm.s32 $0x1  }
0x2: {  	[smem:$0x3F9C] =	sst lr;
	_ =	strace $0xD0000000  }
0x3: {  	_ = 	snop  }
0x4: {  	_ = 	snop  }
0x5: {  	_ = 	snop  }
0x6: {  	_ = 	snop  }
0x7: {  	_ = 	snop  }
__scs_overlays_trampoline_lowered:
0x8: {  	[smem:$0x3FAB] =	sst s0  }
0x9: {  	[smem:$0x3FAC] =	sst s1  }
0xa: {  	[smem:$0x3FAD] =	sst s2  }
0xb: {  	[smem:$0x3FAE] =	sst s3  }
0xc: {  	[smem:$0x3FAF] =	sst s4  }
0xd: {  	[smem:$0x3FB0] =	sst s5  }
0xe: {  	[smem:$0x3FB1] =	sst s6  }
0xf: {  	[smem:$0x3FB2] =	sst s7  }
0x10: {  	[smem:$0x3FB3] =	sst s8  }
0x11: {  	[smem:$0x3FB4] =	sst s9;
	s0 =	simm.s32 @!p0 $0x0  }
0x12: {  	s1 =	sld [smem:$0x3F9A];
	s0 =	simm.s32 @p0 $0x1  }
0x13: {  	[smem:$0x3FB5] =	sst s0;
	s0 =	simm.s32 @!p1 $0x0  }
0x14: {  	s2 =	sld [smem:$0x3F99];
	s0 =	simm.s32 @p1 $0x1  }
0x15: {  	[smem:$0x3FB6] =	sst s0;
	s0 =	simm.s32 @!p2 $0x0  }
0x16: {  	s3 =	sld [smem:$0x3FDB];
	s0 =	simm.s32 @p2 $0x1  }
0x17: {  	s4 =	simm.s32 $0x1BF5;
	[smem:$0x3FB8] =	sst s0  }
0x18: {  	s0 =	sld [smem:$0x3F9B];
	_ =	swait.ge [sflag:s4], $0x0  }
0x19: {  	s7 =	sld [smem:$0x3F9C]  }
0x1a: {  	s8 =	sadd.s32 $0xFFFFE003, lr  }
0x1b: {  	s9 =	sadd.s32 $0xFFFFFEF7, lr;
	s5 =	simm.s32 $0xFFFFFFFF;
	p2 =	slt.u32 s8, $0xFFFFF086  }
0x1c: {  	p1 =	slt.u32 s9, $0xF7A;
	s5 =	simm.s32 @!p2 $0x0  }
0x1d: {  	s5 =	simm.s32 @p1 $0x1;
	p0 =	seq.s32 s7, s2  }
0x1e: {  	s7 =	smul.u32 @!p0 $0xF7A, s2;
	p2 =	seq.s32 @!p0 s5, $0x0  }
0x1f: {  	s9 =	smul.u32 $0xF7A, s1;
	s8 =	simm.s32 @!p0 $0x1BF5;
	p2 =	por !p2, p0  }
0x20: {  	[sflag:s8] =	ssyncset.s32 @!p0 $0xFFFFF086;
	s6 =	sadd.s32 @!p0 s3, s7;
	s7 =	simm.s32 @!p0 $0x108  }
0x21: {  	s3 =	sadd.s32 s3, s9;
	s6 =	sadd.s32 @!p0 $0x88, s6;
	s7 =	simm.s32 @p2 $0x1082  }
0x22: {  	[simem:s7], [sflag:s8] =	dma.local @!p0 [hbm:s6], $0xF7A  }
0x23: {  	s9 =	sor.u32 $0xD0000000, s2;
	s6 =	simm.s32 $0x108;
	_ =	swait.ge @!p0 [sflag:s8], $0x0  }
0x24: {  	s3 =	sadd.s32 $0x88, s3;
	s6 =	simm.s32 @!p1 $0x1082;
	[sflag:s4] =	ssyncset.s32 $0xFFFFF086  }
0x25: {  	[simem:s6], [sflag:s4] =	dma.local [hbm:s3], $0xF7A  }
0x26: {  	[smem:$0x3F9C] =	sst s1;
	(tag) =	ssettag s2;
	_ =	strace s9  }
0x27: {  	s1 =	sld [smem:$0x3FAC]  }
0x28: {  	s2 =	sld [smem:$0x3FAD]  }
0x29: {  	s4 =	sld [smem:$0x3FAF]  }
0x2a: {  	p0 =	seq.s32 s5, $0x0;
	s5 =	sld [smem:$0x3FB0]  }
0x2b: {  	s6 =	sld [smem:$0x3FB1]  }
0x2c: {  	s7 =	sld [smem:$0x3FB2]  }
0x2d: {  	s3 =	simm.s32 $0x108;
	s8 =	sld [smem:$0x3FB3]  }
0x2e: {  	s3 =	simm.s32 @!p0 $0x1082;
	s9 =	sld [smem:$0x3FB4]  }
0x2f: {  	lr =	sadd.s32 s0, s3;
	s0 =	sld [smem:$0x3FAB]  }
0x30: {  	s3 =	sld [smem:$0x3FAE]  }
0x31: {  	[smem:$0x3FB7] =	sst s10  }
0x32: {  	s10 =	sld [smem:$0x3FB5];
	_ =	sdelay $0x3  }
0x33: {  	p0 =	seq.s32 s10, $0x1;
	s10 =	sld [smem:$0x3FB7];
	_ =	sdelay $0x3  }
0x34: {  	[smem:$0x3FB7] =	sst s10  }
0x35: {  	s10 =	sld [smem:$0x3FB6];
	_ =	sdelay $0x3  }
0x36: {  	p1 =	seq.s32 s10, $0x1;
	s10 =	sld [smem:$0x3FB7];
	_ =	sdelay $0x3  }
0x37: {  	[smem:$0x3FB7] =	sst s10  }
0x38: {  	s10 =	sld [smem:$0x3FB8]  }
0x39: {  	_ = 	snop;
	(pc) =	sbr.ind lr, $3  }
0x3a: {  	_ = 	snop  }
0x3b: {  	_ = 	snop  }
0x3c: {  	p2 =	seq.s32 s10, $0x1;
	s10 =	sld [smem:$0x3FB7]  }
0x3d: {  	_ =	shalt  }
0x3e: {  	_ =	shalt  }
0x3f: {  	_ =	shalt  }
0x40: {  	_ =	shalt  }
0x41: {  	_ =	shalt  }
0x42: {  	_ =	shalt  }
0x43: {  	_ =	shalt  }
0x44: {  	_ =	shalt  }
0x45: {  	_ =	shalt  }
0x46: {  	_ =	shalt  }
0x47: {  	_ =	shalt  }
0x48: {  	_ =	shalt  }
0x49: {  	_ =	shalt  }
0x4a: {  	_ =	shalt  }
0x4b: {  	_ =	shalt  }
0x4c: {  	_ =	shalt  }
0x4d: {  	_ =	shalt  }
0x4e: {  	_ =	shalt  }
0x4f: {  	_ =	shalt  }
0x50: {  	_ =	shalt  }
0x51: {  	_ =	shalt  }
0x52: {  	_ =	shalt  }
0x53: {  	_ =	shalt  }
0x54: {  	_ =	shalt  }
0x55: {  	_ =	shalt  }
0x56: {  	_ =	shalt  }
0x57: {  	_ =	shalt  }
0x58: {  	_ =	shalt  }
0x59: {  	_ =	shalt  }
0x5a: {  	_ =	shalt  }
0x5b: {  	_ =	shalt  }
0x5c: {  	_ =	shalt  }
0x5d: {  	_ =	shalt  }
0x5e: {  	_ =	shalt  }
0x5f: {  	_ =	shalt  }
0x60: {  	_ =	shalt  }
0x61: {  	_ =	shalt  }
0x62: {  	_ =	shalt  }
0x63: {  	_ =	shalt  }
0x64: {  	_ =	shalt  }
0x65: {  	_ =	shalt  }
0x66: {  	_ =	shalt  }
0x67: {  	_ =	shalt  }
0x68: {  	_ =	shalt  }
0x69: {  	_ =	shalt  }
0x6a: {  	_ =	shalt  }
0x6b: {  	_ =	shalt  }
0x6c: {  	_ =	shalt  }
0x6d: {  	_ =	shalt  }
0x6e: {  	_ =	shalt  }
0x6f: {  	_ =	shalt  }
0x70: {  	_ =	shalt  }
0x71: {  	_ =	shalt  }
0x72: {  	_ =	shalt  }
0x73: {  	_ =	shalt  }
0x74: {  	_ =	shalt  }
0x75: {  	_ =	shalt  }
0x76: {  	_ =	shalt  }
0x77: {  	_ =	shalt  }
0x78: {  	_ =	shalt  }
0x79: {  	_ =	shalt  }
0x7a: {  	_ =	shalt  }
0x7b: {  	_ =	shalt  }
0x7c: {  	_ =	shalt  }
0x7d: {  	_ =	shalt  }
0x7e: {  	_ =	shalt  }
0x7f: {  	_ =	shalt  }
0x80: {  	_ =	shalt  }
0x81: {  	_ =	shalt  }
0x82: {  	_ =	shalt  }
0x83: {  	_ =	shalt  }
0x84: {  	_ =	shalt  }
0x85: {  	_ =	shalt  }
0x86: {  	_ =	shalt  }
0x87: {  	_ =	shalt  }
.Lfunc_end0:
.L_simem_size_0:
called_computation_lowered:
.L_overlay_start_0:
0x88: {  	s2 =	sld [smem:$0x3FD9]  }
0x89: {  	s3 =	sld [smem:$0x3FFE];
	_ =	sdelay $0x1  }
0x8a: {  	s1 =	srdreg.scid  }
0x8b: {  	s0 =	sand.u32 $0x1, s1  }
0x8c: {  	s17 =	sshll.u32 s0, $0xA;
	s2 =	sadd.s32 s3, s2  }
0x8d: {  	s2 =	sadd.s32 s2, s17  }
0x8e: {  	[smem:$0x3FC3] =	sst s2  }
0x8f: {  	_ = 	snop  }
0x90: {  	s2 =	sld [smem:$0x3FC6]  }
0x91: {  	s18 =	sld [smem:$0x3FC5];
	(tm) =	ssettm $0x1  }
0x92: {  	s4 =	sld [smem:$0x3FFB];
	_ =	sdelay $0x3  }
0x93: {  	_ =	strace s4  }
0x94: {  	s4 =	sld [smem:$0x3FFC];
	_ =	sdelay $0x3  }
0x95: {  	_ =	strace s4  }
0x96: {  	s4 =	sld [smem:$0x3FFD];
	_ =	sdelay $0x3  }
0x97: {  	_ =	strace s4  }
0x98: {  	_ =	strace $0x8FFFFFFF  }
0x99: {  	s19 =	sld [smem:$0x3FDB];
	_ =	sdelay $0x1  }
0x9a: {  	s5 =	simm.s32 $_scs_section_size  }
0x9b: {  	s6 =	simm.s32 $_size__tile_overlayer_lowered;
	s7 =	simm.s32 $_tile_overlayer_lowered  }
0x9c: {  	s22 =	simm.s32 $0x1BFF;
	s21 =	sshll.u32 s7, $0x1;
	s4 =	sadd.s32 s5, s19  }
0x9d: {  	s8 =	simm.s32 $0x0;
	s20 =	sshll.u32 s6, $0x1;
	s6 =	sadd.s32 s21, s4  }
0x9e: {  	[timem:s8], [sflag:s22] =	dma.local [hbm:s6], s20  }
0x9f: {  	_ =	swait.ge [sflag:s22], s20  }
0xa0: {  	s5 =	ssub.s32 $0x0, s20;
	[sflag:s22] =	ssyncset.done $0x0  }
0xa1: {  	[sflag:s22] =	ssyncadd.s32 s5;
	_ =	sdelay $0x1  }
0xa2: {  	s23 =	simm.s32 $0x1B8B  }
0xa3: {  	_ =	swait.ge [sflag:s23], $0x1  }
0xa4: {  	[sflag:s23] =	ssyncset.done $0x0  }
0xa5: {  	s25 =	simm.s32 $0x1B8E;
	s24 =	sld [smem:$0x3FFE];
	[sflag:s23] =	ssyncadd.s32 $0xFFFFFFFF  }
0xa6: {  	s26 =	simm.s32 $execute0_lowered;
	[smem:$0x3FD2] =	sst s25  }
0xa7: {  	s6 =	sshll.u32 s26, $0x1;
	_ =	strace $0x80000046;
	[dreg:$0x1] =	wrdreg $0xFFFFFFFF  }
0xa8: {  	s28 =	simm.s32 $_size_execute0_lowered;
	s4 =	sadd.s32 s4, s6;
	[dreg:$0x0] =	wrdreg $0x0  }
0xa9: {  	s6 =	sshll.u32 s28, $0x1;
	[dreg:$0x2] =	wrdreg s4  }
0xaa: {  	[dreg:$0x3] =	wrdreg s6  }
0xab: {  	[dreg:$0x4] =	wrdreg $0xC0  }
0xac: {  	_ =	task [dreg:s8], $0x5FFFF  }
0xad: {  	[dreg:$0x1] =	wrdreg $0xFFFFFFFF  }
0xae: {  	[dreg:$0x0] =	wrdreg $0x60  }
0xaf: {  	[dreg:$0x2] =	wrdreg s2  }
0xb0: {  	[dreg:$0x3] =	wrdreg s18  }
0xb1: {  	[dreg:$0x4] =	wrdreg s24  }
0xb2: {  	[dreg:$0x5] =	wrdreg $0xE6800  }
0xb3: {  	[dreg:$0x6] =	wrdreg $0x9  }
0xb4: {  	_ =	task.clear_ibuf [dreg:s8], $0x7FFFF;
	_ =	strace $0x90000046  }
0xb5: {  	s29 =	simm.s32 $0x9;
	_ =	strace $0x80000048  }
0xb6: {  	_ =	swait.ge [sflag:s29], $0x1  }
0xb7: {  	[sflag:s29] =	ssyncadd.s32 $0xFFFFFFFF  }
0xb8: {  	_ =	strace $0x90000048  }
0xb9: {  	_ =	sfence  }
0xba: {  	s30 =	sld [smem:$0x0];
	_ =	sdelay $0x2  }
0xbb: {  	s31 =	sshll.u32 s1, $0xD;
	s1 =	sshrl.u32 s1, $0x2  }
0xbc: {  	s3 =	sand.u32 $0x4000, s31;
	s1 =	sadd.s32 s1, s30  }
0xbd: {  	s0 =	sor.u32 s3, s0;
	s1 =	sshll.u32 s1, $0x11  }
0xbe: {  	s0 =	sor.u32 s1, s0  }
0xbf: {  	s0 =	sadd.s32 $0x8F2B, s0  }
0xc0: {  	[sflag:s0] =	ssyncadd.remote.s32 $0x1  }
0xc1: {  	_ =	sfence.sel $0xFFFF  }
0xc2: {  	[dreg:$0x0] =	wrdreg $0xFFFFFFFF;
	(pc) =	sbr.abs _section_cstart, $3  }
0xc3: {  	[dreg:$0x1] =	wrdreg $0xFFFFFFFF  }
0xc4: {  	_ =	task.clear_ibuf [dreg:s8], $0x2FFFF;
	_ =	strace $0x9FFFFFFF  }
0xc5: {  	(tm) =	ssettm $0x7FFFFFFF  }
tec
execute0_lowered:
.L_overlay_start_1:
0x0: {  	(tag) =	ssettag $0x1  }
0x1: {  	s0 =	rddreg [dreg:$0x0]  }
0x2: {  	s2 =	rddreg [dreg:$0x1]  }
0x3: {  	s3 =	rddreg [dreg:$0x2]  }
0x4: {  	s1 =	rddreg [dreg:$0x3];
	s4 =	srdreg.scid;
	s6 =	simm.s32 $0x0  }
0x5: {  	s10 =	stileid.u32;
	s5 =	sand.u32 $0x1, s4;
	[smem:$0x7FF] =	sst s6  }
0x6: {  	s22 =	smul.u32 $0x2710, s10;
	s8 =	sshll.u32 s10, $0xB;
	s28 =	sshll.u32 s10, $0x10  }
0x7: {  	s30 =	sshll.u32 s10, $0xE;
	s4 =	smul.u32 $0x27100, s5;
	_ =	strace $0x80000047  }
0x8: {  	s7 =	smul.u32 $0xA0000, s5;
	s5 =	ssub.s32 $0x2, s5;
	s9 =	sadd.s32 s30, s1  }
0x9: {  	s24 =	sshrl.u32 s5, $0x1;
	s30 =	sadd.s32 $0xC0000, s9;
	s6 =	sadd.s32 s22, s4  }
0xa: {  	s4 =	sshll.u32 s10, $0x4;
	s7 =	sor.u32 s7, s8;
	s5 =	ssub.s32 s5, s24  }
0xb: {  	[dreg:$0x1e] =	wrdreg s30;
	s23 =	ssub.s32 s6, s4;
	s3 =	sadd.s32 s7, s3  }
0xc: {  	s6 =	sshrl.u32 s6, $0x3;
	s7 =	sadd.s32 s28, s1;
	s28 =	smax.u32 s5, $0x1  }
0xd: {  	s26 =	sadd.s32 s2, s6;
	[dreg:$0x1b] =	wrdreg s28  }
0xe: {  	s29 =	sadd.s32 $0xC00, s3;
	[dreg:$0x6] =	wrdreg s26  }
0xf: {  	s2 =	sadd.s32 $0x28C00, s3;
	[dreg:$0x7] =	wrdreg s29  }
0x10: {  	s6 =	sadd.s32 $0x50C00, s3;
	[dreg:$0x8] =	wrdreg s2  }
0x11: {  	s11 =	sadd.s32 $0x8C00, s3;
	[dreg:$0x9] =	wrdreg s6  }
0x12: {  	s12 =	sadd.s32 $0x30C00, s3;
	[dreg:$0xb] =	wrdreg s11  }
0x13: {  	s13 =	sadd.s32 $0x58C00, s3;
	[dreg:$0xc] =	wrdreg s12  }
0x14: {  	s14 =	sadd.s32 $0x80C00, s3;
	[dreg:$0xd] =	wrdreg s13  }
0x15: {  	s15 =	sadd.s32 $0x10C00, s3;
	[dreg:$0xe] =	wrdreg s14  }
0x16: {  	s16 =	sadd.s32 $0x38C00, s3;
	[dreg:$0xf] =	wrdreg s15  }
0x17: {  	s17 =	sadd.s32 $0x60C00, s3;
	[dreg:$0x10] =	wrdreg s16  }
0x18: {  	s18 =	sadd.s32 $0x88C00, s3;
	[dreg:$0x11] =	wrdreg s17  }
0x19: {  	s19 =	sadd.s32 $0x18C00, s3;
	[dreg:$0x12] =	wrdreg s18  }
0x1a: {  	s8 =	sshrl.u32 s23, $0x2;
	s20 =	sadd.s32 $0x40C00, s3;
	[dreg:$0x13] =	wrdreg s19  }
0x1b: {  	s21 =	sadd.s32 $0x68C00, s3;
	s22 =	sadd.s32 $0x90C00, s3;
	[dreg:$0x14] =	wrdreg s20  }
0x1c: {  	s23 =	sadd.s32 $0x20C00, s3;
	s24 =	sadd.s32 $0x48C00, s3;
	[dreg:$0x15] =	wrdreg s21  }
0x1d: {  	s31 =	sadd.s32 $0x2000, s7;
	s5 =	sadd.s32 $0xA000, s7;
	[dreg:$0x16] =	wrdreg s22  }
0x1e: {  	s25 =	sand.u32 $0xFFFFFE0, s8;
	s8 =	sadd.s32 $0x78C00, s3;
	[dreg:$0x17] =	wrdreg s23  }
0x1f: {  	[dreg:$0x18] =	wrdreg s24;
	s26 =	sadd.s32 $0x98C00, s3;
	s2 =	sadd.s32 $0x6000, s7  }
0x20: {  	s6 =	sadd.s32 $0xC000, s7;
	s11 =	sadd.s32 $0x40000, s9;
	s29 =	sadd.s32 $0x80000, s9  }
0x21: {  	s13 =	sshll.u32 s10, $0x5;
	s14 =	simm.s32 $0x1;
	[dreg:$0xa] =	wrdreg s8  }
0x22: {  	s15 =	simm.s32 $0xC680;
	s16 =	simm.s32 $0x2780;
	[dreg:$0x1a] =	wrdreg s26  }
0x23: {  	v8 =	vlaneseq.u32;
	s17 =	simm.s32 $0x7780;
	s18 =	simm.s32 $0x9F00;
	[dreg:$0x1c] =	wrdreg s11  }
0x24: {  	v0 =	vor.u32 $0x100710, v8;
	v1 =	vor.u32 $0x100720, v8;
	v2 =	vor.u32 $0x100730, v8;
	s19 =	simm.s32 $0x0;
	s0 =	sadd.s32 s0, s25;
	[dreg:$0x1d] =	wrdreg s29  }
0x25: {  	v4 =	vimm.f32 $1.000000000e+00;
	v3 =	vor.u32 $0x100740, v8;
	v5 =	vor.u32 $0x100750, v8;
	s25 =	sadd.s32 $0x70C00, s3;
	s3 =	sadd.s32 $0x8000, s7;
	[dreg:$0x5] =	wrdreg s0  }
0x26: {  	v6 =	vimm.f32 $0.0e+00;
	v7 =	vor.u32 $0x100760, v8;
	v8 =	vor.u32 $0x100770, v8;
	s8 =	sadd.s32 $0xE000, s7;
	[dreg:$0x19] =	wrdreg s25;
	s0 =	sadd.s32 $0x4000, s7  }
.LBB2_1:
0x27: {  	s10 =	simm.s32 $0x0;
	s11 =	rddreg [dreg:$0x5]  }
0x28: {  	[tilespmem:s10], [sflag:$0x1] =	stream.linear.gather [hbm4b:s11+s10], $0x5000, $0x38;
	[tilespmem:$0x1E780] =	vst v63  }
0x29: {  	_ =	swait.ge [sflag:s14], $0x5000  }
0x2a: {  	[sflag:s14] =	ssyncset.done $0x0  }
0x2b: {  	s12 =	simm.s32 $0x5000;
	s30 =	rddreg [dreg:$0x6];
	[sflag:s14] =	ssyncadd.s32 $0xFFFFB000  }
0x2c: {  	[tilespmem:s12], [sflag:$0x1] =	stream.linear.gather [hbm4b:s30+s10], $0x2710, $0x38;
	[tilespmem:$0x1E780] =	vst v63  }
0x2d: {  	_ =	swait.ge [sflag:s14], $0x2710  }
0x2e: {  	[sflag:s14] =	ssyncset.done $0x0  }
0x2f: {  	s11 =	simm.s32 $0x0;
	s10 =	simm.s32 $0x40;
	[sflag:s14] =	ssyncadd.s32 $0xFFFFD8F0  }
.LBB2_2:
0x30: {  	p0 =	sne.s32 s10, $0x9DC0;
	[tilespmem:s11+$0x9F00] =	vst v4;
	s11 =	smov.u32 s10;
	s10 =	sadd.s32 $0x40, s10  }
.Ltmp0:
0x31: {  	(pc) =	sbr.rel @p0 .LBB2_2-.Ltmp0, $2  }
0x32: {  	_ =	sdelay $0x2  }
0x33: {  	s11 =	sshra.s32 s11, $0x2  }
0x34: {  	s20 =	sand.u32 $0x70, s4;
	s21 =	sand.u32 $0xFF00, s13  }
0x35: {  	[tilespmem:s11+$0x9F00] =	vst v4;
	s24 =	sor.u32 s20, s21  }
0x36: {  	s23 =	simm.s32 $0x0;
	v9 =	vld [tilespmem:s24+$0x80]  }
0x37: {  	v10 =	vld [tilespmem:s23+$0x5000];
	_ =	sdelay $0x2  }
0x38: {  	s25 =	sadd.s32 $0x10, s4  }
0x39: {  	s22 =	simm.s32 $0x40;
	s26 =	sadd.s32 $0x20, s13;
	s29 =	simm.s32 $0x80;
	v9 =	vshll.u32 v9, $0x9  }
0x3a: {  	s28 =	simm.s32 $0x40;
	s10 =	sand.u32 $0x70, s25;
	s30 =	sand.u32 $0xFF00, s26;
	v9 =	vadd.s32 v10, v9  }
.LBB2_4:
0x3b: {  	p0 =	sne.s32 s29, $0x9C00;
	[tilespmem:s24+$0x80] =	vst v9;
	s24 =	sor.u32 s10, s30  }
0x3c: {  	s10 =	sshra.s32 s28, $0x2;
	s28 =	smov.u32 s29;
	v9 =	vld [tilespmem:s24+$0x80]  }
0x3d: {  	v10 =	vld [tilespmem:s10+$0x5000]  }
.Ltmp1:
0x3e: {  	(pc) =	sbr.rel @p0 .LBB2_4-.Ltmp1, $3  }
0x3f: {  	_ =	sdelay $0x1  }
0x40: {  	s26 =	sadd.s32 $0x20, s26;
	s25 =	sadd.s32 $0x10, s25;
	v9 =	vshll.u32 v9, $0x9  }
0x41: {  	s29 =	sadd.s32 $0x40, s29;
	s30 =	sand.u32 $0xFF00, s26;
	s10 =	sand.u32 $0x70, s25;
	v9 =	vadd.s32 v10, v9  }
0x42: {  	s10 =	sor.u32 s10, s30;
	[tilespmem:s24+$0x80] =	vst v9  }
0x43: {  	s11 =	sshra.s32 s28, $0x2;
	v9 =	vld [tilespmem:s10+$0x80]  }
0x44: {  	v10 =	vld [tilespmem:s11+$0x5000];
	_ =	sdelay $0x3  }
0x45: {  	v9 =	vshll.u32 v9, $0x9  }
0x46: {  	v9 =	vadd.s32 v10, v9  }
0x47: {  	[tilespmem:s10+$0x80] =	vst v9  }
.LBB2_6:
0x48: {  	p0 =	sne.s32 s22, $0x7FC0;
	[tilespmem:s23+$0xC680] =	vst v6;
	s10 =	smov.u32 s22;
	s22 =	sadd.s32 $0x40, s22  }
.Ltmp2:
0x49: {  	(pc) =	sbr.rel @p0 .LBB2_6-.Ltmp2, $2  }
0x4a: {  	_ =	sdelay $0x2  }
0x4b: {  	s23 =	sshra.s32 s10, $0x2  }
0x4c: {  	[tilespmem:s23+$0xC680] =	vst v6  }
0x4d: {  	[tilespmem:$0x9E90] =	vst v0  }
0x4e: {  	[tilespmem:$0x9EA0] =	vst v1  }
0x4f: {  	[tilespmem:$0x9EB0] =	vst v2  }
0x50: {  	[tilespmem:$0x9EC0] =	vst v3  }
0x51: {  	[tilespmem:$0x9ED0] =	vst v5  }
0x52: {  	[tilespmem:$0x9EE0] =	vst v7  }
0x53: {  	[tilespmem:$0x9EF0] =	vst v8  }
0x54: {  	[spmem:s7] =	stream.linear.scatter [tilespmem:s15], [sflag:$0x1], $0x2000, $0x38;
	[tilespmem:$0x1E780] =	vst v63  }
0x55: {  	_ =	swait.ge [sflag:s14], $0x2000  }
0x56: {  	[sflag:s14] =	ssyncset.done $0x0  }
0x57: {  	[sflag:s14] =	ssyncadd.s32 $0xFFFFE000  }
0x58: {  	[spmem:s31] =	stream.linear.scatter [tilespmem:s15], [sflag:$0x1], $0x2000, $0x38;
	[tilespmem:$0x1E780] =	vst v63  }
0x59: {  	_ =	swait.ge [sflag:s14], $0x2000  }
0x5a: {  	[sflag:s14] =	ssyncset.done $0x0  }
0x5b: {  	[sflag:s14] =	ssyncadd.s32 $0xFFFFE000  }
0x5c: {  	[spmem:s0] =	stream.linear.scatter [tilespmem:s15], [sflag:$0x1], $0x2000, $0x38;
	[tilespmem:$0x1E780] =	vst v63  }
0x5d: {  	_ =	swait.ge [sflag:s14], $0x2000  }
0x5e: {  	[sflag:s14] =	ssyncset.done $0x0  }
0x5f: {  	[sflag:s14] =	ssyncadd.s32 $0xFFFFE000  }
0x60: {  	[spmem:s2] =	stream.linear.scatter [tilespmem:s15], [sflag:$0x1], $0x2000, $0x38;
	[tilespmem:$0x1E780] =	vst v63  }
0x61: {  	_ =	swait.ge [sflag:s14], $0x2000  }
0x62: {  	[sflag:s14] =	ssyncset.done $0x0  }
0x63: {  	[sflag:s14] =	ssyncadd.s32 $0xFFFFE000  }
0x64: {  	[spmem:s3] =	stream.linear.scatter [tilespmem:s15], [sflag:$0x1], $0x2000, $0x38;
	[tilespmem:$0x1E780] =	vst v63  }
0x65: {  	_ =	swait.ge [sflag:s14], $0x2000  }
0x66: {  	[sflag:s14] =	ssyncset.done $0x0  }
0x67: {  	[sflag:s14] =	ssyncadd.s32 $0xFFFFE000  }
0x68: {  	[spmem:s5] =	stream.linear.scatter [tilespmem:s15], [sflag:$0x1], $0x2000, $0x38;
	[tilespmem:$0x1E780] =	vst v63  }
0x69: {  	_ =	swait.ge [sflag:s14], $0x2000  }
0x6a: {  	[sflag:s14] =	ssyncset.done $0x0  }
0x6b: {  	[sflag:s14] =	ssyncadd.s32 $0xFFFFE000  }
0x6c: {  	[spmem:s6] =	stream.linear.scatter [tilespmem:s15], [sflag:$0x1], $0x2000, $0x38;
	[tilespmem:$0x1E780] =	vst v63  }
0x6d: {  	_ =	swait.ge [sflag:s14], $0x2000  }
0x6e: {  	[sflag:s14] =	ssyncset.done $0x0  }
0x6f: {  	[sflag:s14] =	ssyncadd.s32 $0xFFFFE000  }
0x70: {  	[spmem:s8] =	stream.linear.scatter [tilespmem:s15], [sflag:$0x1], $0x2000, $0x38;
	[tilespmem:$0x1E780] =	vst v63  }
0x71: {  	_ =	swait.ge [sflag:s14], $0x2000  }
0x72: {  	[sflag:s14] =	ssyncset.done $0x0  }
0x73: {  	[sflag:s14] =	ssyncadd.s32 $0xFFFFE000  }
0x74: {  	s25 =	sor.u32 s20, s21;
	[bflag:$0x0] =	sbarrier.arrive $0xFFFF  }
0x75: {  	v9 =	vld [tilespmem:s25+$0x80];
	_ =	sdelay $0x4  }
0x76: {  	v10 =	vshll.u32 v9, $0xB;
	v11 =	vshrl.u32 v9, $0x2  }
0x77: {  	v10 =	vand.u32 $0xC0000, v10;
	v11 =	vand.u32 $0x3FFFFF80, v11  }
0x78: {  	s20 =	simm.s32 $0x40;
	v12 =	vand.u32 $0xFFF, v9;
	v10 =	vadd.s32 v11, v10;
	v11 =	vand.u32 $0x7F, v9  }
0x79: {  	s24 =	simm.s32 $0x0;
	s21 =	sadd.s32 $0x20, s13;
	s22 =	sadd.s32 $0x10, s4;
	vm0 =	vlt.u32 v9, $0x100000;
	v9 =	vor.u32 v11, v10;
	v10 =	vor.u32 $0x100000, v12  }
0x7a: {  	s23 =	simm.s32 $0x80;
	s10 =	sand.u32 $0x70, s22;
	s11 =	sand.u32 $0xFF00, s21;
	v9 =	vsel vm0, v9, v10  }
.LBB2_8:
0x7b: {  	p0 =	sne.s32 s23, $0x9C00;
	s10 =	sor.u32 s10, s11;
	[tilespmem:s24+$0x7780] =	vst v9;
	s11 =	smov.u32 s20  }
0x7c: {  	s20 =	smov.u32 s23;
	v9 =	vld [tilespmem:s10+$0x80];
	_ =	sdelay $0x4  }
.Ltmp3:
0x7d: {  	v10 =	vshll.u32 v9, $0xB;
	v11 =	vshrl.u32 v9, $0x2;
	(pc) =	sbr.rel @p0 .LBB2_8-.Ltmp3, $4  }
0x7e: {  	v10 =	vand.u32 $0xC0000, v10;
	v11 =	vand.u32 $0x3FFFFF80, v11  }
0x7f: {  	v12 =	vand.u32 $0xFFF, v9;
	v10 =	vadd.s32 v11, v10;
	v11 =	vand.u32 $0x7F, v9  }
0x80: {  	s21 =	sadd.s32 $0x20, s21;
	s22 =	sadd.s32 $0x10, s22;
	s24 =	sshra.s32 s11, $0x2;
	vm0 =	vlt.u32 v9, $0x100000;
	v9 =	vor.u32 v11, v10;
	v10 =	vor.u32 $0x100000, v12  }
0x81: {  	s23 =	sadd.s32 $0x40, s23;
	s10 =	sand.u32 $0x70, s22;
	s11 =	sand.u32 $0xFF00, s21;
	v9 =	vsel vm0, v9, v10  }
0x82: {  	s10 =	sor.u32 s10, s11;
	[tilespmem:s24+$0x7780] =	vst v9  }
0x83: {  	v9 =	vld [tilespmem:s10+$0x80];
	_ =	sdelay $0x4  }
0x84: {  	v10 =	vshll.u32 v9, $0xB;
	v11 =	vshrl.u32 v9, $0x2  }
0x85: {  	v10 =	vand.u32 $0xC0000, v10;
	v11 =	vand.u32 $0x3FFFFF80, v11  }
0x86: {  	v12 =	vand.u32 $0xFFF, v9;
	v10 =	vadd.s32 v11, v10;
	v11 =	vand.u32 $0x7F, v9  }
0x87: {  	vm0 =	vlt.u32 v9, $0x100000;
	v9 =	vor.u32 v11, v10;
	v10 =	vor.u32 $0x100000, v12  }
0x88: {  	s21 =	sshra.s32 s20, $0x2;
	v9 =	vsel vm0, v9, v10  }
0x89: {  	[tilespmem:s21+$0x7780] =	vst v9  }
0x8a: {  	[spmem:s1] =	stream.indirect.scatter.add.f32 [tilespmem:s18], [sflag:$0x1], $0x1, s17, s16, $0xb8;
	[tilespmem:$0x1E780] =	vst v63  }
0x8b: {  	_ =	swait.ge [sflag:s14], $0x2780  }
0x8c: {  	[sflag:s14] =	ssyncset.done $0x0  }
0x8d: {  	s22 =	stileid.u32;
	[sflag:s14] =	ssyncadd.s32 $0xFFFFD880  }
0x8e: {  	s10 =	sshll.u32 s22, $0x6;
	[bflag:$0x0] =	sbarrier.arrive $0xFFFF  }
0x8f: {  	s20 =	sor.u32 $0x1C01, s10;
	s21 =	sshrl.u32 s9, $0x3;
	s23 =	rddreg [dreg:$0x7]  }
0x90: {  	[hbm:s23], [sflag:s20] =	dma.local [spmem:s21], $0x800  }
0x91: {  	_ =	swait.ge [sflag:s14], $0x800  }
0x92: {  	[sflag:s14] =	ssyncset.done $0x0;
	s24 =	rddreg [dreg:$0x1c]  }
0x93: {  	s26 =	rddreg [dreg:$0x8];
	[sflag:s14] =	ssyncadd.s32 $0xFFFFF800;
	s22 =	sshrl.u32 s24, $0x3  }
0x94: {  	[hbm:s26], [sflag:s20] =	dma.local [spmem:s22], $0x800  }
0x95: {  	_ =	swait.ge [sflag:s14], $0x800  }
0x96: {  	[sflag:s14] =	ssyncset.done $0x0;
	s11 =	rddreg [dreg:$0x1d]  }
0x97: {  	s12 =	rddreg [dreg:$0x9];
	[sflag:s14] =	ssyncadd.s32 $0xFFFFF800;
	s23 =	sshrl.u32 s11, $0x3  }
0x98: {  	[hbm:s12], [sflag:s20] =	dma.local [spmem:s23], $0x800  }
0x99: {  	_ =	swait.ge [sflag:s14], $0x800  }
0x9a: {  	[sflag:s14] =	ssyncset.done $0x0;
	s24 =	rddreg [dreg:$0x1e]  }
0x9b: {  	s26 =	rddreg [dreg:$0xa];
	[sflag:s14] =	ssyncadd.s32 $0xFFFFF800;
	s24 =	sshrl.u32 s24, $0x3  }
0x9c: {  	[hbm:s26], [sflag:s20] =	dma.local [spmem:s24], $0x800  }
0x9d: {  	_ =	swait.ge [sflag:s14], $0x800  }
0x9e: {  	[sflag:s14] =	ssyncset.done $0x0  }
0x9f: {  	[sflag:s14] =	ssyncadd.s32 $0xFFFFF800  }
0xa0: {  	[spmem:s7] =	stream.linear.scatter [tilespmem:s15], [sflag:$0x1], $0x2000, $0x38;
	[tilespmem:$0x1E780] =	vst v63  }
0xa1: {  	_ =	swait.ge [sflag:s14], $0x2000  }
0xa2: {  	[sflag:s14] =	ssyncset.done $0x0  }
0xa3: {  	[sflag:s14] =	ssyncadd.s32 $0xFFFFE000  }
0xa4: {  	[spmem:s31] =	stream.linear.scatter [tilespmem:s15], [sflag:$0x1], $0x2000, $0x38;
	[tilespmem:$0x1E780] =	vst v63  }
0xa5: {  	_ =	swait.ge [sflag:s14], $0x2000  }
0xa6: {  	[sflag:s14] =	ssyncset.done $0x0  }
0xa7: {  	[sflag:s14] =	ssyncadd.s32 $0xFFFFE000  }
0xa8: {  	[spmem:s0] =	stream.linear.scatter [tilespmem:s15], [sflag:$0x1], $0x2000, $0x38;
	[tilespmem:$0x1E780] =	vst v63  }
0xa9: {  	_ =	swait.ge [sflag:s14], $0x2000  }
0xaa: {  	[sflag:s14] =	ssyncset.done $0x0  }
0xab: {  	[sflag:s14] =	ssyncadd.s32 $0xFFFFE000  }
0xac: {  	[spmem:s2] =	stream.linear.scatter [tilespmem:s15], [sflag:$0x1], $0x2000, $0x38;
	[tilespmem:$0x1E780] =	vst v63  }
0xad: {  	_ =	swait.ge [sflag:s14], $0x2000  }
0xae: {  	[sflag:s14] =	ssyncset.done $0x0  }
0xaf: {  	[sflag:s14] =	ssyncadd.s32 $0xFFFFE000  }
0xb0: {  	[spmem:s3] =	stream.linear.scatter [tilespmem:s15], [sflag:$0x1], $0x2000, $0x38;
	[tilespmem:$0x1E780] =	vst v63  }
0xb1: {  	_ =	swait.ge [sflag:s14], $0x2000  }
0xb2: {  	[sflag:s14] =	ssyncset.done $0x0  }
0xb3: {  	[sflag:s14] =	ssyncadd.s32 $0xFFFFE000  }
0xb4: {  	[spmem:s5] =	stream.linear.scatter [tilespmem:s15], [sflag:$0x1], $0x2000, $0x38;
	[tilespmem:$0x1E780] =	vst v63  }
0xb5: {  	_ =	swait.ge [sflag:s14], $0x2000  }
0xb6: {  	[sflag:s14] =	ssyncset.done $0x0  }
0xb7: {  	[sflag:s14] =	ssyncadd.s32 $0xFFFFE000  }
0xb8: {  	[spmem:s6] =	stream.linear.scatter [tilespmem:s15], [sflag:$0x1], $0x2000, $0x38;
	[tilespmem:$0x1E780] =	vst v63  }
0xb9: {  	_ =	swait.ge [sflag:s14], $0x2000  }
0xba: {  	[sflag:s14] =	ssyncset.done $0x0  }
0xbb: {  	[sflag:s14] =	ssyncadd.s32 $0xFFFFE000  }
0xbc: {  	[spmem:s8] =	stream.linear.scatter [tilespmem:s15], [sflag:$0x1], $0x2000, $0x38;
	[tilespmem:$0x1E780] =	vst v63  }
0xbd: {  	_ =	swait.ge [sflag:s14], $0x2000  }
0xbe: {  	[sflag:s14] =	ssyncset.done $0x0  }
0xbf: {  	[sflag:s14] =	ssyncadd.s32 $0xFFFFE000  }
0xc0: {  	[bflag:$0x0] =	sbarrier.arrive $0xFFFF  }
0xc1: {  	v9 =	vld [tilespmem:s25+$0x80];
	_ =	sdelay $0x4  }
0xc2: {  	v10 =	vadd.s32 $0xFFF00000, v9  }
0xc3: {  	v11 =	vshll.u32 v9, $0xB;
	v10 =	vshrl.u32 v10, $0x2  }
0xc4: {  	v63 =	vand.u32 $0xFFF00000, v9;
	v11 =	vand.u32 $0xC0000, v11;
	v10 =	vand.u32 $0x3FFFFF80, v10  }
0xc5: {  	s28 =	sadd.s32 $0x20, s13;
	v10 =	vadd.s32 v11, v10;
	v11 =	vand.u32 $0x7F, v9;
	v9 =	vand.u32 $0xFFF, v9  }
0xc6: {  	s29 =	sadd.s32 $0x10, s4;
	s30 =	simm.s32 $0x80;
	s10 =	simm.s32 $0x0;
	vm15 =	veq.s32 v63, $0x100000;
	v10 =	vor.u32 v11, v10;
	v9 =	vor.u32 $0x100000, v9  }
0xc7: {  	s11 =	sand.u32 $0x70, s29;
	s12 =	sand.u32 $0xFF00, s28;
	s26 =	simm.s32 $0x40;
	v9 =	vsel vm15, v10, v9  }
.LBB2_10:
0xc8: {  	p0 =	sne.s32 s30, $0x9C00;
	s11 =	sor.u32 s11, s12;
	[tilespmem:s10+$0x7780] =	vst v9;
	s10 =	smov.u32 s26  }
0xc9: {  	s26 =	smov.u32 s30;
	v9 =	vld [tilespmem:s11+$0x80];
	_ =	sdelay $0x4  }
0xca: {  	v10 =	vadd.s32 $0xFFF00000, v9  }
.Ltmp4:
0xcb: {  	v11 =	vshll.u32 v9, $0xB;
	v10 =	vshrl.u32 v10, $0x2;
	(pc) =	sbr.rel @p0 .LBB2_10-.Ltmp4, $4  }
0xcc: {  	v12 =	vand.u32 $0xFFF00000, v9;
	v11 =	vand.u32 $0xC0000, v11;
	v10 =	vand.u32 $0x3FFFFF80, v10  }
0xcd: {  	v10 =	vadd.s32 v11, v10;
	v11 =	vand.u32 $0x7F, v9;
	v9 =	vand.u32 $0xFFF, v9  }
0xce: {  	s28 =	sadd.s32 $0x20, s28;
	s29 =	sadd.s32 $0x10, s29;
	s10 =	sshra.s32 s10, $0x2;
	vm0 =	veq.s32 v12, $0x100000;
	v10 =	vor.u32 v11, v10;
	v9 =	vor.u32 $0x100000, v9  }
0xcf: {  	s30 =	sadd.s32 $0x40, s30;
	s11 =	sand.u32 $0x70, s29;
	s12 =	sand.u32 $0xFF00, s28;
	v9 =	vsel vm0, v10, v9  }
0xd0: {  	s11 =	sor.u32 s11, s12;
	[tilespmem:s10+$0x7780] =	vst v9  }
0xd1: {  	v9 =	vld [tilespmem:s11+$0x80];
	_ =	sdelay $0x4  }
0xd2: {  	v10 =	vadd.s32 $0xFFF00000, v9  }
0xd3: {  	v11 =	vshll.u32 v9, $0xB;
	v10 =	vshrl.u32 v10, $0x2  }
0xd4: {  	v12 =	vand.u32 $0xFFF00000, v9;
	v11 =	vand.u32 $0xC0000, v11;
	v10 =	vand.u32 $0x3FFFFF80, v10  }
0xd5: {  	v10 =	vadd.s32 v11, v10;
	v11 =	vand.u32 $0x7F, v9;
	v9 =	vand.u32 $0xFFF, v9  }
0xd6: {  	vm0 =	veq.s32 v12, $0x100000;
	v10 =	vor.u32 v11, v10;
	v9 =	vor.u32 $0x100000, v9  }
0xd7: {  	s12 =	sshra.s32 s26, $0x2;
	v9 =	vsel vm0, v10, v9  }
0xd8: {  	[tilespmem:s12+$0x7780] =	vst v9  }
0xd9: {  	[spmem:s1] =	stream.indirect.scatter.add.f32 [tilespmem:s18], [sflag:$0x1], $0x1, s17, s16, $0xb8;
	[tilespmem:$0x1E780] =	vst v63  }
0xda: {  	_ =	swait.ge [sflag:s14], $0x2780  }
0xdb: {  	[sflag:s14] =	ssyncset.done $0x0  }
0xdc: {  	[sflag:s14] =	ssyncadd.s32 $0xFFFFD880  }
0xdd: {  	[bflag:$0x0] =	sbarrier.arrive $0xFFFF  }
0xde: {  	s26 =	rddreg [dreg:$0xb]  }
0xdf: {  	[hbm:s26], [sflag:s20] =	dma.local [spmem:s21], $0x800  }
0xe0: {  	_ =	swait.ge [sflag:s14], $0x800  }
0xe1: {  	[sflag:s14] =	ssyncset.done $0x0  }
0xe2: {  	s11 =	rddreg [dreg:$0xc];
	[sflag:s14] =	ssyncadd.s32 $0xFFFFF800  }
0xe3: {  	[hbm:s11], [sflag:s20] =	dma.local [spmem:s22], $0x800  }
0xe4: {  	_ =	swait.ge [sflag:s14], $0x800  }
0xe5: {  	[sflag:s14] =	ssyncset.done $0x0  }
0xe6: {  	s12 =	rddreg [dreg:$0xd];
	[sflag:s14] =	ssyncadd.s32 $0xFFFFF800  }
0xe7: {  	[hbm:s12], [sflag:s20] =	dma.local [spmem:s23], $0x800  }
0xe8: {  	_ =	swait.ge [sflag:s14], $0x800  }
0xe9: {  	[sflag:s14] =	ssyncset.done $0x0  }
0xea: {  	s26 =	rddreg [dreg:$0xe];
	[sflag:s14] =	ssyncadd.s32 $0xFFFFF800  }
0xeb: {  	[hbm:s26], [sflag:s20] =	dma.local [spmem:s24], $0x800  }
0xec: {  	_ =	swait.ge [sflag:s14], $0x800  }
0xed: {  	[sflag:s14] =	ssyncset.done $0x0  }
0xee: {  	[sflag:s14] =	ssyncadd.s32 $0xFFFFF800  }
0xef: {  	[spmem:s7] =	stream.linear.scatter [tilespmem:s15], [sflag:$0x1], $0x2000, $0x38;
	[tilespmem:$0x1E780] =	vst v63  }
0xf0: {  	_ =	swait.ge [sflag:s14], $0x2000  }
0xf1: {  	[sflag:s14] =	ssyncset.done $0x0  }
0xf2: {  	[sflag:s14] =	ssyncadd.s32 $0xFFFFE000  }
0xf3: {  	[spmem:s31] =	stream.linear.scatter [tilespmem:s15], [sflag:$0x1], $0x2000, $0x38;
	[tilespmem:$0x1E780] =	vst v63  }
0xf4: {  	_ =	swait.ge [sflag:s14], $0x2000  }
0xf5: {  	[sflag:s14] =	ssyncset.done $0x0  }
0xf6: {  	[sflag:s14] =	ssyncadd.s32 $0xFFFFE000  }
0xf7: {  	[spmem:s0] =	stream.linear.scatter [tilespmem:s15], [sflag:$0x1], $0x2000, $0x38;
	[tilespmem:$0x1E780] =	vst v63  }
0xf8: {  	_ =	swait.ge [sflag:s14], $0x2000  }
0xf9: {  	[sflag:s14] =	ssyncset.done $0x0  }
0xfa: {  	[sflag:s14] =	ssyncadd.s32 $0xFFFFE000  }
0xfb: {  	[spmem:s2] =	stream.linear.scatter [tilespmem:s15], [sflag:$0x1], $0x2000, $0x38;
	[tilespmem:$0x1E780] =	vst v63  }
0xfc: {  	_ =	swait.ge [sflag:s14], $0x2000  }
0xfd: {  	[sflag:s14] =	ssyncset.done $0x0  }
0xfe: {  	[sflag:s14] =	ssyncadd.s32 $0xFFFFE000  }
0xff: {  	[spmem:s3] =	stream.linear.scatter [tilespmem:s15], [sflag:$0x1], $0x2000, $0x38;
	[tilespmem:$0x1E780] =	vst v63  }
0x100: {  	_ =	swait.ge [sflag:s14], $0x2000  }
0x101: {  	[sflag:s14] =	ssyncset.done $0x0  }
0x102: {  	[sflag:s14] =	ssyncadd.s32 $0xFFFFE000  }
0x103: {  	[spmem:s5] =	stream.linear.scatter [tilespmem:s15], [sflag:$0x1], $0x2000, $0x38;
	[tilespmem:$0x1E780] =	vst v63  }
0x104: {  	_ =	swait.ge [sflag:s14], $0x2000  }
0x105: {  	[sflag:s14] =	ssyncset.done $0x0  }
0x106: {  	[sflag:s14] =	ssyncadd.s32 $0xFFFFE000  }
0x107: {  	[spmem:s6] =	stream.linear.scatter [tilespmem:s15], [sflag:$0x1], $0x2000, $0x38;
	[tilespmem:$0x1E780] =	vst v63  }
0x108: {  	_ =	swait.ge [sflag:s14], $0x2000  }
0x109: {  	[sflag:s14] =	ssyncset.done $0x0  }
0x10a: {  	[sflag:s14] =	ssyncadd.s32 $0xFFFFE000  }
0x10b: {  	[spmem:s8] =	stream.linear.scatter [tilespmem:s15], [sflag:$0x1], $0x2000, $0x38;
	[tilespmem:$0x1E780] =	vst v63  }
0x10c: {  	_ =	swait.ge [sflag:s14], $0x2000  }
0x10d: {  	[sflag:s14] =	ssyncset.done $0x0  }
0x10e: {  	[sflag:s14] =	ssyncadd.s32 $0xFFFFE000  }
0x10f: {  	[bflag:$0x0] =	sbarrier.arrive $0xFFFF  }
0x110: {  	v9 =	vld [tilespmem:s25+$0x80];
	_ =	sdelay $0x4  }
0x111: {  	v10 =	vadd.s32 $0xFFE00000, v9  }
0x112: {  	v11 =	vshll.u32 v9, $0xB;
	v10 =	vshrl.u32 v10, $0x2  }
0x113: {  	v63 =	vand.u32 $0xFFF00000, v9;
	v11 =	vand.u32 $0xC0000, v11;
	v10 =	vand.u32 $0x3FFFFF80, v10  }
0x114: {  	s10 =	simm.s32 $0x0;
	v10 =	vadd.s32 v11, v10;
	v11 =	vand.u32 $0x7F, v9;
	v9 =	vand.u32 $0xFFF, v9  }
0x115: {  	s28 =	sadd.s32 $0x20, s13;
	s29 =	sadd.s32 $0x10, s4;
	s30 =	simm.s32 $0x80;
	vm15 =	veq.s32 v63, $0x200000;
	v10 =	vor.u32 v11, v10;
	v9 =	vor.u32 $0x100000, v9  }
0x116: {  	s11 =	sand.u32 $0x70, s29;
	s12 =	sand.u32 $0xFF00, s28;
	s26 =	simm.s32 $0x40;
	v9 =	vsel vm15, v10, v9  }
.LBB2_12:
0x117: {  	p0 =	sne.s32 s30, $0x9C00;
	s11 =	sor.u32 s11, s12;
	[tilespmem:s10+$0x7780] =	vst v9;
	s10 =	smov.u32 s26  }
0x118: {  	s26 =	smov.u32 s30;
	v9 =	vld [tilespmem:s11+$0x80];
	_ =	sdelay $0x4  }
0x119: {  	v10 =	vadd.s32 $0xFFE00000, v9  }
.Ltmp5:
0x11a: {  	v11 =	vshll.u32 v9, $0xB;
	v10 =	vshrl.u32 v10, $0x2;
	(pc) =	sbr.rel @p0 .LBB2_12-.Ltmp5, $4  }
0x11b: {  	v12 =	vand.u32 $0xFFF00000, v9;
	v11 =	vand.u32 $0xC0000, v11;
	v10 =	vand.u32 $0x3FFFFF80, v10  }
0x11c: {  	v10 =	vadd.s32 v11, v10;
	v11 =	vand.u32 $0x7F, v9;
	v9 =	vand.u32 $0xFFF, v9  }
0x11d: {  	s28 =	sadd.s32 $0x20, s28;
	s29 =	sadd.s32 $0x10, s29;
	s10 =	sshra.s32 s10, $0x2;
	vm0 =	veq.s32 v12, $0x200000;
	v10 =	vor.u32 v11, v10;
	v9 =	vor.u32 $0x100000, v9  }
0x11e: {  	s30 =	sadd.s32 $0x40, s30;
	s11 =	sand.u32 $0x70, s29;
	s12 =	sand.u32 $0xFF00, s28;
	v9 =	vsel vm0, v10, v9  }
0x11f: {  	s11 =	sor.u32 s11, s12;
	[tilespmem:s10+$0x7780] =	vst v9  }
0x120: {  	v9 =	vld [tilespmem:s11+$0x80];
	_ =	sdelay $0x4  }
0x121: {  	v10 =	vadd.s32 $0xFFE00000, v9  }
0x122: {  	v11 =	vshll.u32 v9, $0xB;
	v10 =	vshrl.u32 v10, $0x2  }
0x123: {  	v12 =	vand.u32 $0xFFF00000, v9;
	v11 =	vand.u32 $0xC0000, v11;
	v10 =	vand.u32 $0x3FFFFF80, v10  }
0x124: {  	v10 =	vadd.s32 v11, v10;
	v11 =	vand.u32 $0x7F, v9;
	v9 =	vand.u32 $0xFFF, v9  }
0x125: {  	vm0 =	veq.s32 v12, $0x200000;
	v10 =	vor.u32 v11, v10;
	v9 =	vor.u32 $0x100000, v9  }
0x126: {  	s12 =	sshra.s32 s26, $0x2;
	v9 =	vsel vm0, v10, v9  }
0x127: {  	[tilespmem:s12+$0x7780] =	vst v9  }
0x128: {  	[spmem:s1] =	stream.indirect.scatter.add.f32 [tilespmem:s18], [sflag:$0x1], $0x1, s17, s16, $0xb8;
	[tilespmem:$0x1E780] =	vst v63  }
0x129: {  	_ =	swait.ge [sflag:s14], $0x2780  }
0x12a: {  	[sflag:s14] =	ssyncset.done $0x0  }
0x12b: {  	[sflag:s14] =	ssyncadd.s32 $0xFFFFD880  }
0x12c: {  	[bflag:$0x0] =	sbarrier.arrive $0xFFFF  }
0x12d: {  	s26 =	rddreg [dreg:$0xf]  }
0x12e: {  	[hbm:s26], [sflag:s20] =	dma.local [spmem:s21], $0x800  }
0x12f: {  	_ =	swait.ge [sflag:s14], $0x800  }
0x130: {  	[sflag:s14] =	ssyncset.done $0x0  }
0x131: {  	s11 =	rddreg [dreg:$0x10];
	[sflag:s14] =	ssyncadd.s32 $0xFFFFF800  }
0x132: {  	[hbm:s11], [sflag:s20] =	dma.local [spmem:s22], $0x800  }
0x133: {  	_ =	swait.ge [sflag:s14], $0x800  }
0x134: {  	[sflag:s14] =	ssyncset.done $0x0  }
0x135: {  	s12 =	rddreg [dreg:$0x11];
	[sflag:s14] =	ssyncadd.s32 $0xFFFFF800  }
0x136: {  	[hbm:s12], [sflag:s20] =	dma.local [spmem:s23], $0x800  }
0x137: {  	_ =	swait.ge [sflag:s14], $0x800  }
0x138: {  	[sflag:s14] =	ssyncset.done $0x0  }
0x139: {  	s26 =	rddreg [dreg:$0x12];
	[sflag:s14] =	ssyncadd.s32 $0xFFFFF800  }
0x13a: {  	[hbm:s26], [sflag:s20] =	dma.local [spmem:s24], $0x800  }
0x13b: {  	_ =	swait.ge [sflag:s14], $0x800  }
0x13c: {  	[sflag:s14] =	ssyncset.done $0x0  }
0x13d: {  	[sflag:s14] =	ssyncadd.s32 $0xFFFFF800  }
0x13e: {  	[spmem:s7] =	stream.linear.scatter [tilespmem:s15], [sflag:$0x1], $0x2000, $0x38;
	[tilespmem:$0x1E780] =	vst v63  }
0x13f: {  	_ =	swait.ge [sflag:s14], $0x2000  }
0x140: {  	[sflag:s14] =	ssyncset.done $0x0  }
0x141: {  	[sflag:s14] =	ssyncadd.s32 $0xFFFFE000  }
0x142: {  	[spmem:s31] =	stream.linear.scatter [tilespmem:s15], [sflag:$0x1], $0x2000, $0x38;
	[tilespmem:$0x1E780] =	vst v63  }
0x143: {  	_ =	swait.ge [sflag:s14], $0x2000  }
0x144: {  	[sflag:s14] =	ssyncset.done $0x0  }
0x145: {  	[sflag:s14] =	ssyncadd.s32 $0xFFFFE000  }
0x146: {  	[spmem:s0] =	stream.linear.scatter [tilespmem:s15], [sflag:$0x1], $0x2000, $0x38;
	[tilespmem:$0x1E780] =	vst v63  }
0x147: {  	_ =	swait.ge [sflag:s14], $0x2000  }
0x148: {  	[sflag:s14] =	ssyncset.done $0x0  }
0x149: {  	[sflag:s14] =	ssyncadd.s32 $0xFFFFE000  }
0x14a: {  	[spmem:s2] =	stream.linear.scatter [tilespmem:s15], [sflag:$0x1], $0x2000, $0x38;
	[tilespmem:$0x1E780] =	vst v63  }
0x14b: {  	_ =	swait.ge [sflag:s14], $0x2000  }
0x14c: {  	[sflag:s14] =	ssyncset.done $0x0  }
0x14d: {  	[sflag:s14] =	ssyncadd.s32 $0xFFFFE000  }
0x14e: {  	[spmem:s3] =	stream.linear.scatter [tilespmem:s15], [sflag:$0x1], $0x2000, $0x38;
	[tilespmem:$0x1E780] =	vst v63  }
0x14f: {  	_ =	swait.ge [sflag:s14], $0x2000  }
0x150: {  	[sflag:s14] =	ssyncset.done $0x0  }
0x151: {  	[sflag:s14] =	ssyncadd.s32 $0xFFFFE000  }
0x152: {  	[spmem:s5] =	stream.linear.scatter [tilespmem:s15], [sflag:$0x1], $0x2000, $0x38;
	[tilespmem:$0x1E780] =	vst v63  }
0x153: {  	_ =	swait.ge [sflag:s14], $0x2000  }
0x154: {  	[sflag:s14] =	ssyncset.done $0x0  }
0x155: {  	[sflag:s14] =	ssyncadd.s32 $0xFFFFE000  }
0x156: {  	[spmem:s6] =	stream.linear.scatter [tilespmem:s15], [sflag:$0x1], $0x2000, $0x38;
	[tilespmem:$0x1E780] =	vst v63  }
0x157: {  	_ =	swait.ge [sflag:s14], $0x2000  }
0x158: {  	[sflag:s14] =	ssyncset.done $0x0  }
0x159: {  	[sflag:s14] =	ssyncadd.s32 $0xFFFFE000  }
0x15a: {  	[spmem:s8] =	stream.linear.scatter [tilespmem:s15], [sflag:$0x1], $0x2000, $0x38;
	[tilespmem:$0x1E780] =	vst v63  }
0x15b: {  	_ =	swait.ge [sflag:s14], $0x2000  }
0x15c: {  	[sflag:s14] =	ssyncset.done $0x0  }
0x15d: {  	[sflag:s14] =	ssyncadd.s32 $0xFFFFE000  }
0x15e: {  	[bflag:$0x0] =	sbarrier.arrive $0xFFFF  }
0x15f: {  	v9 =	vld [tilespmem:s25+$0x80];
	_ =	sdelay $0x4  }
0x160: {  	v10 =	vadd.s32 $0xFFD00000, v9  }
0x161: {  	v11 =	vshll.u32 v9, $0xB;
	v10 =	vshrl.u32 v10, $0x2  }
0x162: {  	v63 =	vand.u32 $0xFFF00000, v9;
	v11 =	vand.u32 $0xC0000, v11;
	v10 =	vand.u32 $0x3FFFFF80, v10  }
0x163: {  	s10 =	simm.s32 $0x0;
	v10 =	vadd.s32 v11, v10;
	v11 =	vand.u32 $0x7F, v9;
	v9 =	vand.u32 $0xFFF, v9  }
0x164: {  	s28 =	sadd.s32 $0x20, s13;
	s29 =	sadd.s32 $0x10, s4;
	s30 =	simm.s32 $0x80;
	vm15 =	veq.s32 v63, $0x300000;
	v10 =	vor.u32 v11, v10;
	v9 =	vor.u32 $0x100000, v9  }
0x165: {  	s11 =	sand.u32 $0x70, s29;
	s12 =	sand.u32 $0xFF00, s28;
	s26 =	simm.s32 $0x40;
	v9 =	vsel vm15, v10, v9  }
.LBB2_14:
0x166: {  	p0 =	sne.s32 s30, $0x9C00;
	s11 =	sor.u32 s11, s12;
	[tilespmem:s10+$0x7780] =	vst v9;
	s10 =	smov.u32 s26  }
0x167: {  	s26 =	smov.u32 s30;
	v9 =	vld [tilespmem:s11+$0x80];
	_ =	sdelay $0x4  }
0x168: {  	v10 =	vadd.s32 $0xFFD00000, v9  }
.Ltmp6:
0x169: {  	v11 =	vshll.u32 v9, $0xB;
	v10 =	vshrl.u32 v10, $0x2;
	(pc) =	sbr.rel @p0 .LBB2_14-.Ltmp6, $4  }
0x16a: {  	v12 =	vand.u32 $0xFFF00000, v9;
	v11 =	vand.u32 $0xC0000, v11;
	v10 =	vand.u32 $0x3FFFFF80, v10  }
0x16b: {  	v10 =	vadd.s32 v11, v10;
	v11 =	vand.u32 $0x7F, v9;
	v9 =	vand.u32 $0xFFF, v9  }
0x16c: {  	s28 =	sadd.s32 $0x20, s28;
	s29 =	sadd.s32 $0x10, s29;
	s10 =	sshra.s32 s10, $0x2;
	vm0 =	veq.s32 v12, $0x300000;
	v10 =	vor.u32 v11, v10;
	v9 =	vor.u32 $0x100000, v9  }
0x16d: {  	s30 =	sadd.s32 $0x40, s30;
	s11 =	sand.u32 $0x70, s29;
	s12 =	sand.u32 $0xFF00, s28;
	v9 =	vsel vm0, v10, v9  }
0x16e: {  	s11 =	sor.u32 s11, s12;
	[tilespmem:s10+$0x7780] =	vst v9  }
0x16f: {  	v9 =	vld [tilespmem:s11+$0x80];
	_ =	sdelay $0x4  }
0x170: {  	v10 =	vadd.s32 $0xFFD00000, v9  }
0x171: {  	v11 =	vshll.u32 v9, $0xB;
	v10 =	vshrl.u32 v10, $0x2  }
0x172: {  	v12 =	vand.u32 $0xFFF00000, v9;
	v11 =	vand.u32 $0xC0000, v11;
	v10 =	vand.u32 $0x3FFFFF80, v10  }
0x173: {  	v10 =	vadd.s32 v11, v10;
	v11 =	vand.u32 $0x7F, v9;
	v9 =	vand.u32 $0xFFF, v9  }
0x174: {  	vm0 =	veq.s32 v12, $0x300000;
	v10 =	vor.u32 v11, v10;
	v9 =	vor.u32 $0x100000, v9  }
0x175: {  	s30 =	sshra.s32 s26, $0x2;
	v9 =	vsel vm0, v10, v9  }
0x176: {  	[tilespmem:s30+$0x7780] =	vst v9  }
0x177: {  	[spmem:s1] =	stream.indirect.scatter.add.f32 [tilespmem:s18], [sflag:$0x1], $0x1, s17, s16, $0xb8;
	[tilespmem:$0x1E780] =	vst v63  }
0x178: {  	_ =	swait.ge [sflag:s14], $0x2780  }
0x179: {  	[sflag:s14] =	ssyncset.done $0x0  }
0x17a: {  	[sflag:s14] =	ssyncadd.s32 $0xFFFFD880  }
0x17b: {  	[bflag:$0x0] =	sbarrier.arrive $0xFFFF  }
0x17c: {  	s11 =	rddreg [dreg:$0x13]  }
0x17d: {  	[hbm:s11], [sflag:s20] =	dma.local [spmem:s21], $0x800  }
0x17e: {  	_ =	swait.ge [sflag:s14], $0x800  }
0x17f: {  	[sflag:s14] =	ssyncset.done $0x0  }
0x180: {  	s12 =	rddreg [dreg:$0x14];
	[sflag:s14] =	ssyncadd.s32 $0xFFFFF800  }
0x181: {  	[hbm:s12], [sflag:s20] =	dma.local [spmem:s22], $0x800  }
0x182: {  	_ =	swait.ge [sflag:s14], $0x800  }
0x183: {  	[sflag:s14] =	ssyncset.done $0x0  }
0x184: {  	s26 =	rddreg [dreg:$0x15];
	[sflag:s14] =	ssyncadd.s32 $0xFFFFF800  }
0x185: {  	[hbm:s26], [sflag:s20] =	dma.local [spmem:s23], $0x800  }
0x186: {  	_ =	swait.ge [sflag:s14], $0x800  }
0x187: {  	[sflag:s14] =	ssyncset.done $0x0  }
0x188: {  	s30 =	rddreg [dreg:$0x16];
	[sflag:s14] =	ssyncadd.s32 $0xFFFFF800  }
0x189: {  	[hbm:s30], [sflag:s20] =	dma.local [spmem:s24], $0x800  }
0x18a: {  	_ =	swait.ge [sflag:s14], $0x800  }
0x18b: {  	[sflag:s14] =	ssyncset.done $0x0  }
0x18c: {  	[sflag:s14] =	ssyncadd.s32 $0xFFFFF800  }
0x18d: {  	[spmem:s7] =	stream.linear.scatter [tilespmem:s15], [sflag:$0x1], $0x2000, $0x38;
	[tilespmem:$0x1E780] =	vst v63  }
0x18e: {  	_ =	swait.ge [sflag:s14], $0x2000  }
0x18f: {  	[sflag:s14] =	ssyncset.done $0x0  }
0x190: {  	[sflag:s14] =	ssyncadd.s32 $0xFFFFE000  }
0x191: {  	[spmem:s31] =	stream.linear.scatter [tilespmem:s15], [sflag:$0x1], $0x2000, $0x38;
	[tilespmem:$0x1E780] =	vst v63  }
0x192: {  	_ =	swait.ge [sflag:s14], $0x2000  }
0x193: {  	[sflag:s14] =	ssyncset.done $0x0  }
0x194: {  	[sflag:s14] =	ssyncadd.s32 $0xFFFFE000  }
0x195: {  	[spmem:s0] =	stream.linear.scatter [tilespmem:s15], [sflag:$0x1], $0x2000, $0x38;
	[tilespmem:$0x1E780] =	vst v63  }
0x196: {  	_ =	swait.ge [sflag:s14], $0x2000  }
0x197: {  	[sflag:s14] =	ssyncset.done $0x0  }
0x198: {  	[sflag:s14] =	ssyncadd.s32 $0xFFFFE000  }
0x199: {  	[spmem:s2] =	stream.linear.scatter [tilespmem:s15], [sflag:$0x1], $0x2000, $0x38;
	[tilespmem:$0x1E780] =	vst v63  }
0x19a: {  	_ =	swait.ge [sflag:s14], $0x2000  }
0x19b: {  	[sflag:s14] =	ssyncset.done $0x0  }
0x19c: {  	[sflag:s14] =	ssyncadd.s32 $0xFFFFE000  }
0x19d: {  	[spmem:s3] =	stream.linear.scatter [tilespmem:s15], [sflag:$0x1], $0x2000, $0x38;
	[tilespmem:$0x1E780] =	vst v63  }
0x19e: {  	_ =	swait.ge [sflag:s14], $0x2000  }
0x19f: {  	[sflag:s14] =	ssyncset.done $0x0  }
0x1a0: {  	[sflag:s14] =	ssyncadd.s32 $0xFFFFE000  }
0x1a1: {  	[spmem:s5] =	stream.linear.scatter [tilespmem:s15], [sflag:$0x1], $0x2000, $0x38;
	[tilespmem:$0x1E780] =	vst v63  }
0x1a2: {  	_ =	swait.ge [sflag:s14], $0x2000  }
0x1a3: {  	[sflag:s14] =	ssyncset.done $0x0  }
0x1a4: {  	[sflag:s14] =	ssyncadd.s32 $0xFFFFE000  }
0x1a5: {  	[spmem:s6] =	stream.linear.scatter [tilespmem:s15], [sflag:$0x1], $0x2000, $0x38;
	[tilespmem:$0x1E780] =	vst v63  }
0x1a6: {  	_ =	swait.ge [sflag:s14], $0x2000  }
0x1a7: {  	[sflag:s14] =	ssyncset.done $0x0  }
0x1a8: {  	[sflag:s14] =	ssyncadd.s32 $0xFFFFE000  }
0x1a9: {  	[spmem:s8] =	stream.linear.scatter [tilespmem:s15], [sflag:$0x1], $0x2000, $0x38;
	[tilespmem:$0x1E780] =	vst v63  }
0x1aa: {  	_ =	swait.ge [sflag:s14], $0x2000  }
0x1ab: {  	[sflag:s14] =	ssyncset.done $0x0  }
0x1ac: {  	[sflag:s14] =	ssyncadd.s32 $0xFFFFE000  }
0x1ad: {  	[bflag:$0x0] =	sbarrier.arrive $0xFFFF  }
0x1ae: {  	v9 =	vld [tilespmem:s25+$0x80];
	_ =	sdelay $0x4  }
0x1af: {  	v10 =	vadd.s32 $0xFFC00000, v9  }
0x1b0: {  	v11 =	vshll.u32 v9, $0xB;
	v10 =	vshrl.u32 v10, $0x2  }
0x1b1: {  	v63 =	vand.u32 $0xFFF00000, v9;
	v11 =	vand.u32 $0xC0000, v11;
	v10 =	vand.u32 $0x3FFFFF80, v10  }
0x1b2: {  	s10 =	simm.s32 $0x0;
	v10 =	vadd.s32 v11, v10;
	v11 =	vand.u32 $0x7F, v9;
	v9 =	vand.u32 $0xFFF, v9  }
0x1b3: {  	s28 =	sadd.s32 $0x10, s4;
	s29 =	simm.s32 $0x80;
	s26 =	sadd.s32 $0x20, s13;
	vm15 =	veq.s32 v63, $0x400000;
	v10 =	vor.u32 v11, v10;
	v9 =	vor.u32 $0x100000, v9  }
0x1b4: {  	s11 =	sand.u32 $0x70, s28;
	s12 =	sand.u32 $0xFF00, s26;
	s25 =	simm.s32 $0x40;
	v9 =	vsel vm15, v10, v9  }
.LBB2_16:
0x1b5: {  	p0 =	sne.s32 s29, $0x9C00;
	s11 =	sor.u32 s11, s12;
	[tilespmem:s10+$0x7780] =	vst v9;
	s10 =	smov.u32 s25  }
0x1b6: {  	s25 =	smov.u32 s29;
	v9 =	vld [tilespmem:s11+$0x80];
	_ =	sdelay $0x4  }
0x1b7: {  	v10 =	vadd.s32 $0xFFC00000, v9  }
.Ltmp7:
0x1b8: {  	v11 =	vshll.u32 v9, $0xB;
	v10 =	vshrl.u32 v10, $0x2;
	(pc) =	sbr.rel @p0 .LBB2_16-.Ltmp7, $4  }
0x1b9: {  	v12 =	vand.u32 $0xFFF00000, v9;
	v11 =	vand.u32 $0xC0000, v11;
	v10 =	vand.u32 $0x3FFFFF80, v10  }
0x1ba: {  	v10 =	vadd.s32 v11, v10;
	v11 =	vand.u32 $0x7F, v9;
	v9 =	vand.u32 $0xFFF, v9  }
0x1bb: {  	s26 =	sadd.s32 $0x20, s26;
	s28 =	sadd.s32 $0x10, s28;
	s10 =	sshra.s32 s10, $0x2;
	vm0 =	veq.s32 v12, $0x400000;
	v10 =	vor.u32 v11, v10;
	v9 =	vor.u32 $0x100000, v9  }
0x1bc: {  	s29 =	sadd.s32 $0x40, s29;
	s11 =	sand.u32 $0x70, s28;
	s12 =	sand.u32 $0xFF00, s26;
	v9 =	vsel vm0, v10, v9  }
0x1bd: {  	s11 =	sor.u32 s11, s12;
	[tilespmem:s10+$0x7780] =	vst v9  }
0x1be: {  	v9 =	vld [tilespmem:s11+$0x80];
	_ =	sdelay $0x4  }
0x1bf: {  	v10 =	vadd.s32 $0xFFC00000, v9  }
0x1c0: {  	v11 =	vshll.u32 v9, $0xB;
	v10 =	vshrl.u32 v10, $0x2  }
0x1c1: {  	v12 =	vand.u32 $0xFFF00000, v9;
	v11 =	vand.u32 $0xC0000, v11;
	v10 =	vand.u32 $0x3FFFFF80, v10  }
0x1c2: {  	v10 =	vadd.s32 v11, v10;
	v11 =	vand.u32 $0x7F, v9;
	v9 =	vand.u32 $0xFFF, v9  }
0x1c3: {  	vm0 =	veq.s32 v12, $0x400000;
	v10 =	vor.u32 v11, v10;
	v9 =	vor.u32 $0x100000, v9  }
0x1c4: {  	s12 =	sshra.s32 s25, $0x2;
	v9 =	vsel vm0, v10, v9  }
0x1c5: {  	[tilespmem:s12+$0x7780] =	vst v9  }
0x1c6: {  	[spmem:s1] =	stream.indirect.scatter.add.f32 [tilespmem:s18], [sflag:$0x1], $0x1, s17, s16, $0xb8;
	[tilespmem:$0x1E780] =	vst v63  }
0x1c7: {  	_ =	swait.ge [sflag:s14], $0x2780  }
0x1c8: {  	[sflag:s14] =	ssyncset.done $0x0  }
0x1c9: {  	[sflag:s14] =	ssyncadd.s32 $0xFFFFD880  }
0x1ca: {  	[bflag:$0x0] =	sbarrier.arrive $0xFFFF  }
0x1cb: {  	s25 =	rddreg [dreg:$0x17]  }
0x1cc: {  	[hbm:s25], [sflag:s20] =	dma.local [spmem:s21], $0x800  }
0x1cd: {  	_ =	swait.ge [sflag:s14], $0x800  }
0x1ce: {  	[sflag:s14] =	ssyncset.done $0x0  }
0x1cf: {  	s26 =	rddreg [dreg:$0x18];
	[sflag:s14] =	ssyncadd.s32 $0xFFFFF800  }
0x1d0: {  	[hbm:s26], [sflag:s20] =	dma.local [spmem:s22], $0x800  }
0x1d1: {  	_ =	swait.ge [sflag:s14], $0x800  }
0x1d2: {  	[sflag:s14] =	ssyncset.done $0x0  }
0x1d3: {  	s28 =	rddreg [dreg:$0x19];
	[sflag:s14] =	ssyncadd.s32 $0xFFFFF800  }
0x1d4: {  	[hbm:s28], [sflag:s20] =	dma.local [spmem:s23], $0x800  }
0x1d5: {  	_ =	swait.ge [sflag:s14], $0x800  }
0x1d6: {  	[sflag:s14] =	ssyncset.done $0x0  }
0x1d7: {  	s29 =	rddreg [dreg:$0x1a];
	[sflag:s14] =	ssyncadd.s32 $0xFFFFF800  }
0x1d8: {  	[hbm:s29], [sflag:s20] =	dma.local [spmem:s24], $0x800  }
0x1d9: {  	_ =	swait.ge [sflag:s14], $0x800  }
0x1da: {  	s19 =	sadd.s32 $0x1, s19;
	s30 =	rddreg [dreg:$0x1b]  }
0x1db: {  	p0 =	sne.s32 s19, s30  }
.Ltmp8:
0x1dc: {  	_ = 	snop;
	(pc) =	sbr.rel @p0 .LBB2_1-.Ltmp8, $3  }
0x1dd: {  	_ =	sdelay $0x1  }
0x1de: {  	[sflag:s14] =	ssyncset.done $0x0  }
0x1df: {  	[sflag:s14] =	ssyncadd.s32 $0xFFFFF800  }
0x1e0: {  	_ =	sfence.sel $0x180000  }
0x1e1: {  	[bflag:$0x0] =	sbarrier.arrive $0xFFFF  }
0x1e2: {  	_ =	strace $0x90000047  }
0x1e3: {  	s0 =	stileid.u32;
	[bflag:$0x2] =	sbarrier.arrive $0xFFFF  }
0x1e4: {  	p0 =	sne.s32 s0, $0x0;
	s0 =	rddreg [dreg:$0x4]  }
0x1e5: {  	s0 =	sadd.s32 @!p0 $0x100000, s0  }
0x1e6: {  	[sflag:s0] =	ssyncadd.tile.s32 @!p0 $0x1;
	_ =	shalt  }
.Lfunc_end2:
_tile_overlayer_lowered:
.L_overlay_start_2:
0x1e7: {  	(tag) =	ssettag $0x2  }
0x1e8: {  	s0 =	rddreg [dreg:$0x0];
	s2 =	stileid.u32  }
0x1e9: {  	s1 =	rddreg [dreg:$0x1];
	p0 =	sne.s32 s2, $0x0  }
0x1ea: {  	s3 =	rddreg [dreg:$0x2];
	[bflag:$0x3] =	sbarrier.arrive $0xFFFF;
	s2 =	simm.s32 @!p0 $0x1C01  }
0x1eb: {  	[timem:s3], [sflag:s2] =	dma.local @!p0 [hbm:s0], s1  }
0x1ec: {  	s0 =	simm.s32 @!p0 $0x1  }
0x1ed: {  	_ =	swait.ge @!p0 [sflag:s0], s1  }
0x1ee: {  	s1 =	ssub.s32 @!p0 $0x0, s1;
	[sflag:s0] =	ssyncset.done @!p0 $0x0  }
0x1ef: {  	[sflag:s0] =	ssyncadd.s32 @!p0 s1  }
0x1f0: {  	[bflag:$0x3] =	sbarrier.arrive $0xFFFF  }
0x1f1: {  	_ =	shalt  }

</sc_bundles>
